<compile_context>
chip_gen: v7x
topology: tpu7x:2x2x1
jax: 0.10.2.dev20260603
libtpu: 0.0.44.dev20260713+nightly
codegen_flags: <defaults>
</compile_context>

<pallas_src>
import jax
import jax.numpy as jnp
from jax import lax
from jax.experimental import pallas as pl
from jax.experimental.pallas import tpu as pltpu
from jax.experimental.pallas import tpu_sc as plsc

N = 10000
E = 320000
D = 128
G = 128

NS = 16
R = 10112
ROWS_PT = R // NS
XT_PT = 632
RD = 80
EPT = 20480
EPAD = EPT * NS
IB = 2048
SC_ROWS = 128
SUBB = IB // SC_ROWS
NBATCH = EPT // IB
NBUF = 4
HB = NBUF // 2

BN = 1000
NBLK = N // BN


def _sc_agg_kernel(xb_hbm, src_hbm, dst_hbm, zb_hbm, zf_hbm, agg_out, deg_out,
                   x_sh, agg_sh, deg_sh, rows, src_refs, dst_refs,
                   deg_local, iden, gsem, ssem):
    c = lax.axis_index("c")
    s = lax.axis_index("s")

    @pl.when(s < NS - 1)
    def _stage_full():
        pltpu.sync_copy(xb_hbm.at[pl.ds(s * XT_PT, XT_PT)],
                        x_sh.at[pl.ds(s * XT_PT, XT_PT)])

    @pl.when(s == NS - 1)
    def _stage_last():
        pltpu.sync_copy(xb_hbm.at[pl.ds((NS - 1) * XT_PT, N - (NS - 1) * XT_PT)],
                        x_sh.at[pl.ds((NS - 1) * XT_PT, N - (NS - 1) * XT_PT)])

    pltpu.sync_copy(zb_hbm.at[pl.ds(s * ROWS_PT, ROWS_PT)],
                    agg_sh.at[pl.ds(s * ROWS_PT, ROWS_PT)])

    @pl.when(s == 0)
    def _zero_deg():
        pltpu.sync_copy(zf_hbm, deg_sh)

    for i in range(RD // 16):
        iden[pl.ds(i * 16, 16)] = jnp.arange(16, dtype=jnp.int32) + (i * 16)

    zero16 = jnp.zeros((16,), jnp.float32)

    def zbody(i, _):
        for k in range(8):
            deg_local[i, pl.ds(k * 16, 16)] = zero16
        return 0

    lax.fori_loop(0, RD, zbody, 0)
    plsc.subcore_barrier()

    ones16 = jnp.ones((16,), jnp.float32)

    def gather(j):
        return pltpu.async_copy(x_sh.at[src_refs.at[pl.ds(j * SC_ROWS,
                                                          SC_ROWS)]],
                                rows.at[j % NBUF], gsem[j % NBUF])

    def scatter(j):
        return pltpu.async_copy(rows.at[j % NBUF], agg_sh.at[dst_refs.at[j]],
                                ssem[j % NBUF], add=True)

    def deg_update(j):
        for k in range(SC_ROWS // 16):
            dv = dst_refs[j, pl.ds(k * 16, 16)]
            plsc.addupdate_scatter(deg_local, [dv >> 7, dv & 127], ones16)

    def batch(b, _):
        base = pl.multiple_of(s * EPT + b * IB, IB)
        pltpu.sync_copy(src_hbm.at[c, pl.ds(base, IB)], src_refs)
        pltpu.sync_copy(dst_hbm.at[c, pl.ds(pl.multiple_of(base // SC_ROWS,
                                                           SUBB), SUBB)],
                        dst_refs)
        gcp = [None] * SUBB
        scp = [None] * SUBB
        for t in range(HB):
            gcp[t] = gather(t)
        for j in range(SUBB):
            if j + HB < SUBB:
                if j >= HB:
                    scp[j - HB].wait()
                gcp[j + HB] = gather(j + HB)
            gcp[j].wait()
            scp[j] = scatter(j)
            deg_update(j)
        for j in range(max(SUBB - 2 * HB, 0), SUBB):
            scp[j].wait()
        return 0

    lax.fori_loop(0, NBATCH, batch, 0)

    pltpu.sync_copy(deg_local, deg_sh.at[iden], add=True)
    plsc.subcore_barrier()

    pltpu.sync_copy(agg_sh.at[pl.ds(s * ROWS_PT, ROWS_PT)],
                    agg_out.at[c, pl.ds(s * ROWS_PT, ROWS_PT)])

    @pl.when(s == 0)
    def _deg_out():
        pltpu.sync_copy(deg_sh, deg_out.at[c])


def _sc_agg(xb, src2, dst2, zb, zf):
    mesh = plsc.VectorSubcoreMesh(core_axis_name="c", subcore_axis_name="s")
    f = pl.kernel(
        _sc_agg_kernel,
        out_type=(jax.ShapeDtypeStruct((2, R, D), jnp.bfloat16),
                  jax.ShapeDtypeStruct((2, RD, 128), jnp.float32)),
        mesh=mesh,
        scratch_types=[
            pltpu.VMEM_SHARED((N, D), jnp.bfloat16),
            pltpu.VMEM_SHARED((R, D), jnp.bfloat16),
            pltpu.VMEM_SHARED((RD, 128), jnp.float32),
            pltpu.VMEM((NBUF, SC_ROWS, D), jnp.bfloat16),
            pltpu.VMEM((IB,), jnp.int32),
            pltpu.VMEM((SUBB, SC_ROWS), jnp.int32),
            pltpu.VMEM((RD, 128), jnp.float32),
            pltpu.VMEM((RD,), jnp.int32),
            [pltpu.SemaphoreType.DMA for _ in range(NBUF)],
            [pltpu.SemaphoreType.DMA for _ in range(NBUF)],
        ],
        compiler_params=pltpu.CompilerParams(needs_layout_passes=False,
                                             use_tc_tiling_on_sc=False),
    )
    return f(xb, src2, dst2, zb, zf)


def _tc_body(xb, aggb, degb, bb, w1, w2, out, acc1, acc2, cnt):
    i = pl.program_id(0)

    @pl.when(i == 0)
    def _init():
        acc1[...] = jnp.zeros_like(acc1)
        acc2[...] = jnp.zeros_like(acc2)
        cnt[...] = jnp.zeros_like(cnt)

    x = xb[...]
    d1 = jnp.maximum(degb[:, 0:1], 1.0)
    d2 = jnp.maximum(degb[:, 1:2], 1.0)
    m1 = x + aggb[0].astype(jnp.float32) / d1
    m2 = x + aggb[1].astype(jnp.float32) / d2
    r1 = jnp.maximum(jnp.dot(m1, w1[...], preferred_element_type=jnp.float32), 0.0)
    r2 = jnp.maximum(jnp.dot(m2, w2[...], preferred_element_type=jnp.float32), 0.0)

    b = bb[0]
    rows_id = lax.broadcasted_iota(jnp.int32, (G, BN), 0)
    p = (rows_id == b).astype(jnp.float32)
    acc1[...] += jnp.dot(p, r1, preferred_element_type=jnp.float32)
    acc2[...] += jnp.dot(p, r2, preferred_element_type=jnp.float32)
    cnt[...] += jnp.broadcast_to(jnp.sum(p, axis=1, keepdims=True), (G, 128))

    @pl.when(i == NBLK - 1)
    def _fin():
        cs = jnp.maximum(cnt[:, 0:1], 1.0)
        out[...] = jnp.concatenate(
            [acc1[:, :D] / cs, acc2[:, :D] / cs,
             acc1[:, D:] / cs, acc2[:, D:] / cs], axis=1)


def _tc_encode_pool(x, agg, deg2, batch3d, w1, w2):
    return pl.pallas_call(
        _tc_body,
        grid=(NBLK,),
        in_specs=[
            pl.BlockSpec((BN, D), lambda i: (i, 0)),
            pl.BlockSpec((2, BN, D), lambda i: (0, i, 0)),
            pl.BlockSpec((BN, 2), lambda i: (i, 0)),
            pl.BlockSpec((1, 1, BN), lambda i: (i, 0, 0)),
            pl.BlockSpec((D, 2 * D), lambda i: (0, 0)),
            pl.BlockSpec((D, 2 * D), lambda i: (0, 0)),
        ],
        out_specs=pl.BlockSpec((G, 4 * D), lambda i: (0, 0)),
        out_shape=jax.ShapeDtypeStruct((G, 4 * D), jnp.float32),
        scratch_shapes=[
            pltpu.VMEM((G, 2 * D), jnp.float32),
            pltpu.VMEM((G, 2 * D), jnp.float32),
            pltpu.VMEM((G, 128), jnp.float32),
        ],
    )(x, agg, deg2, batch3d, w1, w2)


def kernel(x, edge_index1, edge_index2, batch, W_c1, W_h1, W_c2, W_h2):
    x = x.astype(jnp.float32)
    xb = x.astype(jnp.bfloat16)

    pad_s = jnp.zeros((EPAD - E,), jnp.int32)
    pad_d = jnp.full((EPAD - E,), N, jnp.int32)
    src2 = jnp.stack([
        jnp.concatenate([edge_index1[0].astype(jnp.int32), pad_s]),
        jnp.concatenate([edge_index2[0].astype(jnp.int32), pad_s]),
    ])
    dst2 = jnp.stack([
        jnp.concatenate([edge_index1[1].astype(jnp.int32), pad_d]),
        jnp.concatenate([edge_index2[1].astype(jnp.int32), pad_d]),
    ]).reshape(2, EPAD // SC_ROWS, SC_ROWS)
    zb = jnp.zeros((R, D), jnp.bfloat16)
    zf = jnp.zeros((RD, 128), jnp.float32)

    agg, deg = _sc_agg(xb, src2, dst2, zb, zf)

    degf = deg.reshape(2, RD * 128)[:, :N]
    deg2 = jnp.stack([degf[0], degf[1]], axis=1)
    batch3d = batch.astype(jnp.int32).reshape(NBLK, 1, BN)
    w1 = jnp.concatenate([W_c1, W_h1], axis=1).astype(jnp.float32)
    w2 = jnp.concatenate([W_c2, W_h2], axis=1).astype(jnp.float32)
    return _tc_encode_pool(x, agg, deg2, batch3d, w1, w2)

# --- scband reference (transcript-rebuilt; emitter-appended) ---
"""Pipeline reference for scband-mvgib-27479200759810 (READ-ONLY COPY).

The authoritative reference and input builder live on the scoring server;
editing this copy changes nothing except your own understanding.
"""

import jax, jax.numpy as jnp
import numpy as np

N = 10000   # nodes
E = 320000  # edges per view
D = 128     # feature dim
G = 128     # graphs in batch


def setup_inputs(seed: int = 0) -> dict:
    key = jax.random.key(seed)
    ks = jax.random.split(key, 8)
    x = jax.random.normal(ks[0], (N, D), dtype=jnp.float32)
    edge_index1 = jax.random.randint(ks[1], (2, E), 0, N, dtype=jnp.int64)
    edge_index2 = jax.random.randint(ks[2], (2, E), 0, N, dtype=jnp.int64)
    batch = jnp.sort(jax.random.randint(ks[3], (N,), 0, G, dtype=jnp.int64))
    W_c1 = jax.random.normal(ks[4], (D, D), dtype=jnp.float32) * 0.05
    W_h1 = jax.random.normal(ks[5], (D, D), dtype=jnp.float32) * 0.05
    W_c2 = jax.random.normal(ks[6], (D, D), dtype=jnp.float32) * 0.05
    W_h2 = jax.random.normal(ks[7], (D, D), dtype=jnp.float32) * 0.05
    return {"x": x, "edge_index1": edge_index1, "edge_index2": edge_index2,
            "batch": batch, "W_c1": W_c1, "W_h1": W_h1, "W_c2": W_c2, "W_h2": W_h2}


def _gcn_encode_pool(x, edge_index, batch, W):
    # one mean-aggregation GCN layer followed by global mean pooling per graph
    src = edge_index[0]
    dst = edge_index[1]
    msgs = x[src]                                            # gather (memory-bound)
    agg = jax.ops.segment_sum(msgs, dst, num_segments=N)     # scatter-add
    deg = jax.ops.segment_sum(jnp.ones((E,), dtype=x.dtype), dst, num_segments=N)
    h = jax.nn.relu((x + agg / jnp.maximum(deg, 1.0)[:, None]) @ W)
    g_sum = jax.ops.segment_sum(h, batch, num_segments=G)    # graph pooling
    cnt = jax.ops.segment_sum(jnp.ones((N,), dtype=x.dtype), batch, num_segments=G)
    return g_sum / jnp.maximum(cnt, 1.0)[:, None]


def reference(x, edge_index1, edge_index2, batch, W_c1, W_h1, W_c2, W_h2):
    # MVGIB.forward in eval mode: four encoders over two graph views, concat
    c1 = _gcn_encode_pool(x, edge_index1, batch, W_c1)
    c2 = _gcn_encode_pool(x, edge_index2, batch, W_c2)
    h1 = _gcn_encode_pool(x, edge_index1, batch, W_h1)
    h2 = _gcn_encode_pool(x, edge_index2, batch, W_h2)
    return jnp.concatenate([c1, c2, h1, h2], axis=-1)

if __name__ == "__main__":
    import jax
    _d = setup_inputs()
    print(jax.jit(kernel)(*tuple(_d.values())))

</pallas_src>

<mosaic_0001>
#map = affine_map<(d0, d1) -> (0, 0)>
#map1 = affine_map<(d0, d1) -> (0, 0, 0)>
module attributes {stable_mosaic.version = 14 : i64} {
  func.func @_sc_agg_kernel(%arg0: i32, %arg1: i32, %arg2: memref<10000x128xbf16, #tpu.memory_space<hbm>>, %arg3: memref<2x327680xi32, #tpu.memory_space<hbm>>, %arg4: memref<2x2560x128xi32, #tpu.memory_space<hbm>>, %arg5: memref<10112x128xbf16, #tpu.memory_space<hbm>>, %arg6: memref<80x128xf32, #tpu.memory_space<hbm>>, %arg7: memref<2x10112x128xbf16, #tpu.memory_space<hbm>>, %arg8: memref<2x80x128xf32, #tpu.memory_space<hbm>>, %arg9: memref<10000x128xbf16, #tpu.memory_space<vmem_shared>>, %arg10: memref<10112x128xbf16, #tpu.memory_space<vmem_shared>>, %arg11: memref<80x128xf32, #tpu.memory_space<vmem_shared>>, %arg12: memref<4x128x128xbf16, #tpu.memory_space<vmem>>, %arg13: memref<2048xi32, #tpu.memory_space<vmem>>, %arg14: memref<16x128xi32, #tpu.memory_space<vmem>>, %arg15: memref<80x128xf32, #tpu.memory_space<vmem>>, %arg16: memref<80xi32, #tpu.memory_space<vmem>>, %arg17: memref<!tpu.dma_semaphore, #tpu.memory_space<semaphore_mem>>, %arg18: memref<!tpu.dma_semaphore, #tpu.memory_space<semaphore_mem>>, %arg19: memref<!tpu.dma_semaphore, #tpu.memory_space<semaphore_mem>>, %arg20: memref<!tpu.dma_semaphore, #tpu.memory_space<semaphore_mem>>, %arg21: memref<!tpu.dma_semaphore, #tpu.memory_space<semaphore_mem>>, %arg22: memref<!tpu.dma_semaphore, #tpu.memory_space<semaphore_mem>>, %arg23: memref<!tpu.dma_semaphore, #tpu.memory_space<semaphore_mem>>, %arg24: memref<!tpu.dma_semaphore, #tpu.memory_space<semaphore_mem>>) attributes {dimension_semantics = [#tpu.dimension_semantics<core_parallel>, #tpu.dimension_semantics<subcore_parallel>], iteration_bounds = array<i64: 2, 16>, scalar_prefetch = 0 : i64, scratch_operands = 16 : i64, tpu.core_type = #tpu.core_type<sc_vector_subcore>, window_params = [{transform_indices = #map}, {transform_indices = #map}, {transform_indices = #map1}, {transform_indices = #map}, {transform_indices = #map}, {transform_indices = #map1}, {transform_indices = #map1}]} {
    %lt3A = arith.constant 15 : i32
    %lt3A_0 = arith.cmpi slt, %arg1, %lt3A : i32
    %convert_element_type3A = arith.extui %lt3A_0 : i1 to i32
    %cond3A = arith.constant 0 : i32
    %cond3A_1 = arith.cmpi ne, %convert_element_type3A, %cond3A : i32
    scf.if %cond3A_1 {
      %mul3A_67 = arith.constant 632 : i32
      %mul3A_68 = arith.muli %arg1, %mul3A_67 : i32
      %mul3A_69 = arith.constant 632 : i32
      %mul3A_70 = arith.muli %arg1, %mul3A_69 : i32
      "tpu.region"() ({
        %run_scoped3A = tpu.sem_alloc : memref<!tpu.dma_semaphore, #tpu.memory_space<semaphore_mem>>
        %dma_start3A = arith.constant 0 : i32
        %dma_start3A_71 = tpu.memref_slice %arg9[%mul3A_70, %dma_start3A] : memref<10000x128xbf16, #tpu.memory_space<vmem_shared>> -> memref<632x128xbf16, #tpu.memory_space<vmem_shared>>
        %dma_start3A_72 = arith.constant 0 : i32
        %dma_start3A_73 = tpu.memref_slice %arg2[%mul3A_68, %dma_start3A_72] : memref<10000x128xbf16, #tpu.memory_space<hbm>> -> memref<632x128xbf16, #tpu.memory_space<hbm>>
        tpu.enqueue_dma source(%dma_start3A_73 : memref<632x128xbf16, #tpu.memory_space<hbm>>) target(%dma_start3A_71 : memref<632x128xbf16, #tpu.memory_space<vmem_shared>>) target_semaphore(%run_scoped3A : memref<!tpu.dma_semaphore, #tpu.memory_space<semaphore_mem>>)
        %dma_wait3A = arith.constant 0 : i32
        %dma_wait3A_74 = tpu.memref_slice %arg9[%mul3A_70, %dma_wait3A] : memref<10000x128xbf16, #tpu.memory_space<vmem_shared>> -> memref<632x128xbf16, #tpu.memory_space<vmem_shared>>
        %dma_wait3A_75 = arith.constant 0 : i32
        %dma_wait3A_76 = tpu.memref_slice %arg2[%mul3A_68, %dma_wait3A_75] : memref<10000x128xbf16, #tpu.memory_space<hbm>> -> memref<632x128xbf16, #tpu.memory_space<hbm>>
        tpu.wait_dma2 semaphore(%run_scoped3A : memref<!tpu.dma_semaphore, #tpu.memory_space<semaphore_mem>>) src(%dma_wait3A_76 : memref<632x128xbf16, #tpu.memory_space<hbm>>) dst(%dma_wait3A_74 : memref<632x128xbf16, #tpu.memory_space<vmem_shared>>)
        tpu.yield
      }) : () -> ()
    } else {
    }
    %eq3A = arith.constant 15 : i32
    %eq3A_2 = arith.cmpi eq, %arg1, %eq3A : i32
    %convert_element_type3A_3 = arith.extui %eq3A_2 : i1 to i32
    %cond3A_4 = arith.constant 0 : i32
    %cond3A_5 = arith.cmpi ne, %convert_element_type3A_3, %cond3A_4 : i32
    scf.if %cond3A_5 {
      "tpu.region"() ({
        %run_scoped3A = tpu.sem_alloc : memref<!tpu.dma_semaphore, #tpu.memory_space<semaphore_mem>>
        %dma_start3A = arith.constant 9480 : i32
        %dma_start3A_67 = arith.constant 0 : i32
        %dma_start3A_68 = tpu.memref_slice %arg9[%dma_start3A, %dma_start3A_67] : memref<10000x128xbf16, #tpu.memory_space<vmem_shared>> -> memref<520x128xbf16, #tpu.memory_space<vmem_shared>>
        %dma_start3A_69 = arith.constant 9480 : i32
        %dma_start3A_70 = arith.constant 0 : i32
        %dma_start3A_71 = tpu.memref_slice %arg2[%dma_start3A_69, %dma_start3A_70] : memref<10000x128xbf16, #tpu.memory_space<hbm>> -> memref<520x128xbf16, #tpu.memory_space<hbm>>
        tpu.enqueue_dma source(%dma_start3A_71 : memref<520x128xbf16, #tpu.memory_space<hbm>>) target(%dma_start3A_68 : memref<520x128xbf16, #tpu.memory_space<vmem_shared>>) target_semaphore(%run_scoped3A : memref<!tpu.dma_semaphore, #tpu.memory_space<semaphore_mem>>)
        %dma_wait3A = arith.constant 9480 : i32
        %dma_wait3A_72 = arith.constant 0 : i32
        %dma_wait3A_73 = tpu.memref_slice %arg9[%dma_wait3A, %dma_wait3A_72] : memref<10000x128xbf16, #tpu.memory_space<vmem_shared>> -> memref<520x128xbf16, #tpu.memory_space<vmem_shared>>
        %dma_wait3A_74 = arith.constant 9480 : i32
        %dma_wait3A_75 = arith.constant 0 : i32
        %dma_wait3A_76 = tpu.memref_slice %arg2[%dma_wait3A_74, %dma_wait3A_75] : memref<10000x128xbf16, #tpu.memory_space<hbm>> -> memref<520x128xbf16, #tpu.memory_space<hbm>>
        tpu.wait_dma2 semaphore(%run_scoped3A : memref<!tpu.dma_semaphore, #tpu.memory_space<semaphore_mem>>) src(%dma_wait3A_76 : memref<520x128xbf16, #tpu.memory_space<hbm>>) dst(%dma_wait3A_73 : memref<520x128xbf16, #tpu.memory_space<vmem_shared>>)
        tpu.yield
      }) : () -> ()
    } else {
    }
    %mul3A = arith.constant 632 : i32
    %mul3A_6 = arith.muli %arg1, %mul3A : i32
    %mul3A_7 = arith.constant 632 : i32
    %mul3A_8 = arith.muli %arg1, %mul3A_7 : i32
    "tpu.region"() ({
      %run_scoped3A = tpu.sem_alloc : memref<!tpu.dma_semaphore, #tpu.memory_space<semaphore_mem>>
      %dma_start3A = arith.constant 0 : i32
      %dma_start3A_67 = tpu.memref_slice %arg10[%mul3A_8, %dma_start3A] : memref<10112x128xbf16, #tpu.memory_space<vmem_shared>> -> memref<632x128xbf16, #tpu.memory_space<vmem_shared>>
      %dma_start3A_68 = arith.constant 0 : i32
      %dma_start3A_69 = tpu.memref_slice %arg5[%mul3A_6, %dma_start3A_68] : memref<10112x128xbf16, #tpu.memory_space<hbm>> -> memref<632x128xbf16, #tpu.memory_space<hbm>>
      tpu.enqueue_dma source(%dma_start3A_69 : memref<632x128xbf16, #tpu.memory_space<hbm>>) target(%dma_start3A_67 : memref<632x128xbf16, #tpu.memory_space<vmem_shared>>) target_semaphore(%run_scoped3A : memref<!tpu.dma_semaphore, #tpu.memory_space<semaphore_mem>>)
      %dma_wait3A = arith.constant 0 : i32
      %dma_wait3A_70 = tpu.memref_slice %arg10[%mul3A_8, %dma_wait3A] : memref<10112x128xbf16, #tpu.memory_space<vmem_shared>> -> memref<632x128xbf16, #tpu.memory_space<vmem_shared>>
      %dma_wait3A_71 = arith.constant 0 : i32
      %dma_wait3A_72 = tpu.memref_slice %arg5[%mul3A_6, %dma_wait3A_71] : memref<10112x128xbf16, #tpu.memory_space<hbm>> -> memref<632x128xbf16, #tpu.memory_space<hbm>>
      tpu.wait_dma2 semaphore(%run_scoped3A : memref<!tpu.dma_semaphore, #tpu.memory_space<semaphore_mem>>) src(%dma_wait3A_72 : memref<632x128xbf16, #tpu.memory_space<hbm>>) dst(%dma_wait3A_70 : memref<632x128xbf16, #tpu.memory_space<vmem_shared>>)
      tpu.yield
    }) : () -> ()
    %eq3A_9 = arith.constant 0 : i32
    %eq3A_10 = arith.cmpi eq, %arg1, %eq3A_9 : i32
    %convert_element_type3A_11 = arith.extui %eq3A_10 : i1 to i32
    %cond3A_12 = arith.constant 0 : i32
    %cond3A_13 = arith.cmpi ne, %convert_element_type3A_11, %cond3A_12 : i32
    scf.if %cond3A_13 {
      "tpu.region"() ({
        %run_scoped3A = tpu.sem_alloc : memref<!tpu.dma_semaphore, #tpu.memory_space<semaphore_mem>>
        tpu.enqueue_dma source(%arg6 : memref<80x128xf32, #tpu.memory_space<hbm>>) target(%arg11 : memref<80x128xf32, #tpu.memory_space<vmem_shared>>) target_semaphore(%run_scoped3A : memref<!tpu.dma_semaphore, #tpu.memory_space<semaphore_mem>>)
        tpu.wait_dma2 semaphore(%run_scoped3A : memref<!tpu.dma_semaphore, #tpu.memory_space<semaphore_mem>>) src(%arg6 : memref<80x128xf32, #tpu.memory_space<hbm>>) dst(%arg11 : memref<80x128xf32, #tpu.memory_space<vmem_shared>>)
        tpu.yield
      }) : () -> ()
    } else {
    }
    %iota3A = tpu.iota {dimensions = array<i32: 0>} : vector<16xi32>
    %add3A = arith.constant 0 : i32
    %add3A_14 = vector.broadcast %add3A : i32 to vector<16xi32>
    %add3A_15 = arith.addi %iota3A, %add3A_14 : vector<16xi32>
    %swap3A = arith.constant 0 : index
    %swap3A_16 = tpu.vector_load %arg16[%swap3A] {strides = array<i32>} : memref<80xi32, #tpu.memory_space<vmem>>, vector<16xi32>,
    tpu.vector_store %arg16[%swap3A], %add3A_15 {strides = array<i32>} : memref<80xi32, #tpu.memory_space<vmem>>, vector<16xi32>,
    %iota3A_17 = tpu.iota {dimensions = array<i32: 0>} : vector<16xi32>
    %add3A_18 = arith.constant 16 : i32
    %add3A_19 = vector.broadcast %add3A_18 : i32 to vector<16xi32>
    %add3A_20 = arith.addi %iota3A_17, %add3A_19 : vector<16xi32>
    %swap3A_21 = arith.constant 16 : index
    %swap3A_22 = tpu.vector_load %arg16[%swap3A_21] {strides = array<i32>} : memref<80xi32, #tpu.memory_space<vmem>>, vector<16xi32>,
    tpu.vector_store %arg16[%swap3A_21], %add3A_20 {strides = array<i32>} : memref<80xi32, #tpu.memory_space<vmem>>, vector<16xi32>,
    %iota3A_23 = tpu.iota {dimensions = array<i32: 0>} : vector<16xi32>
    %add3A_24 = arith.constant 32 : i32
    %add3A_25 = vector.broadcast %add3A_24 : i32 to vector<16xi32>
    %add3A_26 = arith.addi %iota3A_23, %add3A_25 : vector<16xi32>
    %swap3A_27 = arith.constant 32 : index
    %swap3A_28 = tpu.vector_load %arg16[%swap3A_27] {strides = array<i32>} : memref<80xi32, #tpu.memory_space<vmem>>, vector<16xi32>,
    tpu.vector_store %arg16[%swap3A_27], %add3A_26 {strides = array<i32>} : memref<80xi32, #tpu.memory_space<vmem>>, vector<16xi32>,
    %iota3A_29 = tpu.iota {dimensions = array<i32: 0>} : vector<16xi32>
    %add3A_30 = arith.constant 48 : i32
    %add3A_31 = vector.broadcast %add3A_30 : i32 to vector<16xi32>
    %add3A_32 = arith.addi %iota3A_29, %add3A_31 : vector<16xi32>
    %swap3A_33 = arith.constant 48 : index
    %swap3A_34 = tpu.vector_load %arg16[%swap3A_33] {strides = array<i32>} : memref<80xi32, #tpu.memory_space<vmem>>, vector<16xi32>,
    tpu.vector_store %arg16[%swap3A_33], %add3A_32 {strides = array<i32>} : memref<80xi32, #tpu.memory_space<vmem>>, vector<16xi32>,
    %iota3A_35 = tpu.iota {dimensions = array<i32: 0>} : vector<16xi32>
    %add3A_36 = arith.constant 64 : i32
    %add3A_37 = vector.broadcast %add3A_36 : i32 to vector<16xi32>
    %add3A_38 = arith.addi %iota3A_35, %add3A_37 : vector<16xi32>
    %swap3A_39 = arith.constant 64 : index
    %swap3A_40 = tpu.vector_load %arg16[%swap3A_39] {strides = array<i32>} : memref<80xi32, #tpu.memory_space<vmem>>, vector<16xi32>,
    tpu.vector_store %arg16[%swap3A_39], %add3A_38 {strides = array<i32>} : memref<80xi32, #tpu.memory_space<vmem>>, vector<16xi32>,
    %broadcast_in_dim3A = arith.constant 0.000000e+00 : f32
    %broadcast_in_dim3A_41 = vector.broadcast %broadcast_in_dim3A : f32 to vector<16xf32>
    %scan3A = arith.constant 0 : i32
    %scan3A_42 = arith.constant 0 : i32
    %scan3A_43 = arith.constant 80 : i32
    %scan3A_44 = arith.addi %scan3A_42, %scan3A_43 : i32
    %scan3A_45 = arith.constant 1 : i32
    %scan3A_46 = scf.for %scan3A_67 = %scan3A_42 to %scan3A_44 step %scan3A_45 iter_args(%scan3A_68 = %scan3A) -> (i32)  : i32 {
      %swap3A_69 = arith.index_cast %scan3A_67 : i32 to index
      %swap3A_70 = arith.constant 0 : index
      %swap3A_71 = tpu.vector_load %arg15[%swap3A_69, %swap3A_70] {strides = array<i32>} : memref<80x128xf32, #tpu.memory_space<vmem>>, vector<16xf32>,
      tpu.vector_store %arg15[%swap3A_69, %swap3A_70], %broadcast_in_dim3A_41 {strides = array<i32>} : memref<80x128xf32, #tpu.memory_space<vmem>>, vector<16xf32>,
      %swap3A_72 = arith.index_cast %scan3A_67 : i32 to index
      %swap3A_73 = arith.constant 16 : index
      %swap3A_74 = tpu.vector_load %arg15[%swap3A_72, %swap3A_73] {strides = array<i32>} : memref<80x128xf32, #tpu.memory_space<vmem>>, vector<16xf32>,
      tpu.vector_store %arg15[%swap3A_72, %swap3A_73], %broadcast_in_dim3A_41 {strides = array<i32>} : memref<80x128xf32, #tpu.memory_space<vmem>>, vector<16xf32>,
      %swap3A_75 = arith.index_cast %scan3A_67 : i32 to index
      %swap3A_76 = arith.constant 32 : index
      %swap3A_77 = tpu.vector_load %arg15[%swap3A_75, %swap3A_76] {strides = array<i32>} : memref<80x128xf32, #tpu.memory_space<vmem>>, vector<16xf32>,
      tpu.vector_store %arg15[%swap3A_75, %swap3A_76], %broadcast_in_dim3A_41 {strides = array<i32>} : memref<80x128xf32, #tpu.memory_space<vmem>>, vector<16xf32>,
      %swap3A_78 = arith.index_cast %scan3A_67 : i32 to index
      %swap3A_79 = arith.constant 48 : index
      %swap3A_80 = tpu.vector_load %arg15[%swap3A_78, %swap3A_79] {strides = array<i32>} : memref<80x128xf32, #tpu.memory_space<vmem>>, vector<16xf32>,
      tpu.vector_store %arg15[%swap3A_78, %swap3A_79], %broadcast_in_dim3A_41 {strides = array<i32>} : memref<80x128xf32, #tpu.memory_space<vmem>>, vector<16xf32>,
      %swap3A_81 = arith.index_cast %scan3A_67 : i32 to index
      %swap3A_82 = arith.constant 64 : index
      %swap3A_83 = tpu.vector_load %arg15[%swap3A_81, %swap3A_82] {strides = array<i32>} : memref<80x128xf32, #tpu.memory_space<vmem>>, vector<16xf32>,
      tpu.vector_store %arg15[%swap3A_81, %swap3A_82], %broadcast_in_dim3A_41 {strides = array<i32>} : memref<80x128xf32, #tpu.memory_space<vmem>>, vector<16xf32>,
      %swap3A_84 = arith.index_cast %scan3A_67 : i32 to index
      %swap3A_85 = arith.constant 80 : index
      %swap3A_86 = tpu.vector_load %arg15[%swap3A_84, %swap3A_85] {strides = array<i32>} : memref<80x128xf32, #tpu.memory_space<vmem>>, vector<16xf32>,
      tpu.vector_store %arg15[%swap3A_84, %swap3A_85], %broadcast_in_dim3A_41 {strides = array<i32>} : memref<80x128xf32, #tpu.memory_space<vmem>>, vector<16xf32>,
      %swap3A_87 = arith.index_cast %scan3A_67 : i32 to index
      %swap3A_88 = arith.constant 96 : index
      %swap3A_89 = tpu.vector_load %arg15[%swap3A_87, %swap3A_88] {strides = array<i32>} : memref<80x128xf32, #tpu.memory_space<vmem>>, vector<16xf32>,
      tpu.vector_store %arg15[%swap3A_87, %swap3A_88], %broadcast_in_dim3A_41 {strides = array<i32>} : memref<80x128xf32, #tpu.memory_space<vmem>>, vector<16xf32>,
      %swap3A_90 = arith.index_cast %scan3A_67 : i32 to index
      %swap3A_91 = arith.constant 112 : index
      %swap3A_92 = tpu.vector_load %arg15[%swap3A_90, %swap3A_91] {strides = array<i32>} : memref<80x128xf32, #tpu.memory_space<vmem>>, vector<16xf32>,
      tpu.vector_store %arg15[%swap3A_90, %swap3A_91], %broadcast_in_dim3A_41 {strides = array<i32>} : memref<80x128xf32, #tpu.memory_space<vmem>>, vector<16xf32>,
      %scan3A_93 = arith.constant 0 : i32
      scf.yield %scan3A_93 : i32
    }
    %scan3A_47 = arith.constant 80 : i32
    %barrier3A = arith.constant 0 : index
    tpu.barrier barrier_id(%barrier3A)
    %broadcast_in_dim3A_48 = arith.constant 1.000000e+00 : f32
    %broadcast_in_dim3A_49 = vector.broadcast %broadcast_in_dim3A_48 : f32 to vector<16xf32>
    %scan3A_50 = arith.constant 0 : i32
    %scan3A_51 = arith.constant 0 : i32
    %scan3A_52 = arith.constant 10 : i32
    %scan3A_53 = arith.addi %scan3A_51, %scan3A_52 : i32
    %scan3A_54 = arith.constant 1 : i32
    %scan3A_55 = scf.for %scan3A_67 = %scan3A_51 to %scan3A_53 step %scan3A_54 iter_args(%scan3A_68 = %scan3A_50) -> (i32)  : i32 {
      %mul3A_69 = arith.constant 20480 : i32
      %mul3A_70 = arith.muli %arg1, %mul3A_69 : i32
      %mul3A_71 = arith.constant 2048 : i32
      %mul3A_72 = arith.muli %scan3A_67, %mul3A_71 : i32
      %add3A_73 = arith.addi %mul3A_70, %mul3A_72 : i32
      %multiple_of3A = tpu.assume_multiple %add3A_73, 2048 : i32
      "tpu.region"() ({
        %run_scoped3A = tpu.sem_alloc : memref<!tpu.dma_semaphore, #tpu.memory_space<semaphore_mem>>
        %dma_start3A_2072 = tpu.memref_slice %arg3[%arg0, %multiple_of3A] : memref<2x327680xi32, #tpu.memory_space<hbm>> -> memref<1x2048xi32, #tpu.memory_space<hbm>>
        %dma_start3A_2073 = tpu.memref_squeeze %dma_start3A_2072 : memref<1x2048xi32, #tpu.memory_space<hbm>> -> memref<2048xi32, #tpu.memory_space<hbm>>
        %dma_start3A_2074 = tpu.memref_slice %arg3[%arg0, %multiple_of3A] : memref<2x327680xi32, #tpu.memory_space<hbm>> -> memref<1x2048xi32, #tpu.memory_space<hbm>>
        %dma_start3A_2075 = tpu.memref_squeeze %dma_start3A_2074 : memref<1x2048xi32, #tpu.memory_space<hbm>> -> memref<2048xi32, #tpu.memory_space<hbm>>
        tpu.enqueue_dma source(%dma_start3A_2075 : memref<2048xi32, #tpu.memory_space<hbm>>) target(%arg13 : memref<2048xi32, #tpu.memory_space<vmem>>) target_semaphore(%run_scoped3A : memref<!tpu.dma_semaphore, #tpu.memory_space<semaphore_mem>>)
        %dma_wait3A_2076 = tpu.memref_slice %arg3[%arg0, %multiple_of3A] : memref<2x327680xi32, #tpu.memory_space<hbm>> -> memref<1x2048xi32, #tpu.memory_space<hbm>>
        %dma_wait3A_2077 = tpu.memref_squeeze %dma_wait3A_2076 : memref<1x2048xi32, #tpu.memory_space<hbm>> -> memref<2048xi32, #tpu.memory_space<hbm>>
        %dma_wait3A_2078 = tpu.memref_slice %arg3[%arg0, %multiple_of3A] : memref<2x327680xi32, #tpu.memory_space<hbm>> -> memref<1x2048xi32, #tpu.memory_space<hbm>>
        %dma_wait3A_2079 = tpu.memref_squeeze %dma_wait3A_2078 : memref<1x2048xi32, #tpu.memory_space<hbm>> -> memref<2048xi32, #tpu.memory_space<hbm>>
        tpu.wait_dma2 semaphore(%run_scoped3A : memref<!tpu.dma_semaphore, #tpu.memory_space<semaphore_mem>>) src(%dma_wait3A_2079 : memref<2048xi32, #tpu.memory_space<hbm>>) dst(%arg13 : memref<2048xi32, #tpu.memory_space<vmem>>)
        tpu.yield
      }) : () -> ()
      %jit3A = arith.constant 128 : i32
      %div3A = arith.divsi %multiple_of3A, %jit3A : i32
      %sign3A = arith.constant 0 : i32
      %sign3A_74 = arith.cmpi sgt, %multiple_of3A, %sign3A : i32
      %sign3A_75 = arith.extui %sign3A_74 : i1 to i32
      %sign3A_76 = arith.constant 0 : i32
      %sign3A_77 = arith.cmpi slt, %multiple_of3A, %sign3A_76 : i32
      %sign3A_78 = arith.extui %sign3A_77 : i1 to i32
      %sign3A_79 = arith.subi %sign3A_75, %sign3A_78 : i32
      %sign3A_80 = arith.constant 0 : i32
      %sign3A_81 = arith.cmpi sgt, %jit3A, %sign3A_80 : i32
      %sign3A_82 = arith.extui %sign3A_81 : i1 to i32
      %sign3A_83 = arith.constant 0 : i32
      %sign3A_84 = arith.cmpi slt, %jit3A, %sign3A_83 : i32
      %sign3A_85 = arith.extui %sign3A_84 : i1 to i32
      %sign3A_86 = arith.subi %sign3A_82, %sign3A_85 : i32
      %ne3A = arith.cmpi ne, %sign3A_79, %sign3A_86 : i32
      %rem3A = arith.remsi %multiple_of3A, %jit3A : i32
      %ne3A_87 = arith.constant 0 : i32
      %ne3A_88 = arith.cmpi ne, %rem3A, %ne3A_87 : i32
      %and3A = arith.andi %ne3A, %ne3A_88 : i1
      %sub3A = arith.constant 1 : i32
      %sub3A_89 = arith.subi %div3A, %sub3A : i32
      %select_n3A = arith.select %and3A, %sub3A_89, %div3A : i32
      %multiple_of3A_90 = tpu.assume_multiple %select_n3A, 16 : i32
      "tpu.region"() ({
        %run_scoped3A = tpu.sem_alloc : memref<!tpu.dma_semaphore, #tpu.memory_space<semaphore_mem>>
        %dma_start3A_2072 = arith.constant 0 : i32
        %dma_start3A_2073 = tpu.memref_slice %arg4[%arg0, %multiple_of3A_90, %dma_start3A_2072] : memref<2x2560x128xi32, #tpu.memory_space<hbm>> -> memref<1x16x128xi32, #tpu.memory_space<hbm>>
        %dma_start3A_2074 = tpu.memref_squeeze %dma_start3A_2073 : memref<1x16x128xi32, #tpu.memory_space<hbm>> -> memref<16x128xi32, #tpu.memory_space<hbm>>
        %dma_start3A_2075 = arith.constant 0 : i32
        %dma_start3A_2076 = tpu.memref_slice %arg4[%arg0, %multiple_of3A_90, %dma_start3A_2075] : memref<2x2560x128xi32, #tpu.memory_space<hbm>> -> memref<1x16x128xi32, #tpu.memory_space<hbm>>
        %dma_start3A_2077 = tpu.memref_squeeze %dma_start3A_2076 : memref<1x16x128xi32, #tpu.memory_space<hbm>> -> memref<16x128xi32, #tpu.memory_space<hbm>>
        tpu.enqueue_dma source(%dma_start3A_2077 : memref<16x128xi32, #tpu.memory_space<hbm>>) target(%arg14 : memref<16x128xi32, #tpu.memory_space<vmem>>) target_semaphore(%run_scoped3A : memref<!tpu.dma_semaphore, #tpu.memory_space<semaphore_mem>>)
        %dma_wait3A_2078 = arith.constant 0 : i32
        %dma_wait3A_2079 = tpu.memref_slice %arg4[%arg0, %multiple_of3A_90, %dma_wait3A_2078] : memref<2x2560x128xi32, #tpu.memory_space<hbm>> -> memref<1x16x128xi32, #tpu.memory_space<hbm>>
        %dma_wait3A_2080 = tpu.memref_squeeze %dma_wait3A_2079 : memref<1x16x128xi32, #tpu.memory_space<hbm>> -> memref<16x128xi32, #tpu.memory_space<hbm>>
        %dma_wait3A_2081 = arith.constant 0 : i32
        %dma_wait3A_2082 = tpu.memref_slice %arg4[%arg0, %multiple_of3A_90, %dma_wait3A_2081] : memref<2x2560x128xi32, #tpu.memory_space<hbm>> -> memref<1x16x128xi32, #tpu.memory_space<hbm>>
        %dma_wait3A_2083 = tpu.memref_squeeze %dma_wait3A_2082 : memref<1x16x128xi32, #tpu.memory_space<hbm>> -> memref<16x128xi32, #tpu.memory_space<hbm>>
        tpu.wait_dma2 semaphore(%run_scoped3A : memref<!tpu.dma_semaphore, #tpu.memory_space<semaphore_mem>>) src(%dma_wait3A_2083 : memref<16x128xi32, #tpu.memory_space<hbm>>) dst(%arg14 : memref<16x128xi32, #tpu.memory_space<vmem>>)
        tpu.yield
      }) : () -> ()
      %dma_start3A = arith.constant 0 : i32
      %dma_start3A_91 = arith.constant 0 : i32
      %dma_start3A_92 = arith.constant 0 : i32
      %dma_start3A_93 = tpu.memref_slice %arg12[%dma_start3A, %dma_start3A_91, %dma_start3A_92] : memref<4x128x128xbf16, #tpu.memory_space<vmem>> -> memref<1x128x128xbf16, #tpu.memory_space<vmem>>
      %dma_start3A_94 = tpu.memref_squeeze %dma_start3A_93 : memref<1x128x128xbf16, #tpu.memory_space<vmem>> -> memref<128x128xbf16, #tpu.memory_space<vmem>>
      %dma_start3A_95 = arith.constant 0 : i32
      %dma_start3A_96 = tpu.memref_slice %arg13[%dma_start3A_95] : memref<2048xi32, #tpu.memory_space<vmem>> -> memref<128xi32, #tpu.memory_space<vmem>>
      %dma_start3A_97 = arith.constant 0 : i32
      %dma_start3A_98 = arith.constant 0 : i32
      %dma_start3A_99 = tpu.memref_slice %arg9[%dma_start3A_97, %dma_start3A_98] : memref<10000x128xbf16, #tpu.memory_space<vmem_shared>> -> memref<10000x128xbf16, #tpu.memory_space<vmem_shared>>
      tpu.enqueue_indirect_dma source(%dma_start3A_99 : memref<10000x128xbf16, #tpu.memory_space<vmem_shared>>) target(%dma_start3A_94 : memref<128x128xbf16, #tpu.memory_space<vmem>>) offsets(%dma_start3A_96 : memref<128xi32, #tpu.memory_space<vmem>>) semaphore(%arg17 : memref<!tpu.dma_semaphore, #tpu.memory_space<semaphore_mem>>)
      %dma_start3A_100 = arith.constant 1 : i32
      %dma_start3A_101 = arith.constant 0 : i32
      %dma_start3A_102 = arith.constant 0 : i32
      %dma_start3A_103 = tpu.memref_slice %arg12[%dma_start3A_100, %dma_start3A_101, %dma_start3A_102] : memref<4x128x128xbf16, #tpu.memory_space<vmem>> -> memref<1x128x128xbf16, #tpu.memory_space<vmem>>
      %dma_start3A_104 = tpu.memref_squeeze %dma_start3A_103 : memref<1x128x128xbf16, #tpu.memory_space<vmem>> -> memref<128x128xbf16, #tpu.memory_space<vmem>>
      %dma_start3A_105 = arith.constant 128 : i32
      %dma_start3A_106 = tpu.memref_slice %arg13[%dma_start3A_105] : memref<2048xi32, #tpu.memory_space<vmem>> -> memref<128xi32, #tpu.memory_space<vmem>>
      %dma_start3A_107 = arith.constant 0 : i32
      %dma_start3A_108 = arith.constant 0 : i32
      %dma_start3A_109 = tpu.memref_slice %arg9[%dma_start3A_107, %dma_start3A_108] : memref<10000x128xbf16, #tpu.memory_space<vmem_shared>> -> memref<10000x128xbf16, #tpu.memory_space<vmem_shared>>
      tpu.enqueue_indirect_dma source(%dma_start3A_109 : memref<10000x128xbf16, #tpu.memory_space<vmem_shared>>) target(%dma_start3A_104 : memref<128x128xbf16, #tpu.memory_space<vmem>>) offsets(%dma_start3A_106 : memref<128xi32, #tpu.memory_space<vmem>>) semaphore(%arg18 : memref<!tpu.dma_semaphore, #tpu.memory_space<semaphore_mem>>)
      %dma_start3A_110 = arith.constant 2 : i32
      %dma_start3A_111 = arith.constant 0 : i32
      %dma_start3A_112 = arith.constant 0 : i32
      %dma_start3A_113 = tpu.memref_slice %arg12[%dma_start3A_110, %dma_start3A_111, %dma_start3A_112] : memref<4x128x128xbf16, #tpu.memory_space<vmem>> -> memref<1x128x128xbf16, #tpu.memory_space<vmem>>
      %dma_start3A_114 = tpu.memref_squeeze %dma_start3A_113 : memref<1x128x128xbf16, #tpu.memory_space<vmem>> -> memref<128x128xbf16, #tpu.memory_space<vmem>>
      %dma_start3A_115 = arith.constant 256 : i32
      %dma_start3A_116 = tpu.memref_slice %arg13[%dma_start3A_115] : memref<2048xi32, #tpu.memory_space<vmem>> -> memref<128xi32, #tpu.memory_space<vmem>>
      %dma_start3A_117 = arith.constant 0 : i32
      %dma_start3A_118 = arith.constant 0 : i32
      %dma_start3A_119 = tpu.memref_slice %arg9[%dma_start3A_117, %dma_start3A_118] : memref<10000x128xbf16, #tpu.memory_space<vmem_shared>> -> memref<10000x128xbf16, #tpu.memory_space<vmem_shared>>
      tpu.enqueue_indirect_dma source(%dma_start3A_119 : memref<10000x128xbf16, #tpu.memory_space<vmem_shared>>) target(%dma_start3A_114 : memref<128x128xbf16, #tpu.memory_space<vmem>>) offsets(%dma_start3A_116 : memref<128xi32, #tpu.memory_space<vmem>>) semaphore(%arg19 : memref<!tpu.dma_semaphore, #tpu.memory_space<semaphore_mem>>)
      %dma_wait3A = arith.constant 0 : i32
      %dma_wait3A_120 = arith.constant 0 : i32
      %dma_wait3A_121 = arith.constant 0 : i32
      %dma_wait3A_122 = tpu.memref_slice %arg12[%dma_wait3A, %dma_wait3A_120, %dma_wait3A_121] : memref<4x128x128xbf16, #tpu.memory_space<vmem>> -> memref<1x128x128xbf16, #tpu.memory_space<vmem>>
      %dma_wait3A_123 = tpu.memref_squeeze %dma_wait3A_122 : memref<1x128x128xbf16, #tpu.memory_space<vmem>> -> memref<128x128xbf16, #tpu.memory_space<vmem>>
      %dma_wait3A_124 = arith.constant 0 : i32
      %dma_wait3A_125 = tpu.memref_slice %arg13[%dma_wait3A_124] : memref<2048xi32, #tpu.memory_space<vmem>> -> memref<128xi32, #tpu.memory_space<vmem>>
      %dma_wait3A_126 = arith.constant 0 : i32
      %dma_wait3A_127 = arith.constant 0 : i32
      %dma_wait3A_128 = tpu.memref_slice %arg9[%dma_wait3A_126, %dma_wait3A_127] : memref<10000x128xbf16, #tpu.memory_space<vmem_shared>> -> memref<10000x128xbf16, #tpu.memory_space<vmem_shared>>
      tpu.wait_indirect_dma semaphore(%arg17 : memref<!tpu.dma_semaphore, #tpu.memory_space<semaphore_mem>>) src(%dma_wait3A_128 : memref<10000x128xbf16, #tpu.memory_space<vmem_shared>>) dst(%dma_wait3A_123 : memref<128x128xbf16, #tpu.memory_space<vmem>>)
      %dma_start3A_129 = arith.constant 0 : i32
      %dma_start3A_130 = arith.constant 0 : i32
      %dma_start3A_131 = arith.constant 0 : i32
      %dma_start3A_132 = arith.constant 0 : i32
      %dma_start3A_133 = tpu.memref_slice %arg12[%dma_start3A_129, %dma_start3A_131, %dma_start3A_132] : memref<4x128x128xbf16, #tpu.memory_space<vmem>> -> memref<1x128x128xbf16, #tpu.memory_space<vmem>>
      %dma_start3A_134 = tpu.memref_squeeze %dma_start3A_133 : memref<1x128x128xbf16, #tpu.memory_space<vmem>> -> memref<128x128xbf16, #tpu.memory_space<vmem>>
      %dma_start3A_135 = arith.constant 0 : i32
      %dma_start3A_136 = tpu.memref_slice %arg14[%dma_start3A_130, %dma_start3A_135] : memref<16x128xi32, #tpu.memory_space<vmem>> -> memref<1x128xi32, #tpu.memory_space<vmem>>
      %dma_start3A_137 = tpu.memref_squeeze %dma_start3A_136 : memref<1x128xi32, #tpu.memory_space<vmem>> -> memref<128xi32, #tpu.memory_space<vmem>>
      %dma_start3A_138 = arith.constant 0 : i32
      %dma_start3A_139 = arith.constant 0 : i32
      %dma_start3A_140 = tpu.memref_slice %arg10[%dma_start3A_138, %dma_start3A_139] : memref<10112x128xbf16, #tpu.memory_space<vmem_shared>> -> memref<10112x128xbf16, #tpu.memory_space<vmem_shared>>
      tpu.enqueue_indirect_dma source(%dma_start3A_134 : memref<128x128xbf16, #tpu.memory_space<vmem>>) target(%dma_start3A_140 : memref<10112x128xbf16, #tpu.memory_space<vmem_shared>>) offsets(%dma_start3A_137 : memref<128xi32, #tpu.memory_space<vmem>>) semaphore(%arg21 : memref<!tpu.dma_semaphore, #tpu.memory_space<semaphore_mem>>) {add = true}
      %get3A = arith.constant 0 : i32
      %get3A_141 = arith.index_cast %get3A : i32 to index
      %get3A_142 = arith.constant 0 : index
      %get3A_143 = tpu.vector_load %arg14[%get3A_141, %get3A_142] {strides = array<i32>} : memref<16x128xi32, #tpu.memory_space<vmem>>, vector<16xi32>,
      %shift_right_arithmetic3A = arith.constant 7 : i32
      %shift_right_arithmetic3A_144 = vector.broadcast %shift_right_arithmetic3A : i32 to vector<16xi32>
      %shift_right_arithmetic3A_145 = arith.shrsi %get3A_143, %shift_right_arithmetic3A_144 : vector<16xi32>
      %and3A_146 = arith.constant 127 : i32
      %and3A_147 = vector.broadcast %and3A_146 : i32 to vector<16xi32>
      %and3A_148 = arith.andi %get3A_143, %and3A_147 : vector<16xi32>
      tpu.vector_store_idx %arg15[%shift_right_arithmetic3A_145, %and3A_148], %broadcast_in_dim3A_49 {add = true} : memref<80x128xf32, #tpu.memory_space<vmem>>[vector<16xi32>, vector<16xi32>], vector<16xf32>,
      %get3A_149 = arith.constant 0 : i32
      %get3A_150 = arith.index_cast %get3A_149 : i32 to index
      %get3A_151 = arith.constant 16 : index
      %get3A_152 = tpu.vector_load %arg14[%get3A_150, %get3A_151] {strides = array<i32>} : memref<16x128xi32, #tpu.memory_space<vmem>>, vector<16xi32>,
      %shift_right_arithmetic3A_153 = arith.constant 7 : i32
      %shift_right_arithmetic3A_154 = vector.broadcast %shift_right_arithmetic3A_153 : i32 to vector<16xi32>
      %shift_right_arithmetic3A_155 = arith.shrsi %get3A_152, %shift_right_arithmetic3A_154 : vector<16xi32>
      %and3A_156 = arith.constant 127 : i32
      %and3A_157 = vector.broadcast %and3A_156 : i32 to vector<16xi32>
      %and3A_158 = arith.andi %get3A_152, %and3A_157 : vector<16xi32>
      tpu.vector_store_idx %arg15[%shift_right_arithmetic3A_155, %and3A_158], %broadcast_in_dim3A_49 {add = true} : memref<80x128xf32, #tpu.memory_space<vmem>>[vector<16xi32>, vector<16xi32>], vector<16xf32>,
      %get3A_159 = arith.constant 0 : i32
      %get3A_160 = arith.index_cast %get3A_159 : i32 to index
      %get3A_161 = arith.constant 32 : index
      %get3A_162 = tpu.vector_load %arg14[%get3A_160, %get3A_161] {strides = array<i32>} : memref<16x128xi32, #tpu.memory_space<vmem>>, vector<16xi32>,
      %shift_right_arithmetic3A_163 = arith.constant 7 : i32
      %shift_right_arithmetic3A_164 = vector.broadcast %shift_right_arithmetic3A_163 : i32 to vector<16xi32>
      %shift_right_arithmetic3A_165 = arith.shrsi %get3A_162, %shift_right_arithmetic3A_164 : vector<16xi32>
      %and3A_166 = arith.constant 127 : i32
      %and3A_167 = vector.broadcast %and3A_166 : i32 to vector<16xi32>
      %and3A_168 = arith.andi %get3A_162, %and3A_167 : vector<16xi32>
      tpu.vector_store_idx %arg15[%shift_right_arithmetic3A_165, %and3A_168], %broadcast_in_dim3A_49 {add = true} : memref<80x128xf32, #tpu.memory_space<vmem>>[vector<16xi32>, vector<16xi32>], vector<16xf32>,
      %get3A_169 = arith.constant 0 : i32
      %get3A_170 = arith.index_cast %get3A_169 : i32 to index
      %get3A_171 = arith.constant 48 : index
      %get3A_172 = tpu.vector_load %arg14[%get3A_170, %get3A_171] {strides = array<i32>} : memref<16x128xi32, #tpu.memory_space<vmem>>, vector<16xi32>,
      %shift_right_arithmetic3A_173 = arith.constant 7 : i32
      %shift_right_arithmetic3A_174 = vector.broadcast %shift_right_arithmetic3A_173 : i32 to vector<16xi32>
      %shift_right_arithmetic3A_175 = arith.shrsi %get3A_172, %shift_right_arithmetic3A_174 : vector<16xi32>
      %and3A_176 = arith.constant 127 : i32
      %and3A_177 = vector.broadcast %and3A_176 : i32 to vector<16xi32>
      %and3A_178 = arith.andi %get3A_172, %and3A_177 : vector<16xi32>
      tpu.vector_store_idx %arg15[%shift_right_arithmetic3A_175, %and3A_178], %broadcast_in_dim3A_49 {add = true} : memref<80x128xf32, #tpu.memory_space<vmem>>[vector<16xi32>, vector<16xi32>], vector<16xf32>,
      %get3A_179 = arith.constant 0 : i32
      %get3A_180 = arith.index_cast %get3A_179 : i32 to index
      %get3A_181 = arith.constant 64 : index
      %get3A_182 = tpu.vector_load %arg14[%get3A_180, %get3A_181] {strides = array<i32>} : memref<16x128xi32, #tpu.memory_space<vmem>>, vector<16xi32>,
      %shift_right_arithmetic3A_183 = arith.constant 7 : i32
      %shift_right_arithmetic3A_184 = vector.broadcast %shift_right_arithmetic3A_183 : i32 to vector<16xi32>
      %shift_right_arithmetic3A_185 = arith.shrsi %get3A_182, %shift_right_arithmetic3A_184 : vector<16xi32>
      %and3A_186 = arith.constant 127 : i32
      %and3A_187 = vector.broadcast %and3A_186 : i32 to vector<16xi32>
      %and3A_188 = arith.andi %get3A_182, %and3A_187 : vector<16xi32>
      tpu.vector_store_idx %arg15[%shift_right_arithmetic3A_185, %and3A_188], %broadcast_in_dim3A_49 {add = true} : memref<80x128xf32, #tpu.memory_space<vmem>>[vector<16xi32>, vector<16xi32>], vector<16xf32>,
      %get3A_189 = arith.constant 0 : i32
      %get3A_190 = arith.index_cast %get3A_189 : i32 to index
      %get3A_191 = arith.constant 80 : index
      %get3A_192 = tpu.vector_load %arg14[%get3A_190, %get3A_191] {strides = array<i32>} : memref<16x128xi32, #tpu.memory_space<vmem>>, vector<16xi32>,
      %shift_right_arithmetic3A_193 = arith.constant 7 : i32
      %shift_right_arithmetic3A_194 = vector.broadcast %shift_right_arithmetic3A_193 : i32 to vector<16xi32>
      %shift_right_arithmetic3A_195 = arith.shrsi %get3A_192, %shift_right_arithmetic3A_194 : vector<16xi32>
      %and3A_196 = arith.constant 127 : i32
      %and3A_197 = vector.broadcast %and3A_196 : i32 to vector<16xi32>
      %and3A_198 = arith.andi %get3A_192, %and3A_197 : vector<16xi32>
      tpu.vector_store_idx %arg15[%shift_right_arithmetic3A_195, %and3A_198], %broadcast_in_dim3A_49 {add = true} : memref<80x128xf32, #tpu.memory_space<vmem>>[vector<16xi32>, vector<16xi32>], vector<16xf32>,
      %get3A_199 = arith.constant 0 : i32
      %get3A_200 = arith.index_cast %get3A_199 : i32 to index
      %get3A_201 = arith.constant 96 : index
      %get3A_202 = tpu.vector_load %arg14[%get3A_200, %get3A_201] {strides = array<i32>} : memref<16x128xi32, #tpu.memory_space<vmem>>, vector<16xi32>,
      %shift_right_arithmetic3A_203 = arith.constant 7 : i32
      %shift_right_arithmetic3A_204 = vector.broadcast %shift_right_arithmetic3A_203 : i32 to vector<16xi32>
      %shift_right_arithmetic3A_205 = arith.shrsi %get3A_202, %shift_right_arithmetic3A_204 : vector<16xi32>
      %and3A_206 = arith.constant 127 : i32
      %and3A_207 = vector.broadcast %and3A_206 : i32 to vector<16xi32>
      %and3A_208 = arith.andi %get3A_202, %and3A_207 : vector<16xi32>
      tpu.vector_store_idx %arg15[%shift_right_arithmetic3A_205, %and3A_208], %broadcast_in_dim3A_49 {add = true} : memref<80x128xf32, #tpu.memory_space<vmem>>[vector<16xi32>, vector<16xi32>], vector<16xf32>,
      %get3A_209 = arith.constant 0 : i32
      %get3A_210 = arith.index_cast %get3A_209 : i32 to index
      %get3A_211 = arith.constant 112 : index
      %get3A_212 = tpu.vector_load %arg14[%get3A_210, %get3A_211] {strides = array<i32>} : memref<16x128xi32, #tpu.memory_space<vmem>>, vector<16xi32>,
      %shift_right_arithmetic3A_213 = arith.constant 7 : i32
      %shift_right_arithmetic3A_214 = vector.broadcast %shift_right_arithmetic3A_213 : i32 to vector<16xi32>
      %shift_right_arithmetic3A_215 = arith.shrsi %get3A_212, %shift_right_arithmetic3A_214 : vector<16xi32>
      %and3A_216 = arith.constant 127 : i32
      %and3A_217 = vector.broadcast %and3A_216 : i32 to vector<16xi32>
      %and3A_218 = arith.andi %get3A_212, %and3A_217 : vector<16xi32>
      tpu.vector_store_idx %arg15[%shift_right_arithmetic3A_215, %and3A_218], %broadcast_in_dim3A_49 {add = true} : memref<80x128xf32, #tpu.memory_space<vmem>>[vector<16xi32>, vector<16xi32>], vector<16xf32>,
      %dma_start3A_219 = arith.constant 3 : i32
      %dma_start3A_220 = arith.constant 0 : i32
      %dma_start3A_221 = arith.constant 0 : i32
      %dma_start3A_222 = tpu.memref_slice %arg12[%dma_start3A_219, %dma_start3A_220, %dma_start3A_221] : memref<4x128x128xbf16, #tpu.memory_space<vmem>> -> memref<1x128x128xbf16, #tpu.memory_space<vmem>>
      %dma_start3A_223 = tpu.memref_squeeze %dma_start3A_222 : memref<1x128x128xbf16, #tpu.memory_space<vmem>> -> memref<128x128xbf16, #tpu.memory_space<vmem>>
      %dma_start3A_224 = arith.constant 384 : i32
      %dma_start3A_225 = tpu.memref_slice %arg13[%dma_start3A_224] : memref<2048xi32, #tpu.memory_space<vmem>> -> memref<128xi32, #tpu.memory_space<vmem>>
      %dma_start3A_226 = arith.constant 0 : i32
      %dma_start3A_227 = arith.constant 0 : i32
      %dma_start3A_228 = tpu.memref_slice %arg9[%dma_start3A_226, %dma_start3A_227] : memref<10000x128xbf16, #tpu.memory_space<vmem_shared>> -> memref<10000x128xbf16, #tpu.memory_space<vmem_shared>>
      tpu.enqueue_indirect_dma source(%dma_start3A_228 : memref<10000x128xbf16, #tpu.memory_space<vmem_shared>>) target(%dma_start3A_223 : memref<128x128xbf16, #tpu.memory_space<vmem>>) offsets(%dma_start3A_225 : memref<128xi32, #tpu.memory_space<vmem>>) semaphore(%arg20 : memref<!tpu.dma_semaphore, #tpu.memory_space<semaphore_mem>>)
      %dma_wait3A_229 = arith.constant 1 : i32
      %dma_wait3A_230 = arith.constant 0 : i32
      %dma_wait3A_231 = arith.constant 0 : i32
      %dma_wait3A_232 = tpu.memref_slice %arg12[%dma_wait3A_229, %dma_wait3A_230, %dma_wait3A_231] : memref<4x128x128xbf16, #tpu.memory_space<vmem>> -> memref<1x128x128xbf16, #tpu.memory_space<vmem>>
      %dma_wait3A_233 = tpu.memref_squeeze %dma_wait3A_232 : memref<1x128x128xbf16, #tpu.memory_space<vmem>> -> memref<128x128xbf16, #tpu.memory_space<vmem>>
      %dma_wait3A_234 = arith.constant 128 : i32
      %dma_wait3A_235 = tpu.memref_slice %arg13[%dma_wait3A_234] : memref<2048xi32, #tpu.memory_space<vmem>> -> memref<128xi32, #tpu.memory_space<vmem>>
      %dma_wait3A_236 = arith.constant 0 : i32
      %dma_wait3A_237 = arith.constant 0 : i32
      %dma_wait3A_238 = tpu.memref_slice %arg9[%dma_wait3A_236, %dma_wait3A_237] : memref<10000x128xbf16, #tpu.memory_space<vmem_shared>> -> memref<10000x128xbf16, #tpu.memory_space<vmem_shared>>
      tpu.wait_indirect_dma semaphore(%arg18 : memref<!tpu.dma_semaphore, #tpu.memory_space<semaphore_mem>>) src(%dma_wait3A_238 : memref<10000x128xbf16, #tpu.memory_space<vmem_shared>>) dst(%dma_wait3A_233 : memref<128x128xbf16, #tpu.memory_space<vmem>>)
      %dma_start3A_239 = arith.constant 1 : i32
      %dma_start3A_240 = arith.constant 1 : i32
      %dma_start3A_241 = arith.constant 0 : i32
      %dma_start3A_242 = arith.constant 0 : i32
      %dma_start3A_243 = tpu.memref_slice %arg12[%dma_start3A_239, %dma_start3A_241, %dma_start3A_242] : memref<4x128x128xbf16, #tpu.memory_space<vmem>> -> memref<1x128x128xbf16, #tpu.memory_space<vmem>>
      %dma_start3A_244 = tpu.memref_squeeze %dma_start3A_243 : memref<1x128x128xbf16, #tpu.memory_space<vmem>> -> memref<128x128xbf16, #tpu.memory_space<vmem>>
      %dma_start3A_245 = arith.constant 0 : i32
      %dma_start3A_246 = tpu.memref_slice %arg14[%dma_start3A_240, %dma_start3A_245] : memref<16x128xi32, #tpu.memory_space<vmem>> -> memref<1x128xi32, #tpu.memory_space<vmem>>
      %dma_start3A_247 = tpu.memref_squeeze %dma_start3A_246 : memref<1x128xi32, #tpu.memory_space<vmem>> -> memref<128xi32, #tpu.memory_space<vmem>>
      %dma_start3A_248 = arith.constant 0 : i32
      %dma_start3A_249 = arith.constant 0 : i32
      %dma_start3A_250 = tpu.memref_slice %arg10[%dma_start3A_248, %dma_start3A_249] : memref<10112x128xbf16, #tpu.memory_space<vmem_shared>> -> memref<10112x128xbf16, #tpu.memory_space<vmem_shared>>
      tpu.enqueue_indirect_dma source(%dma_start3A_244 : memref<128x128xbf16, #tpu.memory_space<vmem>>) target(%dma_start3A_250 : memref<10112x128xbf16, #tpu.memory_space<vmem_shared>>) offsets(%dma_start3A_247 : memref<128xi32, #tpu.memory_space<vmem>>) semaphore(%arg22 : memref<!tpu.dma_semaphore, #tpu.memory_space<semaphore_mem>>) {add = true}
      %get3A_251 = arith.constant 1 : i32
      %get3A_252 = arith.index_cast %get3A_251 : i32 to index
      %get3A_253 = arith.constant 0 : index
      %get3A_254 = tpu.vector_load %arg14[%get3A_252, %get3A_253] {strides = array<i32>} : memref<16x128xi32, #tpu.memory_space<vmem>>, vector<16xi32>,
      %shift_right_arithmetic3A_255 = arith.constant 7 : i32
      %shift_right_arithmetic3A_256 = vector.broadcast %shift_right_arithmetic3A_255 : i32 to vector<16xi32>
      %shift_right_arithmetic3A_257 = arith.shrsi %get3A_254, %shift_right_arithmetic3A_256 : vector<16xi32>
      %and3A_258 = arith.constant 127 : i32
      %and3A_259 = vector.broadcast %and3A_258 : i32 to vector<16xi32>
      %and3A_260 = arith.andi %get3A_254, %and3A_259 : vector<16xi32>
      tpu.vector_store_idx %arg15[%shift_right_arithmetic3A_257, %and3A_260], %broadcast_in_dim3A_49 {add = true} : memref<80x128xf32, #tpu.memory_space<vmem>>[vector<16xi32>, vector<16xi32>], vector<16xf32>,
      %get3A_261 = arith.constant 1 : i32
      %get3A_262 = arith.index_cast %get3A_261 : i32 to index
      %get3A_263 = arith.constant 16 : index
      %get3A_264 = tpu.vector_load %arg14[%get3A_262, %get3A_263] {strides = array<i32>} : memref<16x128xi32, #tpu.memory_space<vmem>>, vector<16xi32>,
      %shift_right_arithmetic3A_265 = arith.constant 7 : i32
      %shift_right_arithmetic3A_266 = vector.broadcast %shift_right_arithmetic3A_265 : i32 to vector<16xi32>
      %shift_right_arithmetic3A_267 = arith.shrsi %get3A_264, %shift_right_arithmetic3A_266 : vector<16xi32>
      %and3A_268 = arith.constant 127 : i32
      %and3A_269 = vector.broadcast %and3A_268 : i32 to vector<16xi32>
      %and3A_270 = arith.andi %get3A_264, %and3A_269 : vector<16xi32>
      tpu.vector_store_idx %arg15[%shift_right_arithmetic3A_267, %and3A_270], %broadcast_in_dim3A_49 {add = true} : memref<80x128xf32, #tpu.memory_space<vmem>>[vector<16xi32>, vector<16xi32>], vector<16xf32>,
      %get3A_271 = arith.constant 1 : i32
      %get3A_272 = arith.index_cast %get3A_271 : i32 to index
      %get3A_273 = arith.constant 32 : index
      %get3A_274 = tpu.vector_load %arg14[%get3A_272, %get3A_273] {strides = array<i32>} : memref<16x128xi32, #tpu.memory_space<vmem>>, vector<16xi32>,
      %shift_right_arithmetic3A_275 = arith.constant 7 : i32
      %shift_right_arithmetic3A_276 = vector.broadcast %shift_right_arithmetic3A_275 : i32 to vector<16xi32>
      %shift_right_arithmetic3A_277 = arith.shrsi %get3A_274, %shift_right_arithmetic3A_276 : vector<16xi32>
      %and3A_278 = arith.constant 127 : i32
      %and3A_279 = vector.broadcast %and3A_278 : i32 to vector<16xi32>
      %and3A_280 = arith.andi %get3A_274, %and3A_279 : vector<16xi32>
      tpu.vector_store_idx %arg15[%shift_right_arithmetic3A_277, %and3A_280], %broadcast_in_dim3A_49 {add = true} : memref<80x128xf32, #tpu.memory_space<vmem>>[vector<16xi32>, vector<16xi32>], vector<16xf32>,
      %get3A_281 = arith.constant 1 : i32
      %get3A_282 = arith.index_cast %get3A_281 : i32 to index
      %get3A_283 = arith.constant 48 : index
      %get3A_284 = tpu.vector_load %arg14[%get3A_282, %get3A_283] {strides = array<i32>} : memref<16x128xi32, #tpu.memory_space<vmem>>, vector<16xi32>,
      %shift_right_arithmetic3A_285 = arith.constant 7 : i32
      %shift_right_arithmetic3A_286 = vector.broadcast %shift_right_arithmetic3A_285 : i32 to vector<16xi32>
      %shift_right_arithmetic3A_287 = arith.shrsi %get3A_284, %shift_right_arithmetic3A_286 : vector<16xi32>
      %and3A_288 = arith.constant 127 : i32
      %and3A_289 = vector.broadcast %and3A_288 : i32 to vector<16xi32>
      %and3A_290 = arith.andi %get3A_284, %and3A_289 : vector<16xi32>
      tpu.vector_store_idx %arg15[%shift_right_arithmetic3A_287, %and3A_290], %broadcast_in_dim3A_49 {add = true} : memref<80x128xf32, #tpu.memory_space<vmem>>[vector<16xi32>, vector<16xi32>], vector<16xf32>,
      %get3A_291 = arith.constant 1 : i32
      %get3A_292 = arith.index_cast %get3A_291 : i32 to index
      %get3A_293 = arith.constant 64 : index
      %get3A_294 = tpu.vector_load %arg14[%get3A_292, %get3A_293] {strides = array<i32>} : memref<16x128xi32, #tpu.memory_space<vmem>>, vector<16xi32>,
      %shift_right_arithmetic3A_295 = arith.constant 7 : i32
      %shift_right_arithmetic3A_296 = vector.broadcast %shift_right_arithmetic3A_295 : i32 to vector<16xi32>
      %shift_right_arithmetic3A_297 = arith.shrsi %get3A_294, %shift_right_arithmetic3A_296 : vector<16xi32>
      %and3A_298 = arith.constant 127 : i32
      %and3A_299 = vector.broadcast %and3A_298 : i32 to vector<16xi32>
      %and3A_300 = arith.andi %get3A_294, %and3A_299 : vector<16xi32>
      tpu.vector_store_idx %arg15[%shift_right_arithmetic3A_297, %and3A_300], %broadcast_in_dim3A_49 {add = true} : memref<80x128xf32, #tpu.memory_space<vmem>>[vector<16xi32>, vector<16xi32>], vector<16xf32>,
      %get3A_301 = arith.constant 1 : i32
      %get3A_302 = arith.index_cast %get3A_301 : i32 to index
      %get3A_303 = arith.constant 80 : index
      %get3A_304 = tpu.vector_load %arg14[%get3A_302, %get3A_303] {strides = array<i32>} : memref<16x128xi32, #tpu.memory_space<vmem>>, vector<16xi32>,
      %shift_right_arithmetic3A_305 = arith.constant 7 : i32
      %shift_right_arithmetic3A_306 = vector.broadcast %shift_right_arithmetic3A_305 : i32 to vector<16xi32>
      %shift_right_arithmetic3A_307 = arith.shrsi %get3A_304, %shift_right_arithmetic3A_306 : vector<16xi32>
      %and3A_308 = arith.constant 127 : i32
      %and3A_309 = vector.broadcast %and3A_308 : i32 to vector<16xi32>
      %and3A_310 = arith.andi %get3A_304, %and3A_309 : vector<16xi32>
      tpu.vector_store_idx %arg15[%shift_right_arithmetic3A_307, %and3A_310], %broadcast_in_dim3A_49 {add = true} : memref<80x128xf32, #tpu.memory_space<vmem>>[vector<16xi32>, vector<16xi32>], vector<16xf32>,
      %get3A_311 = arith.constant 1 : i32
      %get3A_312 = arith.index_cast %get3A_311 : i32 to index
      %get3A_313 = arith.constant 96 : index
      %get3A_314 = tpu.vector_load %arg14[%get3A_312, %get3A_313] {strides = array<i32>} : memref<16x128xi32, #tpu.memory_space<vmem>>, vector<16xi32>,
      %shift_right_arithmetic3A_315 = arith.constant 7 : i32
      %shift_right_arithmetic3A_316 = vector.broadcast %shift_right_arithmetic3A_315 : i32 to vector<16xi32>
      %shift_right_arithmetic3A_317 = arith.shrsi %get3A_314, %shift_right_arithmetic3A_316 : vector<16xi32>
      %and3A_318 = arith.constant 127 : i32
      %and3A_319 = vector.broadcast %and3A_318 : i32 to vector<16xi32>
      %and3A_320 = arith.andi %get3A_314, %and3A_319 : vector<16xi32>
      tpu.vector_store_idx %arg15[%shift_right_arithmetic3A_317, %and3A_320], %broadcast_in_dim3A_49 {add = true} : memref<80x128xf32, #tpu.memory_space<vmem>>[vector<16xi32>, vector<16xi32>], vector<16xf32>,
      %get3A_321 = arith.constant 1 : i32
      %get3A_322 = arith.index_cast %get3A_321 : i32 to index
      %get3A_323 = arith.constant 112 : index
      %get3A_324 = tpu.vector_load %arg14[%get3A_322, %get3A_323] {strides = array<i32>} : memref<16x128xi32, #tpu.memory_space<vmem>>, vector<16xi32>,
      %shift_right_arithmetic3A_325 = arith.constant 7 : i32
      %shift_right_arithmetic3A_326 = vector.broadcast %shift_right_arithmetic3A_325 : i32 to vector<16xi32>
      %shift_right_arithmetic3A_327 = arith.shrsi %get3A_324, %shift_right_arithmetic3A_326 : vector<16xi32>
      %and3A_328 = arith.constant 127 : i32
      %and3A_329 = vector.broadcast %and3A_328 : i32 to vector<16xi32>
      %and3A_330 = arith.andi %get3A_324, %and3A_329 : vector<16xi32>
      tpu.vector_store_idx %arg15[%shift_right_arithmetic3A_327, %and3A_330], %broadcast_in_dim3A_49 {add = true} : memref<80x128xf32, #tpu.memory_space<vmem>>[vector<16xi32>, vector<16xi32>], vector<16xf32>,
      %dma_wait3A_331 = arith.constant 0 : i32
      %dma_wait3A_332 = arith.constant 0 : i32
      %dma_wait3A_333 = arith.constant 0 : i32
      %dma_wait3A_334 = arith.constant 0 : i32
      %dma_wait3A_335 = tpu.memref_slice %arg12[%dma_wait3A_331, %dma_wait3A_333, %dma_wait3A_334] : memref<4x128x128xbf16, #tpu.memory_space<vmem>> -> memref<1x128x128xbf16, #tpu.memory_space<vmem>>
      %dma_wait3A_336 = tpu.memref_squeeze %dma_wait3A_335 : memref<1x128x128xbf16, #tpu.memory_space<vmem>> -> memref<128x128xbf16, #tpu.memory_space<vmem>>
      %dma_wait3A_337 = arith.constant 0 : i32
      %dma_wait3A_338 = tpu.memref_slice %arg14[%dma_wait3A_332, %dma_wait3A_337] : memref<16x128xi32, #tpu.memory_space<vmem>> -> memref<1x128xi32, #tpu.memory_space<vmem>>
      %dma_wait3A_339 = tpu.memref_squeeze %dma_wait3A_338 : memref<1x128xi32, #tpu.memory_space<vmem>> -> memref<128xi32, #tpu.memory_space<vmem>>
      %dma_wait3A_340 = arith.constant 0 : i32
      %dma_wait3A_341 = arith.constant 0 : i32
      %dma_wait3A_342 = tpu.memref_slice %arg10[%dma_wait3A_340, %dma_wait3A_341] : memref<10112x128xbf16, #tpu.memory_space<vmem_shared>> -> memref<10112x128xbf16, #tpu.memory_space<vmem_shared>>
      tpu.wait_indirect_dma semaphore(%arg21 : memref<!tpu.dma_semaphore, #tpu.memory_space<semaphore_mem>>) src(%dma_wait3A_336 : memref<128x128xbf16, #tpu.memory_space<vmem>>) dst(%dma_wait3A_342 : memref<10112x128xbf16, #tpu.memory_space<vmem_shared>>)
      %dma_start3A_343 = arith.constant 0 : i32
      %dma_start3A_344 = arith.constant 0 : i32
      %dma_start3A_345 = arith.constant 0 : i32
      %dma_start3A_346 = tpu.memref_slice %arg12[%dma_start3A_343, %dma_start3A_344, %dma_start3A_345] : memref<4x128x128xbf16, #tpu.memory_space<vmem>> -> memref<1x128x128xbf16, #tpu.memory_space<vmem>>
      %dma_start3A_347 = tpu.memref_squeeze %dma_start3A_346 : memref<1x128x128xbf16, #tpu.memory_space<vmem>> -> memref<128x128xbf16, #tpu.memory_space<vmem>>
      %dma_start3A_348 = arith.constant 512 : i32
      %dma_start3A_349 = tpu.memref_slice %arg13[%dma_start3A_348] : memref<2048xi32, #tpu.memory_space<vmem>> -> memref<128xi32, #tpu.memory_space<vmem>>
      %dma_start3A_350 = arith.constant 0 : i32
      %dma_start3A_351 = arith.constant 0 : i32
      %dma_start3A_352 = tpu.memref_slice %arg9[%dma_start3A_350, %dma_start3A_351] : memref<10000x128xbf16, #tpu.memory_space<vmem_shared>> -> memref<10000x128xbf16, #tpu.memory_space<vmem_shared>>
      tpu.enqueue_indirect_dma source(%dma_start3A_352 : memref<10000x128xbf16, #tpu.memory_space<vmem_shared>>) target(%dma_start3A_347 : memref<128x128xbf16, #tpu.memory_space<vmem>>) offsets(%dma_start3A_349 : memref<128xi32, #tpu.memory_space<vmem>>) semaphore(%arg17 : memref<!tpu.dma_semaphore, #tpu.memory_space<semaphore_mem>>)
      %dma_wait3A_353 = arith.constant 2 : i32
      %dma_wait3A_354 = arith.constant 0 : i32
      %dma_wait3A_355 = arith.constant 0 : i32
      %dma_wait3A_356 = tpu.memref_slice %arg12[%dma_wait3A_353, %dma_wait3A_354, %dma_wait3A_355] : memref<4x128x128xbf16, #tpu.memory_space<vmem>> -> memref<1x128x128xbf16, #tpu.memory_space<vmem>>
      %dma_wait3A_357 = tpu.memref_squeeze %dma_wait3A_356 : memref<1x128x128xbf16, #tpu.memory_space<vmem>> -> memref<128x128xbf16, #tpu.memory_space<vmem>>
      %dma_wait3A_358 = arith.constant 256 : i32
      %dma_wait3A_359 = tpu.memref_slice %arg13[%dma_wait3A_358] : memref<2048xi32, #tpu.memory_space<vmem>> -> memref<128xi32, #tpu.memory_space<vmem>>
      %dma_wait3A_360 = arith.constant 0 : i32
      %dma_wait3A_361 = arith.constant 0 : i32
      %dma_wait3A_362 = tpu.memref_slice %arg9[%dma_wait3A_360, %dma_wait3A_361] : memref<10000x128xbf16, #tpu.memory_space<vmem_shared>> -> memref<10000x128xbf16, #tpu.memory_space<vmem_shared>>
      tpu.wait_indirect_dma semaphore(%arg19 : memref<!tpu.dma_semaphore, #tpu.memory_space<semaphore_mem>>) src(%dma_wait3A_362 : memref<10000x128xbf16, #tpu.memory_space<vmem_shared>>) dst(%dma_wait3A_357 : memref<128x128xbf16, #tpu.memory_space<vmem>>)
      %dma_start3A_363 = arith.constant 2 : i32
      %dma_start3A_364 = arith.constant 2 : i32
      %dma_start3A_365 = arith.constant 0 : i32
      %dma_start3A_366 = arith.constant 0 : i32
      %dma_start3A_367 = tpu.memref_slice %arg12[%dma_start3A_363, %dma_start3A_365, %dma_start3A_366] : memref<4x128x128xbf16, #tpu.memory_space<vmem>> -> memref<1x128x128xbf16, #tpu.memory_space<vmem>>
      %dma_start3A_368 = tpu.memref_squeeze %dma_start3A_367 : memref<1x128x128xbf16, #tpu.memory_space<vmem>> -> memref<128x128xbf16, #tpu.memory_space<vmem>>
      %dma_start3A_369 = arith.constant 0 : i32
      %dma_start3A_370 = tpu.memref_slice %arg14[%dma_start3A_364, %dma_start3A_369] : memref<16x128xi32, #tpu.memory_space<vmem>> -> memref<1x128xi32, #tpu.memory_space<vmem>>
      %dma_start3A_371 = tpu.memref_squeeze %dma_start3A_370 : memref<1x128xi32, #tpu.memory_space<vmem>> -> memref<128xi32, #tpu.memory_space<vmem>>
      %dma_start3A_372 = arith.constant 0 : i32
      %dma_start3A_373 = arith.constant 0 : i32
      %dma_start3A_374 = tpu.memref_slice %arg10[%dma_start3A_372, %dma_start3A_373] : memref<10112x128xbf16, #tpu.memory_space<vmem_shared>> -> memref<10112x128xbf16, #tpu.memory_space<vmem_shared>>
      tpu.enqueue_indirect_dma source(%dma_start3A_368 : memref<128x128xbf16, #tpu.memory_space<vmem>>) target(%dma_start3A_374 : memref<10112x128xbf16, #tpu.memory_space<vmem_shared>>) offsets(%dma_start3A_371 : memref<128xi32, #tpu.memory_space<vmem>>) semaphore(%arg23 : memref<!tpu.dma_semaphore, #tpu.memory_space<semaphore_mem>>) {add = true}
      %get3A_375 = arith.constant 2 : i32
      %get3A_376 = arith.index_cast %get3A_375 : i32 to index
      %get3A_377 = arith.constant 0 : index
      %get3A_378 = tpu.vector_load %arg14[%get3A_376, %get3A_377] {strides = array<i32>} : memref<16x128xi32, #tpu.memory_space<vmem>>, vector<16xi32>,
      %shift_right_arithmetic3A_379 = arith.constant 7 : i32
      %shift_right_arithmetic3A_380 = vector.broadcast %shift_right_arithmetic3A_379 : i32 to vector<16xi32>
      %shift_right_arithmetic3A_381 = arith.shrsi %get3A_378, %shift_right_arithmetic3A_380 : vector<16xi32>
      %and3A_382 = arith.constant 127 : i32
      %and3A_383 = vector.broadcast %and3A_382 : i32 to vector<16xi32>
      %and3A_384 = arith.andi %get3A_378, %and3A_383 : vector<16xi32>
      tpu.vector_store_idx %arg15[%shift_right_arithmetic3A_381, %and3A_384], %broadcast_in_dim3A_49 {add = true} : memref<80x128xf32, #tpu.memory_space<vmem>>[vector<16xi32>, vector<16xi32>], vector<16xf32>,
      %get3A_385 = arith.constant 2 : i32
      %get3A_386 = arith.index_cast %get3A_385 : i32 to index
      %get3A_387 = arith.constant 16 : index
      %get3A_388 = tpu.vector_load %arg14[%get3A_386, %get3A_387] {strides = array<i32>} : memref<16x128xi32, #tpu.memory_space<vmem>>, vector<16xi32>,
      %shift_right_arithmetic3A_389 = arith.constant 7 : i32
      %shift_right_arithmetic3A_390 = vector.broadcast %shift_right_arithmetic3A_389 : i32 to vector<16xi32>
      %shift_right_arithmetic3A_391 = arith.shrsi %get3A_388, %shift_right_arithmetic3A_390 : vector<16xi32>
      %and3A_392 = arith.constant 127 : i32
      %and3A_393 = vector.broadcast %and3A_392 : i32 to vector<16xi32>
      %and3A_394 = arith.andi %get3A_388, %and3A_393 : vector<16xi32>
      tpu.vector_store_idx %arg15[%shift_right_arithmetic3A_391, %and3A_394], %broadcast_in_dim3A_49 {add = true} : memref<80x128xf32, #tpu.memory_space<vmem>>[vector<16xi32>, vector<16xi32>], vector<16xf32>,
      %get3A_395 = arith.constant 2 : i32
      %get3A_396 = arith.index_cast %get3A_395 : i32 to index
      %get3A_397 = arith.constant 32 : index
      %get3A_398 = tpu.vector_load %arg14[%get3A_396, %get3A_397] {strides = array<i32>} : memref<16x128xi32, #tpu.memory_space<vmem>>, vector<16xi32>,
      %shift_right_arithmetic3A_399 = arith.constant 7 : i32
      %shift_right_arithmetic3A_400 = vector.broadcast %shift_right_arithmetic3A_399 : i32 to vector<16xi32>
      %shift_right_arithmetic3A_401 = arith.shrsi %get3A_398, %shift_right_arithmetic3A_400 : vector<16xi32>
      %and3A_402 = arith.constant 127 : i32
      %and3A_403 = vector.broadcast %and3A_402 : i32 to vector<16xi32>
      %and3A_404 = arith.andi %get3A_398, %and3A_403 : vector<16xi32>
      tpu.vector_store_idx %arg15[%shift_right_arithmetic3A_401, %and3A_404], %broadcast_in_dim3A_49 {add = true} : memref<80x128xf32, #tpu.memory_space<vmem>>[vector<16xi32>, vector<16xi32>], vector<16xf32>,
      %get3A_405 = arith.constant 2 : i32
      %get3A_406 = arith.index_cast %get3A_405 : i32 to index
      %get3A_407 = arith.constant 48 : index
      %get3A_408 = tpu.vector_load %arg14[%get3A_406, %get3A_407] {strides = array<i32>} : memref<16x128xi32, #tpu.memory_space<vmem>>, vector<16xi32>,
      %shift_right_arithmetic3A_409 = arith.constant 7 : i32
      %shift_right_arithmetic3A_410 = vector.broadcast %shift_right_arithmetic3A_409 : i32 to vector<16xi32>
      %shift_right_arithmetic3A_411 = arith.shrsi %get3A_408, %shift_right_arithmetic3A_410 : vector<16xi32>
      %and3A_412 = arith.constant 127 : i32
      %and3A_413 = vector.broadcast %and3A_412 : i32 to vector<16xi32>
      %and3A_414 = arith.andi %get3A_408, %and3A_413 : vector<16xi32>
      tpu.vector_store_idx %arg15[%shift_right_arithmetic3A_411, %and3A_414], %broadcast_in_dim3A_49 {add = true} : memref<80x128xf32, #tpu.memory_space<vmem>>[vector<16xi32>, vector<16xi32>], vector<16xf32>,
      %get3A_415 = arith.constant 2 : i32
      %get3A_416 = arith.index_cast %get3A_415 : i32 to index
      %get3A_417 = arith.constant 64 : index
      %get3A_418 = tpu.vector_load %arg14[%get3A_416, %get3A_417] {strides = array<i32>} : memref<16x128xi32, #tpu.memory_space<vmem>>, vector<16xi32>,
      %shift_right_arithmetic3A_419 = arith.constant 7 : i32
      %shift_right_arithmetic3A_420 = vector.broadcast %shift_right_arithmetic3A_419 : i32 to vector<16xi32>
      %shift_right_arithmetic3A_421 = arith.shrsi %get3A_418, %shift_right_arithmetic3A_420 : vector<16xi32>
      %and3A_422 = arith.constant 127 : i32
      %and3A_423 = vector.broadcast %and3A_422 : i32 to vector<16xi32>
      %and3A_424 = arith.andi %get3A_418, %and3A_423 : vector<16xi32>
      tpu.vector_store_idx %arg15[%shift_right_arithmetic3A_421, %and3A_424], %broadcast_in_dim3A_49 {add = true} : memref<80x128xf32, #tpu.memory_space<vmem>>[vector<16xi32>, vector<16xi32>], vector<16xf32>,
      %get3A_425 = arith.constant 2 : i32
      %get3A_426 = arith.index_cast %get3A_425 : i32 to index
      %get3A_427 = arith.constant 80 : index
      %get3A_428 = tpu.vector_load %arg14[%get3A_426, %get3A_427] {strides = array<i32>} : memref<16x128xi32, #tpu.memory_space<vmem>>, vector<16xi32>,
      %shift_right_arithmetic3A_429 = arith.constant 7 : i32
      %shift_right_arithmetic3A_430 = vector.broadcast %shift_right_arithmetic3A_429 : i32 to vector<16xi32>
      %shift_right_arithmetic3A_431 = arith.shrsi %get3A_428, %shift_right_arithmetic3A_430 : vector<16xi32>
      %and3A_432 = arith.constant 127 : i32
      %and3A_433 = vector.broadcast %and3A_432 : i32 to vector<16xi32>
      %and3A_434 = arith.andi %get3A_428, %and3A_433 : vector<16xi32>
      tpu.vector_store_idx %arg15[%shift_right_arithmetic3A_431, %and3A_434], %broadcast_in_dim3A_49 {add = true} : memref<80x128xf32, #tpu.memory_space<vmem>>[vector<16xi32>, vector<16xi32>], vector<16xf32>,
      %get3A_435 = arith.constant 2 : i32
      %get3A_436 = arith.index_cast %get3A_435 : i32 to index
      %get3A_437 = arith.constant 96 : index
      %get3A_438 = tpu.vector_load %arg14[%get3A_436, %get3A_437] {strides = array<i32>} : memref<16x128xi32, #tpu.memory_space<vmem>>, vector<16xi32>,
      %shift_right_arithmetic3A_439 = arith.constant 7 : i32
      %shift_right_arithmetic3A_440 = vector.broadcast %shift_right_arithmetic3A_439 : i32 to vector<16xi32>
      %shift_right_arithmetic3A_441 = arith.shrsi %get3A_438, %shift_right_arithmetic3A_440 : vector<16xi32>
      %and3A_442 = arith.constant 127 : i32
      %and3A_443 = vector.broadcast %and3A_442 : i32 to vector<16xi32>
      %and3A_444 = arith.andi %get3A_438, %and3A_443 : vector<16xi32>
      tpu.vector_store_idx %arg15[%shift_right_arithmetic3A_441, %and3A_444], %broadcast_in_dim3A_49 {add = true} : memref<80x128xf32, #tpu.memory_space<vmem>>[vector<16xi32>, vector<16xi32>], vector<16xf32>,
      %get3A_445 = arith.constant 2 : i32
      %get3A_446 = arith.index_cast %get3A_445 : i32 to index
      %get3A_447 = arith.constant 112 : index
      %get3A_448 = tpu.vector_load %arg14[%get3A_446, %get3A_447] {strides = array<i32>} : memref<16x128xi32, #tpu.memory_space<vmem>>, vector<16xi32>,
      %shift_right_arithmetic3A_449 = arith.constant 7 : i32
      %shift_right_arithmetic3A_450 = vector.broadcast %shift_right_arithmetic3A_449 : i32 to vector<16xi32>
      %shift_right_arithmetic3A_451 = arith.shrsi %get3A_448, %shift_right_arithmetic3A_450 : vector<16xi32>
      %and3A_452 = arith.constant 127 : i32
      %and3A_453 = vector.broadcast %and3A_452 : i32 to vector<16xi32>
      %and3A_454 = arith.andi %get3A_448, %and3A_453 : vector<16xi32>
      tpu.vector_store_idx %arg15[%shift_right_arithmetic3A_451, %and3A_454], %broadcast_in_dim3A_49 {add = true} : memref<80x128xf32, #tpu.memory_space<vmem>>[vector<16xi32>, vector<16xi32>], vector<16xf32>,
      %dma_wait3A_455 = arith.constant 1 : i32
      %dma_wait3A_456 = arith.constant 1 : i32
      %dma_wait3A_457 = arith.constant 0 : i32
      %dma_wait3A_458 = arith.constant 0 : i32
      %dma_wait3A_459 = tpu.memref_slice %arg12[%dma_wait3A_455, %dma_wait3A_457, %dma_wait3A_458] : memref<4x128x128xbf16, #tpu.memory_space<vmem>> -> memref<1x128x128xbf16, #tpu.memory_space<vmem>>
      %dma_wait3A_460 = tpu.memref_squeeze %dma_wait3A_459 : memref<1x128x128xbf16, #tpu.memory_space<vmem>> -> memref<128x128xbf16, #tpu.memory_space<vmem>>
      %dma_wait3A_461 = arith.constant 0 : i32
      %dma_wait3A_462 = tpu.memref_slice %arg14[%dma_wait3A_456, %dma_wait3A_461] : memref<16x128xi32, #tpu.memory_space<vmem>> -> memref<1x128xi32, #tpu.memory_space<vmem>>
      %dma_wait3A_463 = tpu.memref_squeeze %dma_wait3A_462 : memref<1x128xi32, #tpu.memory_space<vmem>> -> memref<128xi32, #tpu.memory_space<vmem>>
      %dma_wait3A_464 = arith.constant 0 : i32
      %dma_wait3A_465 = arith.constant 0 : i32
      %dma_wait3A_466 = tpu.memref_slice %arg10[%dma_wait3A_464, %dma_wait3A_465] : memref<10112x128xbf16, #tpu.memory_space<vmem_shared>> -> memref<10112x128xbf16, #tpu.memory_space<vmem_shared>>
      tpu.wait_indirect_dma semaphore(%arg22 : memref<!tpu.dma_semaphore, #tpu.memory_space<semaphore_mem>>) src(%dma_wait3A_460 : memref<128x128xbf16, #tpu.memory_space<vmem>>) dst(%dma_wait3A_466 : memref<10112x128xbf16, #tpu.memory_space<vmem_shared>>)
      %dma_start3A_467 = arith.constant 1 : i32
      %dma_start3A_468 = arith.constant 0 : i32
      %dma_start3A_469 = arith.constant 0 : i32
      %dma_start3A_470 = tpu.memref_slice %arg12[%dma_start3A_467, %dma_start3A_468, %dma_start3A_469] : memref<4x128x128xbf16, #tpu.memory_space<vmem>> -> memref<1x128x128xbf16, #tpu.memory_space<vmem>>
      %dma_start3A_471 = tpu.memref_squeeze %dma_start3A_470 : memref<1x128x128xbf16, #tpu.memory_space<vmem>> -> memref<128x128xbf16, #tpu.memory_space<vmem>>
      %dma_start3A_472 = arith.constant 640 : i32
      %dma_start3A_473 = tpu.memref_slice %arg13[%dma_start3A_472] : memref<2048xi32, #tpu.memory_space<vmem>> -> memref<128xi32, #tpu.memory_space<vmem>>
      %dma_start3A_474 = arith.constant 0 : i32
      %dma_start3A_475 = arith.constant 0 : i32
      %dma_start3A_476 = tpu.memref_slice %arg9[%dma_start3A_474, %dma_start3A_475] : memref<10000x128xbf16, #tpu.memory_space<vmem_shared>> -> memref<10000x128xbf16, #tpu.memory_space<vmem_shared>>
      tpu.enqueue_indirect_dma source(%dma_start3A_476 : memref<10000x128xbf16, #tpu.memory_space<vmem_shared>>) target(%dma_start3A_471 : memref<128x128xbf16, #tpu.memory_space<vmem>>) offsets(%dma_start3A_473 : memref<128xi32, #tpu.memory_space<vmem>>) semaphore(%arg18 : memref<!tpu.dma_semaphore, #tpu.memory_space<semaphore_mem>>)
      %dma_wait3A_477 = arith.constant 3 : i32
      %dma_wait3A_478 = arith.constant 0 : i32
      %dma_wait3A_479 = arith.constant 0 : i32
      %dma_wait3A_480 = tpu.memref_slice %arg12[%dma_wait3A_477, %dma_wait3A_478, %dma_wait3A_479] : memref<4x128x128xbf16, #tpu.memory_space<vmem>> -> memref<1x128x128xbf16, #tpu.memory_space<vmem>>
      %dma_wait3A_481 = tpu.memref_squeeze %dma_wait3A_480 : memref<1x128x128xbf16, #tpu.memory_space<vmem>> -> memref<128x128xbf16, #tpu.memory_space<vmem>>
      %dma_wait3A_482 = arith.constant 384 : i32
      %dma_wait3A_483 = tpu.memref_slice %arg13[%dma_wait3A_482] : memref<2048xi32, #tpu.memory_space<vmem>> -> memref<128xi32, #tpu.memory_space<vmem>>
      %dma_wait3A_484 = arith.constant 0 : i32
      %dma_wait3A_485 = arith.constant 0 : i32
      %dma_wait3A_486 = tpu.memref_slice %arg9[%dma_wait3A_484, %dma_wait3A_485] : memref<10000x128xbf16, #tpu.memory_space<vmem_shared>> -> memref<10000x128xbf16, #tpu.memory_space<vmem_shared>>
      tpu.wait_indirect_dma semaphore(%arg20 : memref<!tpu.dma_semaphore, #tpu.memory_space<semaphore_mem>>) src(%dma_wait3A_486 : memref<10000x128xbf16, #tpu.memory_space<vmem_shared>>) dst(%dma_wait3A_481 : memref<128x128xbf16, #tpu.memory_space<vmem>>)
      %dma_start3A_487 = arith.constant 3 : i32
      %dma_start3A_488 = arith.constant 3 : i32
      %dma_start3A_489 = arith.constant 0 : i32
      %dma_start3A_490 = arith.constant 0 : i32
      %dma_start3A_491 = tpu.memref_slice %arg12[%dma_start3A_487, %dma_start3A_489, %dma_start3A_490] : memref<4x128x128xbf16, #tpu.memory_space<vmem>> -> memref<1x128x128xbf16, #tpu.memory_space<vmem>>
      %dma_start3A_492 = tpu.memref_squeeze %dma_start3A_491 : memref<1x128x128xbf16, #tpu.memory_space<vmem>> -> memref<128x128xbf16, #tpu.memory_space<vmem>>
      %dma_start3A_493 = arith.constant 0 : i32
      %dma_start3A_494 = tpu.memref_slice %arg14[%dma_start3A_488, %dma_start3A_493] : memref<16x128xi32, #tpu.memory_space<vmem>> -> memref<1x128xi32, #tpu.memory_space<vmem>>
      %dma_start3A_495 = tpu.memref_squeeze %dma_start3A_494 : memref<1x128xi32, #tpu.memory_space<vmem>> -> memref<128xi32, #tpu.memory_space<vmem>>
      %dma_start3A_496 = arith.constant 0 : i32
      %dma_start3A_497 = arith.constant 0 : i32
      %dma_start3A_498 = tpu.memref_slice %arg10[%dma_start3A_496, %dma_start3A_497] : memref<10112x128xbf16, #tpu.memory_space<vmem_shared>> -> memref<10112x128xbf16, #tpu.memory_space<vmem_shared>>
      tpu.enqueue_indirect_dma source(%dma_start3A_492 : memref<128x128xbf16, #tpu.memory_space<vmem>>) target(%dma_start3A_498 : memref<10112x128xbf16, #tpu.memory_space<vmem_shared>>) offsets(%dma_start3A_495 : memref<128xi32, #tpu.memory_space<vmem>>) semaphore(%arg24 : memref<!tpu.dma_semaphore, #tpu.memory_space<semaphore_mem>>) {add = true}
      %get3A_499 = arith.constant 3 : i32
      %get3A_500 = arith.index_cast %get3A_499 : i32 to index
      %get3A_501 = arith.constant 0 : index
      %get3A_502 = tpu.vector_load %arg14[%get3A_500, %get3A_501] {strides = array<i32>} : memref<16x128xi32, #tpu.memory_space<vmem>>, vector<16xi32>,
      %shift_right_arithmetic3A_503 = arith.constant 7 : i32
      %shift_right_arithmetic3A_504 = vector.broadcast %shift_right_arithmetic3A_503 : i32 to vector<16xi32>
      %shift_right_arithmetic3A_505 = arith.shrsi %get3A_502, %shift_right_arithmetic3A_504 : vector<16xi32>
      %and3A_506 = arith.constant 127 : i32
      %and3A_507 = vector.broadcast %and3A_506 : i32 to vector<16xi32>
      %and3A_508 = arith.andi %get3A_502, %and3A_507 : vector<16xi32>
      tpu.vector_store_idx %arg15[%shift_right_arithmetic3A_505, %and3A_508], %broadcast_in_dim3A_49 {add = true} : memref<80x128xf32, #tpu.memory_space<vmem>>[vector<16xi32>, vector<16xi32>], vector<16xf32>,
      %get3A_509 = arith.constant 3 : i32
      %get3A_510 = arith.index_cast %get3A_509 : i32 to index
      %get3A_511 = arith.constant 16 : index
      %get3A_512 = tpu.vector_load %arg14[%get3A_510, %get3A_511] {strides = array<i32>} : memref<16x128xi32, #tpu.memory_space<vmem>>, vector<16xi32>,
      %shift_right_arithmetic3A_513 = arith.constant 7 : i32
      %shift_right_arithmetic3A_514 = vector.broadcast %shift_right_arithmetic3A_513 : i32 to vector<16xi32>
      %shift_right_arithmetic3A_515 = arith.shrsi %get3A_512, %shift_right_arithmetic3A_514 : vector<16xi32>
      %and3A_516 = arith.constant 127 : i32
      %and3A_517 = vector.broadcast %and3A_516 : i32 to vector<16xi32>
      %and3A_518 = arith.andi %get3A_512, %and3A_517 : vector<16xi32>
      tpu.vector_store_idx %arg15[%shift_right_arithmetic3A_515, %and3A_518], %broadcast_in_dim3A_49 {add = true} : memref<80x128xf32, #tpu.memory_space<vmem>>[vector<16xi32>, vector<16xi32>], vector<16xf32>,
      %get3A_519 = arith.constant 3 : i32
      %get3A_520 = arith.index_cast %get3A_519 : i32 to index
      %get3A_521 = arith.constant 32 : index
      %get3A_522 = tpu.vector_load %arg14[%get3A_520, %get3A_521] {strides = array<i32>} : memref<16x128xi32, #tpu.memory_space<vmem>>, vector<16xi32>,
      %shift_right_arithmetic3A_523 = arith.constant 7 : i32
      %shift_right_arithmetic3A_524 = vector.broadcast %shift_right_arithmetic3A_523 : i32 to vector<16xi32>
      %shift_right_arithmetic3A_525 = arith.shrsi %get3A_522, %shift_right_arithmetic3A_524 : vector<16xi32>
      %and3A_526 = arith.constant 127 : i32
      %and3A_527 = vector.broadcast %and3A_526 : i32 to vector<16xi32>
      %and3A_528 = arith.andi %get3A_522, %and3A_527 : vector<16xi32>
      tpu.vector_store_idx %arg15[%shift_right_arithmetic3A_525, %and3A_528], %broadcast_in_dim3A_49 {add = true} : memref<80x128xf32, #tpu.memory_space<vmem>>[vector<16xi32>, vector<16xi32>], vector<16xf32>,
      %get3A_529 = arith.constant 3 : i32
      %get3A_530 = arith.index_cast %get3A_529 : i32 to index
      %get3A_531 = arith.constant 48 : index
      %get3A_532 = tpu.vector_load %arg14[%get3A_530, %get3A_531] {strides = array<i32>} : memref<16x128xi32, #tpu.memory_space<vmem>>, vector<16xi32>,
      %shift_right_arithmetic3A_533 = arith.constant 7 : i32
      %shift_right_arithmetic3A_534 = vector.broadcast %shift_right_arithmetic3A_533 : i32 to vector<16xi32>
      %shift_right_arithmetic3A_535 = arith.shrsi %get3A_532, %shift_right_arithmetic3A_534 : vector<16xi32>
      %and3A_536 = arith.constant 127 : i32
      %and3A_537 = vector.broadcast %and3A_536 : i32 to vector<16xi32>
      %and3A_538 = arith.andi %get3A_532, %and3A_537 : vector<16xi32>
      tpu.vector_store_idx %arg15[%shift_right_arithmetic3A_535, %and3A_538], %broadcast_in_dim3A_49 {add = true} : memref<80x128xf32, #tpu.memory_space<vmem>>[vector<16xi32>, vector<16xi32>], vector<16xf32>,
      %get3A_539 = arith.constant 3 : i32
      %get3A_540 = arith.index_cast %get3A_539 : i32 to index
      %get3A_541 = arith.constant 64 : index
      %get3A_542 = tpu.vector_load %arg14[%get3A_540, %get3A_541] {strides = array<i32>} : memref<16x128xi32, #tpu.memory_space<vmem>>, vector<16xi32>,
      %shift_right_arithmetic3A_543 = arith.constant 7 : i32
      %shift_right_arithmetic3A_544 = vector.broadcast %shift_right_arithmetic3A_543 : i32 to vector<16xi32>
      %shift_right_arithmetic3A_545 = arith.shrsi %get3A_542, %shift_right_arithmetic3A_544 : vector<16xi32>
      %and3A_546 = arith.constant 127 : i32
      %and3A_547 = vector.broadcast %and3A_546 : i32 to vector<16xi32>
      %and3A_548 = arith.andi %get3A_542, %and3A_547 : vector<16xi32>
      tpu.vector_store_idx %arg15[%shift_right_arithmetic3A_545, %and3A_548], %broadcast_in_dim3A_49 {add = true} : memref<80x128xf32, #tpu.memory_space<vmem>>[vector<16xi32>, vector<16xi32>], vector<16xf32>,
      %get3A_549 = arith.constant 3 : i32
      %get3A_550 = arith.index_cast %get3A_549 : i32 to index
      %get3A_551 = arith.constant 80 : index
      %get3A_552 = tpu.vector_load %arg14[%get3A_550, %get3A_551] {strides = array<i32>} : memref<16x128xi32, #tpu.memory_space<vmem>>, vector<16xi32>,
      %shift_right_arithmetic3A_553 = arith.constant 7 : i32
      %shift_right_arithmetic3A_554 = vector.broadcast %shift_right_arithmetic3A_553 : i32 to vector<16xi32>
      %shift_right_arithmetic3A_555 = arith.shrsi %get3A_552, %shift_right_arithmetic3A_554 : vector<16xi32>
      %and3A_556 = arith.constant 127 : i32
      %and3A_557 = vector.broadcast %and3A_556 : i32 to vector<16xi32>
      %and3A_558 = arith.andi %get3A_552, %and3A_557 : vector<16xi32>
      tpu.vector_store_idx %arg15[%shift_right_arithmetic3A_555, %and3A_558], %broadcast_in_dim3A_49 {add = true} : memref<80x128xf32, #tpu.memory_space<vmem>>[vector<16xi32>, vector<16xi32>], vector<16xf32>,
      %get3A_559 = arith.constant 3 : i32
      %get3A_560 = arith.index_cast %get3A_559 : i32 to index
      %get3A_561 = arith.constant 96 : index
      %get3A_562 = tpu.vector_load %arg14[%get3A_560, %get3A_561] {strides = array<i32>} : memref<16x128xi32, #tpu.memory_space<vmem>>, vector<16xi32>,
      %shift_right_arithmetic3A_563 = arith.constant 7 : i32
      %shift_right_arithmetic3A_564 = vector.broadcast %shift_right_arithmetic3A_563 : i32 to vector<16xi32>
      %shift_right_arithmetic3A_565 = arith.shrsi %get3A_562, %shift_right_arithmetic3A_564 : vector<16xi32>
      %and3A_566 = arith.constant 127 : i32
      %and3A_567 = vector.broadcast %and3A_566 : i32 to vector<16xi32>
      %and3A_568 = arith.andi %get3A_562, %and3A_567 : vector<16xi32>
      tpu.vector_store_idx %arg15[%shift_right_arithmetic3A_565, %and3A_568], %broadcast_in_dim3A_49 {add = true} : memref<80x128xf32, #tpu.memory_space<vmem>>[vector<16xi32>, vector<16xi32>], vector<16xf32>,
      %get3A_569 = arith.constant 3 : i32
      %get3A_570 = arith.index_cast %get3A_569 : i32 to index
      %get3A_571 = arith.constant 112 : index
      %get3A_572 = tpu.vector_load %arg14[%get3A_570, %get3A_571] {strides = array<i32>} : memref<16x128xi32, #tpu.memory_space<vmem>>, vector<16xi32>,
      %shift_right_arithmetic3A_573 = arith.constant 7 : i32
      %shift_right_arithmetic3A_574 = vector.broadcast %shift_right_arithmetic3A_573 : i32 to vector<16xi32>
      %shift_right_arithmetic3A_575 = arith.shrsi %get3A_572, %shift_right_arithmetic3A_574 : vector<16xi32>
      %and3A_576 = arith.constant 127 : i32
      %and3A_577 = vector.broadcast %and3A_576 : i32 to vector<16xi32>
      %and3A_578 = arith.andi %get3A_572, %and3A_577 : vector<16xi32>
      tpu.vector_store_idx %arg15[%shift_right_arithmetic3A_575, %and3A_578], %broadcast_in_dim3A_49 {add = true} : memref<80x128xf32, #tpu.memory_space<vmem>>[vector<16xi32>, vector<16xi32>], vector<16xf32>,
      %dma_wait3A_579 = arith.constant 2 : i32
      %dma_wait3A_580 = arith.constant 2 : i32
      %dma_wait3A_581 = arith.constant 0 : i32
      %dma_wait3A_582 = arith.constant 0 : i32
      %dma_wait3A_583 = tpu.memref_slice %arg12[%dma_wait3A_579, %dma_wait3A_581, %dma_wait3A_582] : memref<4x128x128xbf16, #tpu.memory_space<vmem>> -> memref<1x128x128xbf16, #tpu.memory_space<vmem>>
      %dma_wait3A_584 = tpu.memref_squeeze %dma_wait3A_583 : memref<1x128x128xbf16, #tpu.memory_space<vmem>> -> memref<128x128xbf16, #tpu.memory_space<vmem>>
      %dma_wait3A_585 = arith.constant 0 : i32
      %dma_wait3A_586 = tpu.memref_slice %arg14[%dma_wait3A_580, %dma_wait3A_585] : memref<16x128xi32, #tpu.memory_space<vmem>> -> memref<1x128xi32, #tpu.memory_space<vmem>>
      %dma_wait3A_587 = tpu.memref_squeeze %dma_wait3A_586 : memref<1x128xi32, #tpu.memory_space<vmem>> -> memref<128xi32, #tpu.memory_space<vmem>>
      %dma_wait3A_588 = arith.constant 0 : i32
      %dma_wait3A_589 = arith.constant 0 : i32
      %dma_wait3A_590 = tpu.memref_slice %arg10[%dma_wait3A_588, %dma_wait3A_589] : memref<10112x128xbf16, #tpu.memory_space<vmem_shared>> -> memref<10112x128xbf16, #tpu.memory_space<vmem_shared>>
      tpu.wait_indirect_dma semaphore(%arg23 : memref<!tpu.dma_semaphore, #tpu.memory_space<semaphore_mem>>) src(%dma_wait3A_584 : memref<128x128xbf16, #tpu.memory_space<vmem>>) dst(%dma_wait3A_590 : memref<10112x128xbf16, #tpu.memory_space<vmem_shared>>)
      %dma_start3A_591 = arith.constant 2 : i32
      %dma_start3A_592 = arith.constant 0 : i32
      %dma_start3A_593 = arith.constant 0 : i32
      %dma_start3A_594 = tpu.memref_slice %arg12[%dma_start3A_591, %dma_start3A_592, %dma_start3A_593] : memref<4x128x128xbf16, #tpu.memory_space<vmem>> -> memref<1x128x128xbf16, #tpu.memory_space<vmem>>
      %dma_start3A_595 = tpu.memref_squeeze %dma_start3A_594 : memref<1x128x128xbf16, #tpu.memory_space<vmem>> -> memref<128x128xbf16, #tpu.memory_space<vmem>>
      %dma_start3A_596 = arith.constant 768 : i32
      %dma_start3A_597 = tpu.memref_slice %arg13[%dma_start3A_596] : memref<2048xi32, #tpu.memory_space<vmem>> -> memref<128xi32, #tpu.memory_space<vmem>>
      %dma_start3A_598 = arith.constant 0 : i32
      %dma_start3A_599 = arith.constant 0 : i32
      %dma_start3A_600 = tpu.memref_slice %arg9[%dma_start3A_598, %dma_start3A_599] : memref<10000x128xbf16, #tpu.memory_space<vmem_shared>> -> memref<10000x128xbf16, #tpu.memory_space<vmem_shared>>
      tpu.enqueue_indirect_dma source(%dma_start3A_600 : memref<10000x128xbf16, #tpu.memory_space<vmem_shared>>) target(%dma_start3A_595 : memref<128x128xbf16, #tpu.memory_space<vmem>>) offsets(%dma_start3A_597 : memref<128xi32, #tpu.memory_space<vmem>>) semaphore(%arg19 : memref<!tpu.dma_semaphore, #tpu.memory_space<semaphore_mem>>)
      %dma_wait3A_601 = arith.constant 0 : i32
      %dma_wait3A_602 = arith.constant 0 : i32
      %dma_wait3A_603 = arith.constant 0 : i32
      %dma_wait3A_604 = tpu.memref_slice %arg12[%dma_wait3A_601, %dma_wait3A_602, %dma_wait3A_603] : memref<4x128x128xbf16, #tpu.memory_space<vmem>> -> memref<1x128x128xbf16, #tpu.memory_space<vmem>>
      %dma_wait3A_605 = tpu.memref_squeeze %dma_wait3A_604 : memref<1x128x128xbf16, #tpu.memory_space<vmem>> -> memref<128x128xbf16, #tpu.memory_space<vmem>>
      %dma_wait3A_606 = arith.constant 512 : i32
      %dma_wait3A_607 = tpu.memref_slice %arg13[%dma_wait3A_606] : memref<2048xi32, #tpu.memory_space<vmem>> -> memref<128xi32, #tpu.memory_space<vmem>>
      %dma_wait3A_608 = arith.constant 0 : i32
      %dma_wait3A_609 = arith.constant 0 : i32
      %dma_wait3A_610 = tpu.memref_slice %arg9[%dma_wait3A_608, %dma_wait3A_609] : memref<10000x128xbf16, #tpu.memory_space<vmem_shared>> -> memref<10000x128xbf16, #tpu.memory_space<vmem_shared>>
      tpu.wait_indirect_dma semaphore(%arg17 : memref<!tpu.dma_semaphore, #tpu.memory_space<semaphore_mem>>) src(%dma_wait3A_610 : memref<10000x128xbf16, #tpu.memory_space<vmem_shared>>) dst(%dma_wait3A_605 : memref<128x128xbf16, #tpu.memory_space<vmem>>)
      %dma_start3A_611 = arith.constant 0 : i32
      %dma_start3A_612 = arith.constant 4 : i32
      %dma_start3A_613 = arith.constant 0 : i32
      %dma_start3A_614 = arith.constant 0 : i32
      %dma_start3A_615 = tpu.memref_slice %arg12[%dma_start3A_611, %dma_start3A_613, %dma_start3A_614] : memref<4x128x128xbf16, #tpu.memory_space<vmem>> -> memref<1x128x128xbf16, #tpu.memory_space<vmem>>
      %dma_start3A_616 = tpu.memref_squeeze %dma_start3A_615 : memref<1x128x128xbf16, #tpu.memory_space<vmem>> -> memref<128x128xbf16, #tpu.memory_space<vmem>>
      %dma_start3A_617 = arith.constant 0 : i32
      %dma_start3A_618 = tpu.memref_slice %arg14[%dma_start3A_612, %dma_start3A_617] : memref<16x128xi32, #tpu.memory_space<vmem>> -> memref<1x128xi32, #tpu.memory_space<vmem>>
      %dma_start3A_619 = tpu.memref_squeeze %dma_start3A_618 : memref<1x128xi32, #tpu.memory_space<vmem>> -> memref<128xi32, #tpu.memory_space<vmem>>
      %dma_start3A_620 = arith.constant 0 : i32
      %dma_start3A_621 = arith.constant 0 : i32
      %dma_start3A_622 = tpu.memref_slice %arg10[%dma_start3A_620, %dma_start3A_621] : memref<10112x128xbf16, #tpu.memory_space<vmem_shared>> -> memref<10112x128xbf16, #tpu.memory_space<vmem_shared>>
      tpu.enqueue_indirect_dma source(%dma_start3A_616 : memref<128x128xbf16, #tpu.memory_space<vmem>>) target(%dma_start3A_622 : memref<10112x128xbf16, #tpu.memory_space<vmem_shared>>) offsets(%dma_start3A_619 : memref<128xi32, #tpu.memory_space<vmem>>) semaphore(%arg21 : memref<!tpu.dma_semaphore, #tpu.memory_space<semaphore_mem>>) {add = true}
      %get3A_623 = arith.constant 4 : i32
      %get3A_624 = arith.index_cast %get3A_623 : i32 to index
      %get3A_625 = arith.constant 0 : index
      %get3A_626 = tpu.vector_load %arg14[%get3A_624, %get3A_625] {strides = array<i32>} : memref<16x128xi32, #tpu.memory_space<vmem>>, vector<16xi32>,
      %shift_right_arithmetic3A_627 = arith.constant 7 : i32
      %shift_right_arithmetic3A_628 = vector.broadcast %shift_right_arithmetic3A_627 : i32 to vector<16xi32>
      %shift_right_arithmetic3A_629 = arith.shrsi %get3A_626, %shift_right_arithmetic3A_628 : vector<16xi32>
      %and3A_630 = arith.constant 127 : i32
      %and3A_631 = vector.broadcast %and3A_630 : i32 to vector<16xi32>
      %and3A_632 = arith.andi %get3A_626, %and3A_631 : vector<16xi32>
      tpu.vector_store_idx %arg15[%shift_right_arithmetic3A_629, %and3A_632], %broadcast_in_dim3A_49 {add = true} : memref<80x128xf32, #tpu.memory_space<vmem>>[vector<16xi32>, vector<16xi32>], vector<16xf32>,
      %get3A_633 = arith.constant 4 : i32
      %get3A_634 = arith.index_cast %get3A_633 : i32 to index
      %get3A_635 = arith.constant 16 : index
      %get3A_636 = tpu.vector_load %arg14[%get3A_634, %get3A_635] {strides = array<i32>} : memref<16x128xi32, #tpu.memory_space<vmem>>, vector<16xi32>,
      %shift_right_arithmetic3A_637 = arith.constant 7 : i32
      %shift_right_arithmetic3A_638 = vector.broadcast %shift_right_arithmetic3A_637 : i32 to vector<16xi32>
      %shift_right_arithmetic3A_639 = arith.shrsi %get3A_636, %shift_right_arithmetic3A_638 : vector<16xi32>
      %and3A_640 = arith.constant 127 : i32
      %and3A_641 = vector.broadcast %and3A_640 : i32 to vector<16xi32>
      %and3A_642 = arith.andi %get3A_636, %and3A_641 : vector<16xi32>
      tpu.vector_store_idx %arg15[%shift_right_arithmetic3A_639, %and3A_642], %broadcast_in_dim3A_49 {add = true} : memref<80x128xf32, #tpu.memory_space<vmem>>[vector<16xi32>, vector<16xi32>], vector<16xf32>,
      %get3A_643 = arith.constant 4 : i32
      %get3A_644 = arith.index_cast %get3A_643 : i32 to index
      %get3A_645 = arith.constant 32 : index
      %get3A_646 = tpu.vector_load %arg14[%get3A_644, %get3A_645] {strides = array<i32>} : memref<16x128xi32, #tpu.memory_space<vmem>>, vector<16xi32>,
      %shift_right_arithmetic3A_647 = arith.constant 7 : i32
      %shift_right_arithmetic3A_648 = vector.broadcast %shift_right_arithmetic3A_647 : i32 to vector<16xi32>
      %shift_right_arithmetic3A_649 = arith.shrsi %get3A_646, %shift_right_arithmetic3A_648 : vector<16xi32>
      %and3A_650 = arith.constant 127 : i32
      %and3A_651 = vector.broadcast %and3A_650 : i32 to vector<16xi32>
      %and3A_652 = arith.andi %get3A_646, %and3A_651 : vector<16xi32>
      tpu.vector_store_idx %arg15[%shift_right_arithmetic3A_649, %and3A_652], %broadcast_in_dim3A_49 {add = true} : memref<80x128xf32, #tpu.memory_space<vmem>>[vector<16xi32>, vector<16xi32>], vector<16xf32>,
      %get3A_653 = arith.constant 4 : i32
      %get3A_654 = arith.index_cast %get3A_653 : i32 to index
      %get3A_655 = arith.constant 48 : index
      %get3A_656 = tpu.vector_load %arg14[%get3A_654, %get3A_655] {strides = array<i32>} : memref<16x128xi32, #tpu.memory_space<vmem>>, vector<16xi32>,
      %shift_right_arithmetic3A_657 = arith.constant 7 : i32
      %shift_right_arithmetic3A_658 = vector.broadcast %shift_right_arithmetic3A_657 : i32 to vector<16xi32>
      %shift_right_arithmetic3A_659 = arith.shrsi %get3A_656, %shift_right_arithmetic3A_658 : vector<16xi32>
      %and3A_660 = arith.constant 127 : i32
      %and3A_661 = vector.broadcast %and3A_660 : i32 to vector<16xi32>
      %and3A_662 = arith.andi %get3A_656, %and3A_661 : vector<16xi32>
      tpu.vector_store_idx %arg15[%shift_right_arithmetic3A_659, %and3A_662], %broadcast_in_dim3A_49 {add = true} : memref<80x128xf32, #tpu.memory_space<vmem>>[vector<16xi32>, vector<16xi32>], vector<16xf32>,
      %get3A_663 = arith.constant 4 : i32
      %get3A_664 = arith.index_cast %get3A_663 : i32 to index
      %get3A_665 = arith.constant 64 : index
      %get3A_666 = tpu.vector_load %arg14[%get3A_664, %get3A_665] {strides = array<i32>} : memref<16x128xi32, #tpu.memory_space<vmem>>, vector<16xi32>,
      %shift_right_arithmetic3A_667 = arith.constant 7 : i32
      %shift_right_arithmetic3A_668 = vector.broadcast %shift_right_arithmetic3A_667 : i32 to vector<16xi32>
      %shift_right_arithmetic3A_669 = arith.shrsi %get3A_666, %shift_right_arithmetic3A_668 : vector<16xi32>
      %and3A_670 = arith.constant 127 : i32
      %and3A_671 = vector.broadcast %and3A_670 : i32 to vector<16xi32>
      %and3A_672 = arith.andi %get3A_666, %and3A_671 : vector<16xi32>
      tpu.vector_store_idx %arg15[%shift_right_arithmetic3A_669, %and3A_672], %broadcast_in_dim3A_49 {add = true} : memref<80x128xf32, #tpu.memory_space<vmem>>[vector<16xi32>, vector<16xi32>], vector<16xf32>,
      %get3A_673 = arith.constant 4 : i32
      %get3A_674 = arith.index_cast %get3A_673 : i32 to index
      %get3A_675 = arith.constant 80 : index
      %get3A_676 = tpu.vector_load %arg14[%get3A_674, %get3A_675] {strides = array<i32>} : memref<16x128xi32, #tpu.memory_space<vmem>>, vector<16xi32>,
      %shift_right_arithmetic3A_677 = arith.constant 7 : i32
      %shift_right_arithmetic3A_678 = vector.broadcast %shift_right_arithmetic3A_677 : i32 to vector<16xi32>
      %shift_right_arithmetic3A_679 = arith.shrsi %get3A_676, %shift_right_arithmetic3A_678 : vector<16xi32>
      %and3A_680 = arith.constant 127 : i32
      %and3A_681 = vector.broadcast %and3A_680 : i32 to vector<16xi32>
      %and3A_682 = arith.andi %get3A_676, %and3A_681 : vector<16xi32>
      tpu.vector_store_idx %arg15[%shift_right_arithmetic3A_679, %and3A_682], %broadcast_in_dim3A_49 {add = true} : memref<80x128xf32, #tpu.memory_space<vmem>>[vector<16xi32>, vector<16xi32>], vector<16xf32>,
      %get3A_683 = arith.constant 4 : i32
      %get3A_684 = arith.index_cast %get3A_683 : i32 to index
      %get3A_685 = arith.constant 96 : index
      %get3A_686 = tpu.vector_load %arg14[%get3A_684, %get3A_685] {strides = array<i32>} : memref<16x128xi32, #tpu.memory_space<vmem>>, vector<16xi32>,
      %shift_right_arithmetic3A_687 = arith.constant 7 : i32
      %shift_right_arithmetic3A_688 = vector.broadcast %shift_right_arithmetic3A_687 : i32 to vector<16xi32>
      %shift_right_arithmetic3A_689 = arith.shrsi %get3A_686, %shift_right_arithmetic3A_688 : vector<16xi32>
      %and3A_690 = arith.constant 127 : i32
      %and3A_691 = vector.broadcast %and3A_690 : i32 to vector<16xi32>
      %and3A_692 = arith.andi %get3A_686, %and3A_691 : vector<16xi32>
      tpu.vector_store_idx %arg15[%shift_right_arithmetic3A_689, %and3A_692], %broadcast_in_dim3A_49 {add = true} : memref<80x128xf32, #tpu.memory_space<vmem>>[vector<16xi32>, vector<16xi32>], vector<16xf32>,
      %get3A_693 = arith.constant 4 : i32
      %get3A_694 = arith.index_cast %get3A_693 : i32 to index
      %get3A_695 = arith.constant 112 : index
      %get3A_696 = tpu.vector_load %arg14[%get3A_694, %get3A_695] {strides = array<i32>} : memref<16x128xi32, #tpu.memory_space<vmem>>, vector<16xi32>,
      %shift_right_arithmetic3A_697 = arith.constant 7 : i32
      %shift_right_arithmetic3A_698 = vector.broadcast %shift_right_arithmetic3A_697 : i32 to vector<16xi32>
      %shift_right_arithmetic3A_699 = arith.shrsi %get3A_696, %shift_right_arithmetic3A_698 : vector<16xi32>
      %and3A_700 = arith.constant 127 : i32
      %and3A_701 = vector.broadcast %and3A_700 : i32 to vector<16xi32>
      %and3A_702 = arith.andi %get3A_696, %and3A_701 : vector<16xi32>
      tpu.vector_store_idx %arg15[%shift_right_arithmetic3A_699, %and3A_702], %broadcast_in_dim3A_49 {add = true} : memref<80x128xf32, #tpu.memory_space<vmem>>[vector<16xi32>, vector<16xi32>], vector<16xf32>,
      %dma_wait3A_703 = arith.constant 3 : i32
      %dma_wait3A_704 = arith.constant 3 : i32
      %dma_wait3A_705 = arith.constant 0 : i32
      %dma_wait3A_706 = arith.constant 0 : i32
      %dma_wait3A_707 = tpu.memref_slice %arg12[%dma_wait3A_703, %dma_wait3A_705, %dma_wait3A_706] : memref<4x128x128xbf16, #tpu.memory_space<vmem>> -> memref<1x128x128xbf16, #tpu.memory_space<vmem>>
      %dma_wait3A_708 = tpu.memref_squeeze %dma_wait3A_707 : memref<1x128x128xbf16, #tpu.memory_space<vmem>> -> memref<128x128xbf16, #tpu.memory_space<vmem>>
      %dma_wait3A_709 = arith.constant 0 : i32
      %dma_wait3A_710 = tpu.memref_slice %arg14[%dma_wait3A_704, %dma_wait3A_709] : memref<16x128xi32, #tpu.memory_space<vmem>> -> memref<1x128xi32, #tpu.memory_space<vmem>>
      %dma_wait3A_711 = tpu.memref_squeeze %dma_wait3A_710 : memref<1x128xi32, #tpu.memory_space<vmem>> -> memref<128xi32, #tpu.memory_space<vmem>>
      %dma_wait3A_712 = arith.constant 0 : i32
      %dma_wait3A_713 = arith.constant 0 : i32
      %dma_wait3A_714 = tpu.memref_slice %arg10[%dma_wait3A_712, %dma_wait3A_713] : memref<10112x128xbf16, #tpu.memory_space<vmem_shared>> -> memref<10112x128xbf16, #tpu.memory_space<vmem_shared>>
      tpu.wait_indirect_dma semaphore(%arg24 : memref<!tpu.dma_semaphore, #tpu.memory_space<semaphore_mem>>) src(%dma_wait3A_708 : memref<128x128xbf16, #tpu.memory_space<vmem>>) dst(%dma_wait3A_714 : memref<10112x128xbf16, #tpu.memory_space<vmem_shared>>)
      %dma_start3A_715 = arith.constant 3 : i32
      %dma_start3A_716 = arith.constant 0 : i32
      %dma_start3A_717 = arith.constant 0 : i32
      %dma_start3A_718 = tpu.memref_slice %arg12[%dma_start3A_715, %dma_start3A_716, %dma_start3A_717] : memref<4x128x128xbf16, #tpu.memory_space<vmem>> -> memref<1x128x128xbf16, #tpu.memory_space<vmem>>
      %dma_start3A_719 = tpu.memref_squeeze %dma_start3A_718 : memref<1x128x128xbf16, #tpu.memory_space<vmem>> -> memref<128x128xbf16, #tpu.memory_space<vmem>>
      %dma_start3A_720 = arith.constant 896 : i32
      %dma_start3A_721 = tpu.memref_slice %arg13[%dma_start3A_720] : memref<2048xi32, #tpu.memory_space<vmem>> -> memref<128xi32, #tpu.memory_space<vmem>>
      %dma_start3A_722 = arith.constant 0 : i32
      %dma_start3A_723 = arith.constant 0 : i32
      %dma_start3A_724 = tpu.memref_slice %arg9[%dma_start3A_722, %dma_start3A_723] : memref<10000x128xbf16, #tpu.memory_space<vmem_shared>> -> memref<10000x128xbf16, #tpu.memory_space<vmem_shared>>
      tpu.enqueue_indirect_dma source(%dma_start3A_724 : memref<10000x128xbf16, #tpu.memory_space<vmem_shared>>) target(%dma_start3A_719 : memref<128x128xbf16, #tpu.memory_space<vmem>>) offsets(%dma_start3A_721 : memref<128xi32, #tpu.memory_space<vmem>>) semaphore(%arg20 : memref<!tpu.dma_semaphore, #tpu.memory_space<semaphore_mem>>)
      %dma_wait3A_725 = arith.constant 1 : i32
      %dma_wait3A_726 = arith.constant 0 : i32
      %dma_wait3A_727 = arith.constant 0 : i32
      %dma_wait3A_728 = tpu.memref_slice %arg12[%dma_wait3A_725, %dma_wait3A_726, %dma_wait3A_727] : memref<4x128x128xbf16, #tpu.memory_space<vmem>> -> memref<1x128x128xbf16, #tpu.memory_space<vmem>>
      %dma_wait3A_729 = tpu.memref_squeeze %dma_wait3A_728 : memref<1x128x128xbf16, #tpu.memory_space<vmem>> -> memref<128x128xbf16, #tpu.memory_space<vmem>>
      %dma_wait3A_730 = arith.constant 640 : i32
      %dma_wait3A_731 = tpu.memref_slice %arg13[%dma_wait3A_730] : memref<2048xi32, #tpu.memory_space<vmem>> -> memref<128xi32, #tpu.memory_space<vmem>>
      %dma_wait3A_732 = arith.constant 0 : i32
      %dma_wait3A_733 = arith.constant 0 : i32
      %dma_wait3A_734 = tpu.memref_slice %arg9[%dma_wait3A_732, %dma_wait3A_733] : memref<10000x128xbf16, #tpu.memory_space<vmem_shared>> -> memref<10000x128xbf16, #tpu.memory_space<vmem_shared>>
      tpu.wait_indirect_dma semaphore(%arg18 : memref<!tpu.dma_semaphore, #tpu.memory_space<semaphore_mem>>) src(%dma_wait3A_734 : memref<10000x128xbf16, #tpu.memory_space<vmem_shared>>) dst(%dma_wait3A_729 : memref<128x128xbf16, #tpu.memory_space<vmem>>)
      %dma_start3A_735 = arith.constant 1 : i32
      %dma_start3A_736 = arith.constant 5 : i32
      %dma_start3A_737 = arith.constant 0 : i32
      %dma_start3A_738 = arith.constant 0 : i32
      %dma_start3A_739 = tpu.memref_slice %arg12[%dma_start3A_735, %dma_start3A_737, %dma_start3A_738] : memref<4x128x128xbf16, #tpu.memory_space<vmem>> -> memref<1x128x128xbf16, #tpu.memory_space<vmem>>
      %dma_start3A_740 = tpu.memref_squeeze %dma_start3A_739 : memref<1x128x128xbf16, #tpu.memory_space<vmem>> -> memref<128x128xbf16, #tpu.memory_space<vmem>>
      %dma_start3A_741 = arith.constant 0 : i32
      %dma_start3A_742 = tpu.memref_slice %arg14[%dma_start3A_736, %dma_start3A_741] : memref<16x128xi32, #tpu.memory_space<vmem>> -> memref<1x128xi32, #tpu.memory_space<vmem>>
      %dma_start3A_743 = tpu.memref_squeeze %dma_start3A_742 : memref<1x128xi32, #tpu.memory_space<vmem>> -> memref<128xi32, #tpu.memory_space<vmem>>
      %dma_start3A_744 = arith.constant 0 : i32
      %dma_start3A_745 = arith.constant 0 : i32
      %dma_start3A_746 = tpu.memref_slice %arg10[%dma_start3A_744, %dma_start3A_745] : memref<10112x128xbf16, #tpu.memory_space<vmem_shared>> -> memref<10112x128xbf16, #tpu.memory_space<vmem_shared>>
      tpu.enqueue_indirect_dma source(%dma_start3A_740 : memref<128x128xbf16, #tpu.memory_space<vmem>>) target(%dma_start3A_746 : memref<10112x128xbf16, #tpu.memory_space<vmem_shared>>) offsets(%dma_start3A_743 : memref<128xi32, #tpu.memory_space<vmem>>) semaphore(%arg22 : memref<!tpu.dma_semaphore, #tpu.memory_space<semaphore_mem>>) {add = true}
      %get3A_747 = arith.constant 5 : i32
      %get3A_748 = arith.index_cast %get3A_747 : i32 to index
      %get3A_749 = arith.constant 0 : index
      %get3A_750 = tpu.vector_load %arg14[%get3A_748, %get3A_749] {strides = array<i32>} : memref<16x128xi32, #tpu.memory_space<vmem>>, vector<16xi32>,
      %shift_right_arithmetic3A_751 = arith.constant 7 : i32
      %shift_right_arithmetic3A_752 = vector.broadcast %shift_right_arithmetic3A_751 : i32 to vector<16xi32>
      %shift_right_arithmetic3A_753 = arith.shrsi %get3A_750, %shift_right_arithmetic3A_752 : vector<16xi32>
      %and3A_754 = arith.constant 127 : i32
      %and3A_755 = vector.broadcast %and3A_754 : i32 to vector<16xi32>
      %and3A_756 = arith.andi %get3A_750, %and3A_755 : vector<16xi32>
      tpu.vector_store_idx %arg15[%shift_right_arithmetic3A_753, %and3A_756], %broadcast_in_dim3A_49 {add = true} : memref<80x128xf32, #tpu.memory_space<vmem>>[vector<16xi32>, vector<16xi32>], vector<16xf32>,
      %get3A_757 = arith.constant 5 : i32
      %get3A_758 = arith.index_cast %get3A_757 : i32 to index
      %get3A_759 = arith.constant 16 : index
      %get3A_760 = tpu.vector_load %arg14[%get3A_758, %get3A_759] {strides = array<i32>} : memref<16x128xi32, #tpu.memory_space<vmem>>, vector<16xi32>,
      %shift_right_arithmetic3A_761 = arith.constant 7 : i32
      %shift_right_arithmetic3A_762 = vector.broadcast %shift_right_arithmetic3A_761 : i32 to vector<16xi32>
      %shift_right_arithmetic3A_763 = arith.shrsi %get3A_760, %shift_right_arithmetic3A_762 : vector<16xi32>
      %and3A_764 = arith.constant 127 : i32
      %and3A_765 = vector.broadcast %and3A_764 : i32 to vector<16xi32>
      %and3A_766 = arith.andi %get3A_760, %and3A_765 : vector<16xi32>
      tpu.vector_store_idx %arg15[%shift_right_arithmetic3A_763, %and3A_766], %broadcast_in_dim3A_49 {add = true} : memref<80x128xf32, #tpu.memory_space<vmem>>[vector<16xi32>, vector<16xi32>], vector<16xf32>,
      %get3A_767 = arith.constant 5 : i32
      %get3A_768 = arith.index_cast %get3A_767 : i32 to index
      %get3A_769 = arith.constant 32 : index
      %get3A_770 = tpu.vector_load %arg14[%get3A_768, %get3A_769] {strides = array<i32>} : memref<16x128xi32, #tpu.memory_space<vmem>>, vector<16xi32>,
      %shift_right_arithmetic3A_771 = arith.constant 7 : i32
      %shift_right_arithmetic3A_772 = vector.broadcast %shift_right_arithmetic3A_771 : i32 to vector<16xi32>
      %shift_right_arithmetic3A_773 = arith.shrsi %get3A_770, %shift_right_arithmetic3A_772 : vector<16xi32>
      %and3A_774 = arith.constant 127 : i32
      %and3A_775 = vector.broadcast %and3A_774 : i32 to vector<16xi32>
      %and3A_776 = arith.andi %get3A_770, %and3A_775 : vector<16xi32>
      tpu.vector_store_idx %arg15[%shift_right_arithmetic3A_773, %and3A_776], %broadcast_in_dim3A_49 {add = true} : memref<80x128xf32, #tpu.memory_space<vmem>>[vector<16xi32>, vector<16xi32>], vector<16xf32>,
      %get3A_777 = arith.constant 5 : i32
      %get3A_778 = arith.index_cast %get3A_777 : i32 to index
      %get3A_779 = arith.constant 48 : index
      %get3A_780 = tpu.vector_load %arg14[%get3A_778, %get3A_779] {strides = array<i32>} : memref<16x128xi32, #tpu.memory_space<vmem>>, vector<16xi32>,
      %shift_right_arithmetic3A_781 = arith.constant 7 : i32
      %shift_right_arithmetic3A_782 = vector.broadcast %shift_right_arithmetic3A_781 : i32 to vector<16xi32>
      %shift_right_arithmetic3A_783 = arith.shrsi %get3A_780, %shift_right_arithmetic3A_782 : vector<16xi32>
      %and3A_784 = arith.constant 127 : i32
      %and3A_785 = vector.broadcast %and3A_784 : i32 to vector<16xi32>
      %and3A_786 = arith.andi %get3A_780, %and3A_785 : vector<16xi32>
      tpu.vector_store_idx %arg15[%shift_right_arithmetic3A_783, %and3A_786], %broadcast_in_dim3A_49 {add = true} : memref<80x128xf32, #tpu.memory_space<vmem>>[vector<16xi32>, vector<16xi32>], vector<16xf32>,
      %get3A_787 = arith.constant 5 : i32
      %get3A_788 = arith.index_cast %get3A_787 : i32 to index
      %get3A_789 = arith.constant 64 : index
      %get3A_790 = tpu.vector_load %arg14[%get3A_788, %get3A_789] {strides = array<i32>} : memref<16x128xi32, #tpu.memory_space<vmem>>, vector<16xi32>,
      %shift_right_arithmetic3A_791 = arith.constant 7 : i32
      %shift_right_arithmetic3A_792 = vector.broadcast %shift_right_arithmetic3A_791 : i32 to vector<16xi32>
      %shift_right_arithmetic3A_793 = arith.shrsi %get3A_790, %shift_right_arithmetic3A_792 : vector<16xi32>
      %and3A_794 = arith.constant 127 : i32
      %and3A_795 = vector.broadcast %and3A_794 : i32 to vector<16xi32>
      %and3A_796 = arith.andi %get3A_790, %and3A_795 : vector<16xi32>
      tpu.vector_store_idx %arg15[%shift_right_arithmetic3A_793, %and3A_796], %broadcast_in_dim3A_49 {add = true} : memref<80x128xf32, #tpu.memory_space<vmem>>[vector<16xi32>, vector<16xi32>], vector<16xf32>,
      %get3A_797 = arith.constant 5 : i32
      %get3A_798 = arith.index_cast %get3A_797 : i32 to index
      %get3A_799 = arith.constant 80 : index
      %get3A_800 = tpu.vector_load %arg14[%get3A_798, %get3A_799] {strides = array<i32>} : memref<16x128xi32, #tpu.memory_space<vmem>>, vector<16xi32>,
      %shift_right_arithmetic3A_801 = arith.constant 7 : i32
      %shift_right_arithmetic3A_802 = vector.broadcast %shift_right_arithmetic3A_801 : i32 to vector<16xi32>
      %shift_right_arithmetic3A_803 = arith.shrsi %get3A_800, %shift_right_arithmetic3A_802 : vector<16xi32>
      %and3A_804 = arith.constant 127 : i32
      %and3A_805 = vector.broadcast %and3A_804 : i32 to vector<16xi32>
      %and3A_806 = arith.andi %get3A_800, %and3A_805 : vector<16xi32>
      tpu.vector_store_idx %arg15[%shift_right_arithmetic3A_803, %and3A_806], %broadcast_in_dim3A_49 {add = true} : memref<80x128xf32, #tpu.memory_space<vmem>>[vector<16xi32>, vector<16xi32>], vector<16xf32>,
      %get3A_807 = arith.constant 5 : i32
      %get3A_808 = arith.index_cast %get3A_807 : i32 to index
      %get3A_809 = arith.constant 96 : index
      %get3A_810 = tpu.vector_load %arg14[%get3A_808, %get3A_809] {strides = array<i32>} : memref<16x128xi32, #tpu.memory_space<vmem>>, vector<16xi32>,
      %shift_right_arithmetic3A_811 = arith.constant 7 : i32
      %shift_right_arithmetic3A_812 = vector.broadcast %shift_right_arithmetic3A_811 : i32 to vector<16xi32>
      %shift_right_arithmetic3A_813 = arith.shrsi %get3A_810, %shift_right_arithmetic3A_812 : vector<16xi32>
      %and3A_814 = arith.constant 127 : i32
      %and3A_815 = vector.broadcast %and3A_814 : i32 to vector<16xi32>
      %and3A_816 = arith.andi %get3A_810, %and3A_815 : vector<16xi32>
      tpu.vector_store_idx %arg15[%shift_right_arithmetic3A_813, %and3A_816], %broadcast_in_dim3A_49 {add = true} : memref<80x128xf32, #tpu.memory_space<vmem>>[vector<16xi32>, vector<16xi32>], vector<16xf32>,
      %get3A_817 = arith.constant 5 : i32
      %get3A_818 = arith.index_cast %get3A_817 : i32 to index
      %get3A_819 = arith.constant 112 : index
      %get3A_820 = tpu.vector_load %arg14[%get3A_818, %get3A_819] {strides = array<i32>} : memref<16x128xi32, #tpu.memory_space<vmem>>, vector<16xi32>,
      %shift_right_arithmetic3A_821 = arith.constant 7 : i32
      %shift_right_arithmetic3A_822 = vector.broadcast %shift_right_arithmetic3A_821 : i32 to vector<16xi32>
      %shift_right_arithmetic3A_823 = arith.shrsi %get3A_820, %shift_right_arithmetic3A_822 : vector<16xi32>
      %and3A_824 = arith.constant 127 : i32
      %and3A_825 = vector.broadcast %and3A_824 : i32 to vector<16xi32>
      %and3A_826 = arith.andi %get3A_820, %and3A_825 : vector<16xi32>
      tpu.vector_store_idx %arg15[%shift_right_arithmetic3A_823, %and3A_826], %broadcast_in_dim3A_49 {add = true} : memref<80x128xf32, #tpu.memory_space<vmem>>[vector<16xi32>, vector<16xi32>], vector<16xf32>,
      %dma_wait3A_827 = arith.constant 0 : i32
      %dma_wait3A_828 = arith.constant 4 : i32
      %dma_wait3A_829 = arith.constant 0 : i32
      %dma_wait3A_830 = arith.constant 0 : i32
      %dma_wait3A_831 = tpu.memref_slice %arg12[%dma_wait3A_827, %dma_wait3A_829, %dma_wait3A_830] : memref<4x128x128xbf16, #tpu.memory_space<vmem>> -> memref<1x128x128xbf16, #tpu.memory_space<vmem>>
      %dma_wait3A_832 = tpu.memref_squeeze %dma_wait3A_831 : memref<1x128x128xbf16, #tpu.memory_space<vmem>> -> memref<128x128xbf16, #tpu.memory_space<vmem>>
      %dma_wait3A_833 = arith.constant 0 : i32
      %dma_wait3A_834 = tpu.memref_slice %arg14[%dma_wait3A_828, %dma_wait3A_833] : memref<16x128xi32, #tpu.memory_space<vmem>> -> memref<1x128xi32, #tpu.memory_space<vmem>>
      %dma_wait3A_835 = tpu.memref_squeeze %dma_wait3A_834 : memref<1x128xi32, #tpu.memory_space<vmem>> -> memref<128xi32, #tpu.memory_space<vmem>>
      %dma_wait3A_836 = arith.constant 0 : i32
      %dma_wait3A_837 = arith.constant 0 : i32
      %dma_wait3A_838 = tpu.memref_slice %arg10[%dma_wait3A_836, %dma_wait3A_837] : memref<10112x128xbf16, #tpu.memory_space<vmem_shared>> -> memref<10112x128xbf16, #tpu.memory_space<vmem_shared>>
      tpu.wait_indirect_dma semaphore(%arg21 : memref<!tpu.dma_semaphore, #tpu.memory_space<semaphore_mem>>) src(%dma_wait3A_832 : memref<128x128xbf16, #tpu.memory_space<vmem>>) dst(%dma_wait3A_838 : memref<10112x128xbf16, #tpu.memory_space<vmem_shared>>)
      %dma_start3A_839 = arith.constant 0 : i32
      %dma_start3A_840 = arith.constant 0 : i32
      %dma_start3A_841 = arith.constant 0 : i32
      %dma_start3A_842 = tpu.memref_slice %arg12[%dma_start3A_839, %dma_start3A_840, %dma_start3A_841] : memref<4x128x128xbf16, #tpu.memory_space<vmem>> -> memref<1x128x128xbf16, #tpu.memory_space<vmem>>
      %dma_start3A_843 = tpu.memref_squeeze %dma_start3A_842 : memref<1x128x128xbf16, #tpu.memory_space<vmem>> -> memref<128x128xbf16, #tpu.memory_space<vmem>>
      %dma_start3A_844 = arith.constant 1024 : i32
      %dma_start3A_845 = tpu.memref_slice %arg13[%dma_start3A_844] : memref<2048xi32, #tpu.memory_space<vmem>> -> memref<128xi32, #tpu.memory_space<vmem>>
      %dma_start3A_846 = arith.constant 0 : i32
      %dma_start3A_847 = arith.constant 0 : i32
      %dma_start3A_848 = tpu.memref_slice %arg9[%dma_start3A_846, %dma_start3A_847] : memref<10000x128xbf16, #tpu.memory_space<vmem_shared>> -> memref<10000x128xbf16, #tpu.memory_space<vmem_shared>>
      tpu.enqueue_indirect_dma source(%dma_start3A_848 : memref<10000x128xbf16, #tpu.memory_space<vmem_shared>>) target(%dma_start3A_843 : memref<128x128xbf16, #tpu.memory_space<vmem>>) offsets(%dma_start3A_845 : memref<128xi32, #tpu.memory_space<vmem>>) semaphore(%arg17 : memref<!tpu.dma_semaphore, #tpu.memory_space<semaphore_mem>>)
      %dma_wait3A_849 = arith.constant 2 : i32
      %dma_wait3A_850 = arith.constant 0 : i32
      %dma_wait3A_851 = arith.constant 0 : i32
      %dma_wait3A_852 = tpu.memref_slice %arg12[%dma_wait3A_849, %dma_wait3A_850, %dma_wait3A_851] : memref<4x128x128xbf16, #tpu.memory_space<vmem>> -> memref<1x128x128xbf16, #tpu.memory_space<vmem>>
      %dma_wait3A_853 = tpu.memref_squeeze %dma_wait3A_852 : memref<1x128x128xbf16, #tpu.memory_space<vmem>> -> memref<128x128xbf16, #tpu.memory_space<vmem>>
      %dma_wait3A_854 = arith.constant 768 : i32
      %dma_wait3A_855 = tpu.memref_slice %arg13[%dma_wait3A_854] : memref<2048xi32, #tpu.memory_space<vmem>> -> memref<128xi32, #tpu.memory_space<vmem>>
      %dma_wait3A_856 = arith.constant 0 : i32
      %dma_wait3A_857 = arith.constant 0 : i32
      %dma_wait3A_858 = tpu.memref_slice %arg9[%dma_wait3A_856, %dma_wait3A_857] : memref<10000x128xbf16, #tpu.memory_space<vmem_shared>> -> memref<10000x128xbf16, #tpu.memory_space<vmem_shared>>
      tpu.wait_indirect_dma semaphore(%arg19 : memref<!tpu.dma_semaphore, #tpu.memory_space<semaphore_mem>>) src(%dma_wait3A_858 : memref<10000x128xbf16, #tpu.memory_space<vmem_shared>>) dst(%dma_wait3A_853 : memref<128x128xbf16, #tpu.memory_space<vmem>>)
      %dma_start3A_859 = arith.constant 2 : i32
      %dma_start3A_860 = arith.constant 6 : i32
      %dma_start3A_861 = arith.constant 0 : i32
      %dma_start3A_862 = arith.constant 0 : i32
      %dma_start3A_863 = tpu.memref_slice %arg12[%dma_start3A_859, %dma_start3A_861, %dma_start3A_862] : memref<4x128x128xbf16, #tpu.memory_space<vmem>> -> memref<1x128x128xbf16, #tpu.memory_space<vmem>>
      %dma_start3A_864 = tpu.memref_squeeze %dma_start3A_863 : memref<1x128x128xbf16, #tpu.memory_space<vmem>> -> memref<128x128xbf16, #tpu.memory_space<vmem>>
      %dma_start3A_865 = arith.constant 0 : i32
      %dma_start3A_866 = tpu.memref_slice %arg14[%dma_start3A_860, %dma_start3A_865] : memref<16x128xi32, #tpu.memory_space<vmem>> -> memref<1x128xi32, #tpu.memory_space<vmem>>
      %dma_start3A_867 = tpu.memref_squeeze %dma_start3A_866 : memref<1x128xi32, #tpu.memory_space<vmem>> -> memref<128xi32, #tpu.memory_space<vmem>>
      %dma_start3A_868 = arith.constant 0 : i32
      %dma_start3A_869 = arith.constant 0 : i32
      %dma_start3A_870 = tpu.memref_slice %arg10[%dma_start3A_868, %dma_start3A_869] : memref<10112x128xbf16, #tpu.memory_space<vmem_shared>> -> memref<10112x128xbf16, #tpu.memory_space<vmem_shared>>
      tpu.enqueue_indirect_dma source(%dma_start3A_864 : memref<128x128xbf16, #tpu.memory_space<vmem>>) target(%dma_start3A_870 : memref<10112x128xbf16, #tpu.memory_space<vmem_shared>>) offsets(%dma_start3A_867 : memref<128xi32, #tpu.memory_space<vmem>>) semaphore(%arg23 : memref<!tpu.dma_semaphore, #tpu.memory_space<semaphore_mem>>) {add = true}
      %get3A_871 = arith.constant 6 : i32
      %get3A_872 = arith.index_cast %get3A_871 : i32 to index
      %get3A_873 = arith.constant 0 : index
      %get3A_874 = tpu.vector_load %arg14[%get3A_872, %get3A_873] {strides = array<i32>} : memref<16x128xi32, #tpu.memory_space<vmem>>, vector<16xi32>,
      %shift_right_arithmetic3A_875 = arith.constant 7 : i32
      %shift_right_arithmetic3A_876 = vector.broadcast %shift_right_arithmetic3A_875 : i32 to vector<16xi32>
      %shift_right_arithmetic3A_877 = arith.shrsi %get3A_874, %shift_right_arithmetic3A_876 : vector<16xi32>
      %and3A_878 = arith.constant 127 : i32
      %and3A_879 = vector.broadcast %and3A_878 : i32 to vector<16xi32>
      %and3A_880 = arith.andi %get3A_874, %and3A_879 : vector<16xi32>
      tpu.vector_store_idx %arg15[%shift_right_arithmetic3A_877, %and3A_880], %broadcast_in_dim3A_49 {add = true} : memref<80x128xf32, #tpu.memory_space<vmem>>[vector<16xi32>, vector<16xi32>], vector<16xf32>,
      %get3A_881 = arith.constant 6 : i32
      %get3A_882 = arith.index_cast %get3A_881 : i32 to index
      %get3A_883 = arith.constant 16 : index
      %get3A_884 = tpu.vector_load %arg14[%get3A_882, %get3A_883] {strides = array<i32>} : memref<16x128xi32, #tpu.memory_space<vmem>>, vector<16xi32>,
      %shift_right_arithmetic3A_885 = arith.constant 7 : i32
      %shift_right_arithmetic3A_886 = vector.broadcast %shift_right_arithmetic3A_885 : i32 to vector<16xi32>
      %shift_right_arithmetic3A_887 = arith.shrsi %get3A_884, %shift_right_arithmetic3A_886 : vector<16xi32>
      %and3A_888 = arith.constant 127 : i32
      %and3A_889 = vector.broadcast %and3A_888 : i32 to vector<16xi32>
      %and3A_890 = arith.andi %get3A_884, %and3A_889 : vector<16xi32>
      tpu.vector_store_idx %arg15[%shift_right_arithmetic3A_887, %and3A_890], %broadcast_in_dim3A_49 {add = true} : memref<80x128xf32, #tpu.memory_space<vmem>>[vector<16xi32>, vector<16xi32>], vector<16xf32>,
      %get3A_891 = arith.constant 6 : i32
      %get3A_892 = arith.index_cast %get3A_891 : i32 to index
      %get3A_893 = arith.constant 32 : index
      %get3A_894 = tpu.vector_load %arg14[%get3A_892, %get3A_893] {strides = array<i32>} : memref<16x128xi32, #tpu.memory_space<vmem>>, vector<16xi32>,
      %shift_right_arithmetic3A_895 = arith.constant 7 : i32
      %shift_right_arithmetic3A_896 = vector.broadcast %shift_right_arithmetic3A_895 : i32 to vector<16xi32>
      %shift_right_arithmetic3A_897 = arith.shrsi %get3A_894, %shift_right_arithmetic3A_896 : vector<16xi32>
      %and3A_898 = arith.constant 127 : i32
      %and3A_899 = vector.broadcast %and3A_898 : i32 to vector<16xi32>
      %and3A_900 = arith.andi %get3A_894, %and3A_899 : vector<16xi32>
      tpu.vector_store_idx %arg15[%shift_right_arithmetic3A_897, %and3A_900], %broadcast_in_dim3A_49 {add = true} : memref<80x128xf32, #tpu.memory_space<vmem>>[vector<16xi32>, vector<16xi32>], vector<16xf32>,
      %get3A_901 = arith.constant 6 : i32
      %get3A_902 = arith.index_cast %get3A_901 : i32 to index
      %get3A_903 = arith.constant 48 : index
      %get3A_904 = tpu.vector_load %arg14[%get3A_902, %get3A_903] {strides = array<i32>} : memref<16x128xi32, #tpu.memory_space<vmem>>, vector<16xi32>,
      %shift_right_arithmetic3A_905 = arith.constant 7 : i32
      %shift_right_arithmetic3A_906 = vector.broadcast %shift_right_arithmetic3A_905 : i32 to vector<16xi32>
      %shift_right_arithmetic3A_907 = arith.shrsi %get3A_904, %shift_right_arithmetic3A_906 : vector<16xi32>
      %and3A_908 = arith.constant 127 : i32
      %and3A_909 = vector.broadcast %and3A_908 : i32 to vector<16xi32>
      %and3A_910 = arith.andi %get3A_904, %and3A_909 : vector<16xi32>
      tpu.vector_store_idx %arg15[%shift_right_arithmetic3A_907, %and3A_910], %broadcast_in_dim3A_49 {add = true} : memref<80x128xf32, #tpu.memory_space<vmem>>[vector<16xi32>, vector<16xi32>], vector<16xf32>,
      %get3A_911 = arith.constant 6 : i32
      %get3A_912 = arith.index_cast %get3A_911 : i32 to index
      %get3A_913 = arith.constant 64 : index
      %get3A_914 = tpu.vector_load %arg14[%get3A_912, %get3A_913] {strides = array<i32>} : memref<16x128xi32, #tpu.memory_space<vmem>>, vector<16xi32>,
      %shift_right_arithmetic3A_915 = arith.constant 7 : i32
      %shift_right_arithmetic3A_916 = vector.broadcast %shift_right_arithmetic3A_915 : i32 to vector<16xi32>
      %shift_right_arithmetic3A_917 = arith.shrsi %get3A_914, %shift_right_arithmetic3A_916 : vector<16xi32>
      %and3A_918 = arith.constant 127 : i32
      %and3A_919 = vector.broadcast %and3A_918 : i32 to vector<16xi32>
      %and3A_920 = arith.andi %get3A_914, %and3A_919 : vector<16xi32>
      tpu.vector_store_idx %arg15[%shift_right_arithmetic3A_917, %and3A_920], %broadcast_in_dim3A_49 {add = true} : memref<80x128xf32, #tpu.memory_space<vmem>>[vector<16xi32>, vector<16xi32>], vector<16xf32>,
      %get3A_921 = arith.constant 6 : i32
      %get3A_922 = arith.index_cast %get3A_921 : i32 to index
      %get3A_923 = arith.constant 80 : index
      %get3A_924 = tpu.vector_load %arg14[%get3A_922, %get3A_923] {strides = array<i32>} : memref<16x128xi32, #tpu.memory_space<vmem>>, vector<16xi32>,
      %shift_right_arithmetic3A_925 = arith.constant 7 : i32
      %shift_right_arithmetic3A_926 = vector.broadcast %shift_right_arithmetic3A_925 : i32 to vector<16xi32>
      %shift_right_arithmetic3A_927 = arith.shrsi %get3A_924, %shift_right_arithmetic3A_926 : vector<16xi32>
      %and3A_928 = arith.constant 127 : i32
      %and3A_929 = vector.broadcast %and3A_928 : i32 to vector<16xi32>
      %and3A_930 = arith.andi %get3A_924, %and3A_929 : vector<16xi32>
      tpu.vector_store_idx %arg15[%shift_right_arithmetic3A_927, %and3A_930], %broadcast_in_dim3A_49 {add = true} : memref<80x128xf32, #tpu.memory_space<vmem>>[vector<16xi32>, vector<16xi32>], vector<16xf32>,
      %get3A_931 = arith.constant 6 : i32
      %get3A_932 = arith.index_cast %get3A_931 : i32 to index
      %get3A_933 = arith.constant 96 : index
      %get3A_934 = tpu.vector_load %arg14[%get3A_932, %get3A_933] {strides = array<i32>} : memref<16x128xi32, #tpu.memory_space<vmem>>, vector<16xi32>,
      %shift_right_arithmetic3A_935 = arith.constant 7 : i32
      %shift_right_arithmetic3A_936 = vector.broadcast %shift_right_arithmetic3A_935 : i32 to vector<16xi32>
      %shift_right_arithmetic3A_937 = arith.shrsi %get3A_934, %shift_right_arithmetic3A_936 : vector<16xi32>
      %and3A_938 = arith.constant 127 : i32
      %and3A_939 = vector.broadcast %and3A_938 : i32 to vector<16xi32>
      %and3A_940 = arith.andi %get3A_934, %and3A_939 : vector<16xi32>
      tpu.vector_store_idx %arg15[%shift_right_arithmetic3A_937, %and3A_940], %broadcast_in_dim3A_49 {add = true} : memref<80x128xf32, #tpu.memory_space<vmem>>[vector<16xi32>, vector<16xi32>], vector<16xf32>,
      %get3A_941 = arith.constant 6 : i32
      %get3A_942 = arith.index_cast %get3A_941 : i32 to index
      %get3A_943 = arith.constant 112 : index
      %get3A_944 = tpu.vector_load %arg14[%get3A_942, %get3A_943] {strides = array<i32>} : memref<16x128xi32, #tpu.memory_space<vmem>>, vector<16xi32>,
      %shift_right_arithmetic3A_945 = arith.constant 7 : i32
      %shift_right_arithmetic3A_946 = vector.broadcast %shift_right_arithmetic3A_945 : i32 to vector<16xi32>
      %shift_right_arithmetic3A_947 = arith.shrsi %get3A_944, %shift_right_arithmetic3A_946 : vector<16xi32>
      %and3A_948 = arith.constant 127 : i32
      %and3A_949 = vector.broadcast %and3A_948 : i32 to vector<16xi32>
      %and3A_950 = arith.andi %get3A_944, %and3A_949 : vector<16xi32>
      tpu.vector_store_idx %arg15[%shift_right_arithmetic3A_947, %and3A_950], %broadcast_in_dim3A_49 {add = true} : memref<80x128xf32, #tpu.memory_space<vmem>>[vector<16xi32>, vector<16xi32>], vector<16xf32>,
      %dma_wait3A_951 = arith.constant 1 : i32
      %dma_wait3A_952 = arith.constant 5 : i32
      %dma_wait3A_953 = arith.constant 0 : i32
      %dma_wait3A_954 = arith.constant 0 : i32
      %dma_wait3A_955 = tpu.memref_slice %arg12[%dma_wait3A_951, %dma_wait3A_953, %dma_wait3A_954] : memref<4x128x128xbf16, #tpu.memory_space<vmem>> -> memref<1x128x128xbf16, #tpu.memory_space<vmem>>
      %dma_wait3A_956 = tpu.memref_squeeze %dma_wait3A_955 : memref<1x128x128xbf16, #tpu.memory_space<vmem>> -> memref<128x128xbf16, #tpu.memory_space<vmem>>
      %dma_wait3A_957 = arith.constant 0 : i32
      %dma_wait3A_958 = tpu.memref_slice %arg14[%dma_wait3A_952, %dma_wait3A_957] : memref<16x128xi32, #tpu.memory_space<vmem>> -> memref<1x128xi32, #tpu.memory_space<vmem>>
      %dma_wait3A_959 = tpu.memref_squeeze %dma_wait3A_958 : memref<1x128xi32, #tpu.memory_space<vmem>> -> memref<128xi32, #tpu.memory_space<vmem>>
      %dma_wait3A_960 = arith.constant 0 : i32
      %dma_wait3A_961 = arith.constant 0 : i32
      %dma_wait3A_962 = tpu.memref_slice %arg10[%dma_wait3A_960, %dma_wait3A_961] : memref<10112x128xbf16, #tpu.memory_space<vmem_shared>> -> memref<10112x128xbf16, #tpu.memory_space<vmem_shared>>
      tpu.wait_indirect_dma semaphore(%arg22 : memref<!tpu.dma_semaphore, #tpu.memory_space<semaphore_mem>>) src(%dma_wait3A_956 : memref<128x128xbf16, #tpu.memory_space<vmem>>) dst(%dma_wait3A_962 : memref<10112x128xbf16, #tpu.memory_space<vmem_shared>>)
      %dma_start3A_963 = arith.constant 1 : i32
      %dma_start3A_964 = arith.constant 0 : i32
      %dma_start3A_965 = arith.constant 0 : i32
      %dma_start3A_966 = tpu.memref_slice %arg12[%dma_start3A_963, %dma_start3A_964, %dma_start3A_965] : memref<4x128x128xbf16, #tpu.memory_space<vmem>> -> memref<1x128x128xbf16, #tpu.memory_space<vmem>>
      %dma_start3A_967 = tpu.memref_squeeze %dma_start3A_966 : memref<1x128x128xbf16, #tpu.memory_space<vmem>> -> memref<128x128xbf16, #tpu.memory_space<vmem>>
      %dma_start3A_968 = arith.constant 1152 : i32
      %dma_start3A_969 = tpu.memref_slice %arg13[%dma_start3A_968] : memref<2048xi32, #tpu.memory_space<vmem>> -> memref<128xi32, #tpu.memory_space<vmem>>
      %dma_start3A_970 = arith.constant 0 : i32
      %dma_start3A_971 = arith.constant 0 : i32
      %dma_start3A_972 = tpu.memref_slice %arg9[%dma_start3A_970, %dma_start3A_971] : memref<10000x128xbf16, #tpu.memory_space<vmem_shared>> -> memref<10000x128xbf16, #tpu.memory_space<vmem_shared>>
      tpu.enqueue_indirect_dma source(%dma_start3A_972 : memref<10000x128xbf16, #tpu.memory_space<vmem_shared>>) target(%dma_start3A_967 : memref<128x128xbf16, #tpu.memory_space<vmem>>) offsets(%dma_start3A_969 : memref<128xi32, #tpu.memory_space<vmem>>) semaphore(%arg18 : memref<!tpu.dma_semaphore, #tpu.memory_space<semaphore_mem>>)
      %dma_wait3A_973 = arith.constant 3 : i32
      %dma_wait3A_974 = arith.constant 0 : i32
      %dma_wait3A_975 = arith.constant 0 : i32
      %dma_wait3A_976 = tpu.memref_slice %arg12[%dma_wait3A_973, %dma_wait3A_974, %dma_wait3A_975] : memref<4x128x128xbf16, #tpu.memory_space<vmem>> -> memref<1x128x128xbf16, #tpu.memory_space<vmem>>
      %dma_wait3A_977 = tpu.memref_squeeze %dma_wait3A_976 : memref<1x128x128xbf16, #tpu.memory_space<vmem>> -> memref<128x128xbf16, #tpu.memory_space<vmem>>
      %dma_wait3A_978 = arith.constant 896 : i32
      %dma_wait3A_979 = tpu.memref_slice %arg13[%dma_wait3A_978] : memref<2048xi32, #tpu.memory_space<vmem>> -> memref<128xi32, #tpu.memory_space<vmem>>
      %dma_wait3A_980 = arith.constant 0 : i32
      %dma_wait3A_981 = arith.constant 0 : i32
      %dma_wait3A_982 = tpu.memref_slice %arg9[%dma_wait3A_980, %dma_wait3A_981] : memref<10000x128xbf16, #tpu.memory_space<vmem_shared>> -> memref<10000x128xbf16, #tpu.memory_space<vmem_shared>>
      tpu.wait_indirect_dma semaphore(%arg20 : memref<!tpu.dma_semaphore, #tpu.memory_space<semaphore_mem>>) src(%dma_wait3A_982 : memref<10000x128xbf16, #tpu.memory_space<vmem_shared>>) dst(%dma_wait3A_977 : memref<128x128xbf16, #tpu.memory_space<vmem>>)
      %dma_start3A_983 = arith.constant 3 : i32
      %dma_start3A_984 = arith.constant 7 : i32
      %dma_start3A_985 = arith.constant 0 : i32
      %dma_start3A_986 = arith.constant 0 : i32
      %dma_start3A_987 = tpu.memref_slice %arg12[%dma_start3A_983, %dma_start3A_985, %dma_start3A_986] : memref<4x128x128xbf16, #tpu.memory_space<vmem>> -> memref<1x128x128xbf16, #tpu.memory_space<vmem>>
      %dma_start3A_988 = tpu.memref_squeeze %dma_start3A_987 : memref<1x128x128xbf16, #tpu.memory_space<vmem>> -> memref<128x128xbf16, #tpu.memory_space<vmem>>
      %dma_start3A_989 = arith.constant 0 : i32
      %dma_start3A_990 = tpu.memref_slice %arg14[%dma_start3A_984, %dma_start3A_989] : memref<16x128xi32, #tpu.memory_space<vmem>> -> memref<1x128xi32, #tpu.memory_space<vmem>>
      %dma_start3A_991 = tpu.memref_squeeze %dma_start3A_990 : memref<1x128xi32, #tpu.memory_space<vmem>> -> memref<128xi32, #tpu.memory_space<vmem>>
      %dma_start3A_992 = arith.constant 0 : i32
      %dma_start3A_993 = arith.constant 0 : i32
      %dma_start3A_994 = tpu.memref_slice %arg10[%dma_start3A_992, %dma_start3A_993] : memref<10112x128xbf16, #tpu.memory_space<vmem_shared>> -> memref<10112x128xbf16, #tpu.memory_space<vmem_shared>>
      tpu.enqueue_indirect_dma source(%dma_start3A_988 : memref<128x128xbf16, #tpu.memory_space<vmem>>) target(%dma_start3A_994 : memref<10112x128xbf16, #tpu.memory_space<vmem_shared>>) offsets(%dma_start3A_991 : memref<128xi32, #tpu.memory_space<vmem>>) semaphore(%arg24 : memref<!tpu.dma_semaphore, #tpu.memory_space<semaphore_mem>>) {add = true}
      %get3A_995 = arith.constant 7 : i32
      %get3A_996 = arith.index_cast %get3A_995 : i32 to index
      %get3A_997 = arith.constant 0 : index
      %get3A_998 = tpu.vector_load %arg14[%get3A_996, %get3A_997] {strides = array<i32>} : memref<16x128xi32, #tpu.memory_space<vmem>>, vector<16xi32>,
      %shift_right_arithmetic3A_999 = arith.constant 7 : i32
      %shift_right_arithmetic3A_1000 = vector.broadcast %shift_right_arithmetic3A_999 : i32 to vector<16xi32>
      %shift_right_arithmetic3A_1001 = arith.shrsi %get3A_998, %shift_right_arithmetic3A_1000 : vector<16xi32>
      %and3A_1002 = arith.constant 127 : i32
      %and3A_1003 = vector.broadcast %and3A_1002 : i32 to vector<16xi32>
      %and3A_1004 = arith.andi %get3A_998, %and3A_1003 : vector<16xi32>
      tpu.vector_store_idx %arg15[%shift_right_arithmetic3A_1001, %and3A_1004], %broadcast_in_dim3A_49 {add = true} : memref<80x128xf32, #tpu.memory_space<vmem>>[vector<16xi32>, vector<16xi32>], vector<16xf32>,
      %get3A_1005 = arith.constant 7 : i32
      %get3A_1006 = arith.index_cast %get3A_1005 : i32 to index
      %get3A_1007 = arith.constant 16 : index
      %get3A_1008 = tpu.vector_load %arg14[%get3A_1006, %get3A_1007] {strides = array<i32>} : memref<16x128xi32, #tpu.memory_space<vmem>>, vector<16xi32>,
      %shift_right_arithmetic3A_1009 = arith.constant 7 : i32
      %shift_right_arithmetic3A_1010 = vector.broadcast %shift_right_arithmetic3A_1009 : i32 to vector<16xi32>
      %shift_right_arithmetic3A_1011 = arith.shrsi %get3A_1008, %shift_right_arithmetic3A_1010 : vector<16xi32>
      %and3A_1012 = arith.constant 127 : i32
      %and3A_1013 = vector.broadcast %and3A_1012 : i32 to vector<16xi32>
      %and3A_1014 = arith.andi %get3A_1008, %and3A_1013 : vector<16xi32>
      tpu.vector_store_idx %arg15[%shift_right_arithmetic3A_1011, %and3A_1014], %broadcast_in_dim3A_49 {add = true} : memref<80x128xf32, #tpu.memory_space<vmem>>[vector<16xi32>, vector<16xi32>], vector<16xf32>,
      %get3A_1015 = arith.constant 7 : i32
      %get3A_1016 = arith.index_cast %get3A_1015 : i32 to index
      %get3A_1017 = arith.constant 32 : index
      %get3A_1018 = tpu.vector_load %arg14[%get3A_1016, %get3A_1017] {strides = array<i32>} : memref<16x128xi32, #tpu.memory_space<vmem>>, vector<16xi32>,
      %shift_right_arithmetic3A_1019 = arith.constant 7 : i32
      %shift_right_arithmetic3A_1020 = vector.broadcast %shift_right_arithmetic3A_1019 : i32 to vector<16xi32>
      %shift_right_arithmetic3A_1021 = arith.shrsi %get3A_1018, %shift_right_arithmetic3A_1020 : vector<16xi32>
      %and3A_1022 = arith.constant 127 : i32
      %and3A_1023 = vector.broadcast %and3A_1022 : i32 to vector<16xi32>
      %and3A_1024 = arith.andi %get3A_1018, %and3A_1023 : vector<16xi32>
      tpu.vector_store_idx %arg15[%shift_right_arithmetic3A_1021, %and3A_1024], %broadcast_in_dim3A_49 {add = true} : memref<80x128xf32, #tpu.memory_space<vmem>>[vector<16xi32>, vector<16xi32>], vector<16xf32>,
      %get3A_1025 = arith.constant 7 : i32
      %get3A_1026 = arith.index_cast %get3A_1025 : i32 to index
      %get3A_1027 = arith.constant 48 : index
      %get3A_1028 = tpu.vector_load %arg14[%get3A_1026, %get3A_1027] {strides = array<i32>} : memref<16x128xi32, #tpu.memory_space<vmem>>, vector<16xi32>,
      %shift_right_arithmetic3A_1029 = arith.constant 7 : i32
      %shift_right_arithmetic3A_1030 = vector.broadcast %shift_right_arithmetic3A_1029 : i32 to vector<16xi32>
      %shift_right_arithmetic3A_1031 = arith.shrsi %get3A_1028, %shift_right_arithmetic3A_1030 : vector<16xi32>
      %and3A_1032 = arith.constant 127 : i32
      %and3A_1033 = vector.broadcast %and3A_1032 : i32 to vector<16xi32>
      %and3A_1034 = arith.andi %get3A_1028, %and3A_1033 : vector<16xi32>
      tpu.vector_store_idx %arg15[%shift_right_arithmetic3A_1031, %and3A_1034], %broadcast_in_dim3A_49 {add = true} : memref<80x128xf32, #tpu.memory_space<vmem>>[vector<16xi32>, vector<16xi32>], vector<16xf32>,
      %get3A_1035 = arith.constant 7 : i32
      %get3A_1036 = arith.index_cast %get3A_1035 : i32 to index
      %get3A_1037 = arith.constant 64 : index
      %get3A_1038 = tpu.vector_load %arg14[%get3A_1036, %get3A_1037] {strides = array<i32>} : memref<16x128xi32, #tpu.memory_space<vmem>>, vector<16xi32>,
      %shift_right_arithmetic3A_1039 = arith.constant 7 : i32
      %shift_right_arithmetic3A_1040 = vector.broadcast %shift_right_arithmetic3A_1039 : i32 to vector<16xi32>
      %shift_right_arithmetic3A_1041 = arith.shrsi %get3A_1038, %shift_right_arithmetic3A_1040 : vector<16xi32>
      %and3A_1042 = arith.constant 127 : i32
      %and3A_1043 = vector.broadcast %and3A_1042 : i32 to vector<16xi32>
      %and3A_1044 = arith.andi %get3A_1038, %and3A_1043 : vector<16xi32>
      tpu.vector_store_idx %arg15[%shift_right_arithmetic3A_1041, %and3A_1044], %broadcast_in_dim3A_49 {add = true} : memref<80x128xf32, #tpu.memory_space<vmem>>[vector<16xi32>, vector<16xi32>], vector<16xf32>,
      %get3A_1045 = arith.constant 7 : i32
      %get3A_1046 = arith.index_cast %get3A_1045 : i32 to index
      %get3A_1047 = arith.constant 80 : index
      %get3A_1048 = tpu.vector_load %arg14[%get3A_1046, %get3A_1047] {strides = array<i32>} : memref<16x128xi32, #tpu.memory_space<vmem>>, vector<16xi32>,
      %shift_right_arithmetic3A_1049 = arith.constant 7 : i32
      %shift_right_arithmetic3A_1050 = vector.broadcast %shift_right_arithmetic3A_1049 : i32 to vector<16xi32>
      %shift_right_arithmetic3A_1051 = arith.shrsi %get3A_1048, %shift_right_arithmetic3A_1050 : vector<16xi32>
      %and3A_1052 = arith.constant 127 : i32
      %and3A_1053 = vector.broadcast %and3A_1052 : i32 to vector<16xi32>
      %and3A_1054 = arith.andi %get3A_1048, %and3A_1053 : vector<16xi32>
      tpu.vector_store_idx %arg15[%shift_right_arithmetic3A_1051, %and3A_1054], %broadcast_in_dim3A_49 {add = true} : memref<80x128xf32, #tpu.memory_space<vmem>>[vector<16xi32>, vector<16xi32>], vector<16xf32>,
      %get3A_1055 = arith.constant 7 : i32
      %get3A_1056 = arith.index_cast %get3A_1055 : i32 to index
      %get3A_1057 = arith.constant 96 : index
      %get3A_1058 = tpu.vector_load %arg14[%get3A_1056, %get3A_1057] {strides = array<i32>} : memref<16x128xi32, #tpu.memory_space<vmem>>, vector<16xi32>,
      %shift_right_arithmetic3A_1059 = arith.constant 7 : i32
      %shift_right_arithmetic3A_1060 = vector.broadcast %shift_right_arithmetic3A_1059 : i32 to vector<16xi32>
      %shift_right_arithmetic3A_1061 = arith.shrsi %get3A_1058, %shift_right_arithmetic3A_1060 : vector<16xi32>
      %and3A_1062 = arith.constant 127 : i32
      %and3A_1063 = vector.broadcast %and3A_1062 : i32 to vector<16xi32>
      %and3A_1064 = arith.andi %get3A_1058, %and3A_1063 : vector<16xi32>
      tpu.vector_store_idx %arg15[%shift_right_arithmetic3A_1061, %and3A_1064], %broadcast_in_dim3A_49 {add = true} : memref<80x128xf32, #tpu.memory_space<vmem>>[vector<16xi32>, vector<16xi32>], vector<16xf32>,
      %get3A_1065 = arith.constant 7 : i32
      %get3A_1066 = arith.index_cast %get3A_1065 : i32 to index
      %get3A_1067 = arith.constant 112 : index
      %get3A_1068 = tpu.vector_load %arg14[%get3A_1066, %get3A_1067] {strides = array<i32>} : memref<16x128xi32, #tpu.memory_space<vmem>>, vector<16xi32>,
      %shift_right_arithmetic3A_1069 = arith.constant 7 : i32
      %shift_right_arithmetic3A_1070 = vector.broadcast %shift_right_arithmetic3A_1069 : i32 to vector<16xi32>
      %shift_right_arithmetic3A_1071 = arith.shrsi %get3A_1068, %shift_right_arithmetic3A_1070 : vector<16xi32>
      %and3A_1072 = arith.constant 127 : i32
      %and3A_1073 = vector.broadcast %and3A_1072 : i32 to vector<16xi32>
      %and3A_1074 = arith.andi %get3A_1068, %and3A_1073 : vector<16xi32>
      tpu.vector_store_idx %arg15[%shift_right_arithmetic3A_1071, %and3A_1074], %broadcast_in_dim3A_49 {add = true} : memref<80x128xf32, #tpu.memory_space<vmem>>[vector<16xi32>, vector<16xi32>], vector<16xf32>,
      %dma_wait3A_1075 = arith.constant 2 : i32
      %dma_wait3A_1076 = arith.constant 6 : i32
      %dma_wait3A_1077 = arith.constant 0 : i32
      %dma_wait3A_1078 = arith.constant 0 : i32
      %dma_wait3A_1079 = tpu.memref_slice %arg12[%dma_wait3A_1075, %dma_wait3A_1077, %dma_wait3A_1078] : memref<4x128x128xbf16, #tpu.memory_space<vmem>> -> memref<1x128x128xbf16, #tpu.memory_space<vmem>>
      %dma_wait3A_1080 = tpu.memref_squeeze %dma_wait3A_1079 : memref<1x128x128xbf16, #tpu.memory_space<vmem>> -> memref<128x128xbf16, #tpu.memory_space<vmem>>
      %dma_wait3A_1081 = arith.constant 0 : i32
      %dma_wait3A_1082 = tpu.memref_slice %arg14[%dma_wait3A_1076, %dma_wait3A_1081] : memref<16x128xi32, #tpu.memory_space<vmem>> -> memref<1x128xi32, #tpu.memory_space<vmem>>
      %dma_wait3A_1083 = tpu.memref_squeeze %dma_wait3A_1082 : memref<1x128xi32, #tpu.memory_space<vmem>> -> memref<128xi32, #tpu.memory_space<vmem>>
      %dma_wait3A_1084 = arith.constant 0 : i32
      %dma_wait3A_1085 = arith.constant 0 : i32
      %dma_wait3A_1086 = tpu.memref_slice %arg10[%dma_wait3A_1084, %dma_wait3A_1085] : memref<10112x128xbf16, #tpu.memory_space<vmem_shared>> -> memref<10112x128xbf16, #tpu.memory_space<vmem_shared>>
      tpu.wait_indirect_dma semaphore(%arg23 : memref<!tpu.dma_semaphore, #tpu.memory_space<semaphore_mem>>) src(%dma_wait3A_1080 : memref<128x128xbf16, #tpu.memory_space<vmem>>) dst(%dma_wait3A_1086 : memref<10112x128xbf16, #tpu.memory_space<vmem_shared>>)
      %dma_start3A_1087 = arith.constant 2 : i32
      %dma_start3A_1088 = arith.constant 0 : i32
      %dma_start3A_1089 = arith.constant 0 : i32
      %dma_start3A_1090 = tpu.memref_slice %arg12[%dma_start3A_1087, %dma_start3A_1088, %dma_start3A_1089] : memref<4x128x128xbf16, #tpu.memory_space<vmem>> -> memref<1x128x128xbf16, #tpu.memory_space<vmem>>
      %dma_start3A_1091 = tpu.memref_squeeze %dma_start3A_1090 : memref<1x128x128xbf16, #tpu.memory_space<vmem>> -> memref<128x128xbf16, #tpu.memory_space<vmem>>
      %dma_start3A_1092 = arith.constant 1280 : i32
      %dma_start3A_1093 = tpu.memref_slice %arg13[%dma_start3A_1092] : memref<2048xi32, #tpu.memory_space<vmem>> -> memref<128xi32, #tpu.memory_space<vmem>>
      %dma_start3A_1094 = arith.constant 0 : i32
      %dma_start3A_1095 = arith.constant 0 : i32
      %dma_start3A_1096 = tpu.memref_slice %arg9[%dma_start3A_1094, %dma_start3A_1095] : memref<10000x128xbf16, #tpu.memory_space<vmem_shared>> -> memref<10000x128xbf16, #tpu.memory_space<vmem_shared>>
      tpu.enqueue_indirect_dma source(%dma_start3A_1096 : memref<10000x128xbf16, #tpu.memory_space<vmem_shared>>) target(%dma_start3A_1091 : memref<128x128xbf16, #tpu.memory_space<vmem>>) offsets(%dma_start3A_1093 : memref<128xi32, #tpu.memory_space<vmem>>) semaphore(%arg19 : memref<!tpu.dma_semaphore, #tpu.memory_space<semaphore_mem>>)
      %dma_wait3A_1097 = arith.constant 0 : i32
      %dma_wait3A_1098 = arith.constant 0 : i32
      %dma_wait3A_1099 = arith.constant 0 : i32
      %dma_wait3A_1100 = tpu.memref_slice %arg12[%dma_wait3A_1097, %dma_wait3A_1098, %dma_wait3A_1099] : memref<4x128x128xbf16, #tpu.memory_space<vmem>> -> memref<1x128x128xbf16, #tpu.memory_space<vmem>>
      %dma_wait3A_1101 = tpu.memref_squeeze %dma_wait3A_1100 : memref<1x128x128xbf16, #tpu.memory_space<vmem>> -> memref<128x128xbf16, #tpu.memory_space<vmem>>
      %dma_wait3A_1102 = arith.constant 1024 : i32
      %dma_wait3A_1103 = tpu.memref_slice %arg13[%dma_wait3A_1102] : memref<2048xi32, #tpu.memory_space<vmem>> -> memref<128xi32, #tpu.memory_space<vmem>>
      %dma_wait3A_1104 = arith.constant 0 : i32
      %dma_wait3A_1105 = arith.constant 0 : i32
      %dma_wait3A_1106 = tpu.memref_slice %arg9[%dma_wait3A_1104, %dma_wait3A_1105] : memref<10000x128xbf16, #tpu.memory_space<vmem_shared>> -> memref<10000x128xbf16, #tpu.memory_space<vmem_shared>>
      tpu.wait_indirect_dma semaphore(%arg17 : memref<!tpu.dma_semaphore, #tpu.memory_space<semaphore_mem>>) src(%dma_wait3A_1106 : memref<10000x128xbf16, #tpu.memory_space<vmem_shared>>) dst(%dma_wait3A_1101 : memref<128x128xbf16, #tpu.memory_space<vmem>>)
      %dma_start3A_1107 = arith.constant 0 : i32
      %dma_start3A_1108 = arith.constant 8 : i32
      %dma_start3A_1109 = arith.constant 0 : i32
      %dma_start3A_1110 = arith.constant 0 : i32
      %dma_start3A_1111 = tpu.memref_slice %arg12[%dma_start3A_1107, %dma_start3A_1109, %dma_start3A_1110] : memref<4x128x128xbf16, #tpu.memory_space<vmem>> -> memref<1x128x128xbf16, #tpu.memory_space<vmem>>
      %dma_start3A_1112 = tpu.memref_squeeze %dma_start3A_1111 : memref<1x128x128xbf16, #tpu.memory_space<vmem>> -> memref<128x128xbf16, #tpu.memory_space<vmem>>
      %dma_start3A_1113 = arith.constant 0 : i32
      %dma_start3A_1114 = tpu.memref_slice %arg14[%dma_start3A_1108, %dma_start3A_1113] : memref<16x128xi32, #tpu.memory_space<vmem>> -> memref<1x128xi32, #tpu.memory_space<vmem>>
      %dma_start3A_1115 = tpu.memref_squeeze %dma_start3A_1114 : memref<1x128xi32, #tpu.memory_space<vmem>> -> memref<128xi32, #tpu.memory_space<vmem>>
      %dma_start3A_1116 = arith.constant 0 : i32
      %dma_start3A_1117 = arith.constant 0 : i32
      %dma_start3A_1118 = tpu.memref_slice %arg10[%dma_start3A_1116, %dma_start3A_1117] : memref<10112x128xbf16, #tpu.memory_space<vmem_shared>> -> memref<10112x128xbf16, #tpu.memory_space<vmem_shared>>
      tpu.enqueue_indirect_dma source(%dma_start3A_1112 : memref<128x128xbf16, #tpu.memory_space<vmem>>) target(%dma_start3A_1118 : memref<10112x128xbf16, #tpu.memory_space<vmem_shared>>) offsets(%dma_start3A_1115 : memref<128xi32, #tpu.memory_space<vmem>>) semaphore(%arg21 : memref<!tpu.dma_semaphore, #tpu.memory_space<semaphore_mem>>) {add = true}
      %get3A_1119 = arith.constant 8 : i32
      %get3A_1120 = arith.index_cast %get3A_1119 : i32 to index
      %get3A_1121 = arith.constant 0 : index
      %get3A_1122 = tpu.vector_load %arg14[%get3A_1120, %get3A_1121] {strides = array<i32>} : memref<16x128xi32, #tpu.memory_space<vmem>>, vector<16xi32>,
      %shift_right_arithmetic3A_1123 = arith.constant 7 : i32
      %shift_right_arithmetic3A_1124 = vector.broadcast %shift_right_arithmetic3A_1123 : i32 to vector<16xi32>
      %shift_right_arithmetic3A_1125 = arith.shrsi %get3A_1122, %shift_right_arithmetic3A_1124 : vector<16xi32>
      %and3A_1126 = arith.constant 127 : i32
      %and3A_1127 = vector.broadcast %and3A_1126 : i32 to vector<16xi32>
      %and3A_1128 = arith.andi %get3A_1122, %and3A_1127 : vector<16xi32>
      tpu.vector_store_idx %arg15[%shift_right_arithmetic3A_1125, %and3A_1128], %broadcast_in_dim3A_49 {add = true} : memref<80x128xf32, #tpu.memory_space<vmem>>[vector<16xi32>, vector<16xi32>], vector<16xf32>,
      %get3A_1129 = arith.constant 8 : i32
      %get3A_1130 = arith.index_cast %get3A_1129 : i32 to index
      %get3A_1131 = arith.constant 16 : index
      %get3A_1132 = tpu.vector_load %arg14[%get3A_1130, %get3A_1131] {strides = array<i32>} : memref<16x128xi32, #tpu.memory_space<vmem>>, vector<16xi32>,
      %shift_right_arithmetic3A_1133 = arith.constant 7 : i32
      %shift_right_arithmetic3A_1134 = vector.broadcast %shift_right_arithmetic3A_1133 : i32 to vector<16xi32>
      %shift_right_arithmetic3A_1135 = arith.shrsi %get3A_1132, %shift_right_arithmetic3A_1134 : vector<16xi32>
      %and3A_1136 = arith.constant 127 : i32
      %and3A_1137 = vector.broadcast %and3A_1136 : i32 to vector<16xi32>
      %and3A_1138 = arith.andi %get3A_1132, %and3A_1137 : vector<16xi32>
      tpu.vector_store_idx %arg15[%shift_right_arithmetic3A_1135, %and3A_1138], %broadcast_in_dim3A_49 {add = true} : memref<80x128xf32, #tpu.memory_space<vmem>>[vector<16xi32>, vector<16xi32>], vector<16xf32>,
      %get3A_1139 = arith.constant 8 : i32
      %get3A_1140 = arith.index_cast %get3A_1139 : i32 to index
      %get3A_1141 = arith.constant 32 : index
      %get3A_1142 = tpu.vector_load %arg14[%get3A_1140, %get3A_1141] {strides = array<i32>} : memref<16x128xi32, #tpu.memory_space<vmem>>, vector<16xi32>,
      %shift_right_arithmetic3A_1143 = arith.constant 7 : i32
      %shift_right_arithmetic3A_1144 = vector.broadcast %shift_right_arithmetic3A_1143 : i32 to vector<16xi32>
      %shift_right_arithmetic3A_1145 = arith.shrsi %get3A_1142, %shift_right_arithmetic3A_1144 : vector<16xi32>
      %and3A_1146 = arith.constant 127 : i32
      %and3A_1147 = vector.broadcast %and3A_1146 : i32 to vector<16xi32>
      %and3A_1148 = arith.andi %get3A_1142, %and3A_1147 : vector<16xi32>
      tpu.vector_store_idx %arg15[%shift_right_arithmetic3A_1145, %and3A_1148], %broadcast_in_dim3A_49 {add = true} : memref<80x128xf32, #tpu.memory_space<vmem>>[vector<16xi32>, vector<16xi32>], vector<16xf32>,
      %get3A_1149 = arith.constant 8 : i32
      %get3A_1150 = arith.index_cast %get3A_1149 : i32 to index
      %get3A_1151 = arith.constant 48 : index
      %get3A_1152 = tpu.vector_load %arg14[%get3A_1150, %get3A_1151] {strides = array<i32>} : memref<16x128xi32, #tpu.memory_space<vmem>>, vector<16xi32>,
      %shift_right_arithmetic3A_1153 = arith.constant 7 : i32
      %shift_right_arithmetic3A_1154 = vector.broadcast %shift_right_arithmetic3A_1153 : i32 to vector<16xi32>
      %shift_right_arithmetic3A_1155 = arith.shrsi %get3A_1152, %shift_right_arithmetic3A_1154 : vector<16xi32>
      %and3A_1156 = arith.constant 127 : i32
      %and3A_1157 = vector.broadcast %and3A_1156 : i32 to vector<16xi32>
      %and3A_1158 = arith.andi %get3A_1152, %and3A_1157 : vector<16xi32>
      tpu.vector_store_idx %arg15[%shift_right_arithmetic3A_1155, %and3A_1158], %broadcast_in_dim3A_49 {add = true} : memref<80x128xf32, #tpu.memory_space<vmem>>[vector<16xi32>, vector<16xi32>], vector<16xf32>,
      %get3A_1159 = arith.constant 8 : i32
      %get3A_1160 = arith.index_cast %get3A_1159 : i32 to index
      %get3A_1161 = arith.constant 64 : index
      %get3A_1162 = tpu.vector_load %arg14[%get3A_1160, %get3A_1161] {strides = array<i32>} : memref<16x128xi32, #tpu.memory_space<vmem>>, vector<16xi32>,
      %shift_right_arithmetic3A_1163 = arith.constant 7 : i32
      %shift_right_arithmetic3A_1164 = vector.broadcast %shift_right_arithmetic3A_1163 : i32 to vector<16xi32>
      %shift_right_arithmetic3A_1165 = arith.shrsi %get3A_1162, %shift_right_arithmetic3A_1164 : vector<16xi32>
      %and3A_1166 = arith.constant 127 : i32
      %and3A_1167 = vector.broadcast %and3A_1166 : i32 to vector<16xi32>
      %and3A_1168 = arith.andi %get3A_1162, %and3A_1167 : vector<16xi32>
      tpu.vector_store_idx %arg15[%shift_right_arithmetic3A_1165, %and3A_1168], %broadcast_in_dim3A_49 {add = true} : memref<80x128xf32, #tpu.memory_space<vmem>>[vector<16xi32>, vector<16xi32>], vector<16xf32>,
      %get3A_1169 = arith.constant 8 : i32
      %get3A_1170 = arith.index_cast %get3A_1169 : i32 to index
      %get3A_1171 = arith.constant 80 : index
      %get3A_1172 = tpu.vector_load %arg14[%get3A_1170, %get3A_1171] {strides = array<i32>} : memref<16x128xi32, #tpu.memory_space<vmem>>, vector<16xi32>,
      %shift_right_arithmetic3A_1173 = arith.constant 7 : i32
      %shift_right_arithmetic3A_1174 = vector.broadcast %shift_right_arithmetic3A_1173 : i32 to vector<16xi32>
      %shift_right_arithmetic3A_1175 = arith.shrsi %get3A_1172, %shift_right_arithmetic3A_1174 : vector<16xi32>
      %and3A_1176 = arith.constant 127 : i32
      %and3A_1177 = vector.broadcast %and3A_1176 : i32 to vector<16xi32>
      %and3A_1178 = arith.andi %get3A_1172, %and3A_1177 : vector<16xi32>
      tpu.vector_store_idx %arg15[%shift_right_arithmetic3A_1175, %and3A_1178], %broadcast_in_dim3A_49 {add = true} : memref<80x128xf32, #tpu.memory_space<vmem>>[vector<16xi32>, vector<16xi32>], vector<16xf32>,
      %get3A_1179 = arith.constant 8 : i32
      %get3A_1180 = arith.index_cast %get3A_1179 : i32 to index
      %get3A_1181 = arith.constant 96 : index
      %get3A_1182 = tpu.vector_load %arg14[%get3A_1180, %get3A_1181] {strides = array<i32>} : memref<16x128xi32, #tpu.memory_space<vmem>>, vector<16xi32>,
      %shift_right_arithmetic3A_1183 = arith.constant 7 : i32
      %shift_right_arithmetic3A_1184 = vector.broadcast %shift_right_arithmetic3A_1183 : i32 to vector<16xi32>
      %shift_right_arithmetic3A_1185 = arith.shrsi %get3A_1182, %shift_right_arithmetic3A_1184 : vector<16xi32>
      %and3A_1186 = arith.constant 127 : i32
      %and3A_1187 = vector.broadcast %and3A_1186 : i32 to vector<16xi32>
      %and3A_1188 = arith.andi %get3A_1182, %and3A_1187 : vector<16xi32>
      tpu.vector_store_idx %arg15[%shift_right_arithmetic3A_1185, %and3A_1188], %broadcast_in_dim3A_49 {add = true} : memref<80x128xf32, #tpu.memory_space<vmem>>[vector<16xi32>, vector<16xi32>], vector<16xf32>,
      %get3A_1189 = arith.constant 8 : i32
      %get3A_1190 = arith.index_cast %get3A_1189 : i32 to index
      %get3A_1191 = arith.constant 112 : index
      %get3A_1192 = tpu.vector_load %arg14[%get3A_1190, %get3A_1191] {strides = array<i32>} : memref<16x128xi32, #tpu.memory_space<vmem>>, vector<16xi32>,
      %shift_right_arithmetic3A_1193 = arith.constant 7 : i32
      %shift_right_arithmetic3A_1194 = vector.broadcast %shift_right_arithmetic3A_1193 : i32 to vector<16xi32>
      %shift_right_arithmetic3A_1195 = arith.shrsi %get3A_1192, %shift_right_arithmetic3A_1194 : vector<16xi32>
      %and3A_1196 = arith.constant 127 : i32
      %and3A_1197 = vector.broadcast %and3A_1196 : i32 to vector<16xi32>
      %and3A_1198 = arith.andi %get3A_1192, %and3A_1197 : vector<16xi32>
      tpu.vector_store_idx %arg15[%shift_right_arithmetic3A_1195, %and3A_1198], %broadcast_in_dim3A_49 {add = true} : memref<80x128xf32, #tpu.memory_space<vmem>>[vector<16xi32>, vector<16xi32>], vector<16xf32>,
      %dma_wait3A_1199 = arith.constant 3 : i32
      %dma_wait3A_1200 = arith.constant 7 : i32
      %dma_wait3A_1201 = arith.constant 0 : i32
      %dma_wait3A_1202 = arith.constant 0 : i32
      %dma_wait3A_1203 = tpu.memref_slice %arg12[%dma_wait3A_1199, %dma_wait3A_1201, %dma_wait3A_1202] : memref<4x128x128xbf16, #tpu.memory_space<vmem>> -> memref<1x128x128xbf16, #tpu.memory_space<vmem>>
      %dma_wait3A_1204 = tpu.memref_squeeze %dma_wait3A_1203 : memref<1x128x128xbf16, #tpu.memory_space<vmem>> -> memref<128x128xbf16, #tpu.memory_space<vmem>>
      %dma_wait3A_1205 = arith.constant 0 : i32
      %dma_wait3A_1206 = tpu.memref_slice %arg14[%dma_wait3A_1200, %dma_wait3A_1205] : memref<16x128xi32, #tpu.memory_space<vmem>> -> memref<1x128xi32, #tpu.memory_space<vmem>>
      %dma_wait3A_1207 = tpu.memref_squeeze %dma_wait3A_1206 : memref<1x128xi32, #tpu.memory_space<vmem>> -> memref<128xi32, #tpu.memory_space<vmem>>
      %dma_wait3A_1208 = arith.constant 0 : i32
      %dma_wait3A_1209 = arith.constant 0 : i32
      %dma_wait3A_1210 = tpu.memref_slice %arg10[%dma_wait3A_1208, %dma_wait3A_1209] : memref<10112x128xbf16, #tpu.memory_space<vmem_shared>> -> memref<10112x128xbf16, #tpu.memory_space<vmem_shared>>
      tpu.wait_indirect_dma semaphore(%arg24 : memref<!tpu.dma_semaphore, #tpu.memory_space<semaphore_mem>>) src(%dma_wait3A_1204 : memref<128x128xbf16, #tpu.memory_space<vmem>>) dst(%dma_wait3A_1210 : memref<10112x128xbf16, #tpu.memory_space<vmem_shared>>)
      %dma_start3A_1211 = arith.constant 3 : i32
      %dma_start3A_1212 = arith.constant 0 : i32
      %dma_start3A_1213 = arith.constant 0 : i32
      %dma_start3A_1214 = tpu.memref_slice %arg12[%dma_start3A_1211, %dma_start3A_1212, %dma_start3A_1213] : memref<4x128x128xbf16, #tpu.memory_space<vmem>> -> memref<1x128x128xbf16, #tpu.memory_space<vmem>>
      %dma_start3A_1215 = tpu.memref_squeeze %dma_start3A_1214 : memref<1x128x128xbf16, #tpu.memory_space<vmem>> -> memref<128x128xbf16, #tpu.memory_space<vmem>>
      %dma_start3A_1216 = arith.constant 1408 : i32
      %dma_start3A_1217 = tpu.memref_slice %arg13[%dma_start3A_1216] : memref<2048xi32, #tpu.memory_space<vmem>> -> memref<128xi32, #tpu.memory_space<vmem>>
      %dma_start3A_1218 = arith.constant 0 : i32
      %dma_start3A_1219 = arith.constant 0 : i32
      %dma_start3A_1220 = tpu.memref_slice %arg9[%dma_start3A_1218, %dma_start3A_1219] : memref<10000x128xbf16, #tpu.memory_space<vmem_shared>> -> memref<10000x128xbf16, #tpu.memory_space<vmem_shared>>
      tpu.enqueue_indirect_dma source(%dma_start3A_1220 : memref<10000x128xbf16, #tpu.memory_space<vmem_shared>>) target(%dma_start3A_1215 : memref<128x128xbf16, #tpu.memory_space<vmem>>) offsets(%dma_start3A_1217 : memref<128xi32, #tpu.memory_space<vmem>>) semaphore(%arg20 : memref<!tpu.dma_semaphore, #tpu.memory_space<semaphore_mem>>)
      %dma_wait3A_1221 = arith.constant 1 : i32
      %dma_wait3A_1222 = arith.constant 0 : i32
      %dma_wait3A_1223 = arith.constant 0 : i32
      %dma_wait3A_1224 = tpu.memref_slice %arg12[%dma_wait3A_1221, %dma_wait3A_1222, %dma_wait3A_1223] : memref<4x128x128xbf16, #tpu.memory_space<vmem>> -> memref<1x128x128xbf16, #tpu.memory_space<vmem>>
      %dma_wait3A_1225 = tpu.memref_squeeze %dma_wait3A_1224 : memref<1x128x128xbf16, #tpu.memory_space<vmem>> -> memref<128x128xbf16, #tpu.memory_space<vmem>>
      %dma_wait3A_1226 = arith.constant 1152 : i32
      %dma_wait3A_1227 = tpu.memref_slice %arg13[%dma_wait3A_1226] : memref<2048xi32, #tpu.memory_space<vmem>> -> memref<128xi32, #tpu.memory_space<vmem>>
      %dma_wait3A_1228 = arith.constant 0 : i32
      %dma_wait3A_1229 = arith.constant 0 : i32
      %dma_wait3A_1230 = tpu.memref_slice %arg9[%dma_wait3A_1228, %dma_wait3A_1229] : memref<10000x128xbf16, #tpu.memory_space<vmem_shared>> -> memref<10000x128xbf16, #tpu.memory_space<vmem_shared>>
      tpu.wait_indirect_dma semaphore(%arg18 : memref<!tpu.dma_semaphore, #tpu.memory_space<semaphore_mem>>) src(%dma_wait3A_1230 : memref<10000x128xbf16, #tpu.memory_space<vmem_shared>>) dst(%dma_wait3A_1225 : memref<128x128xbf16, #tpu.memory_space<vmem>>)
      %dma_start3A_1231 = arith.constant 1 : i32
      %dma_start3A_1232 = arith.constant 9 : i32
      %dma_start3A_1233 = arith.constant 0 : i32
      %dma_start3A_1234 = arith.constant 0 : i32
      %dma_start3A_1235 = tpu.memref_slice %arg12[%dma_start3A_1231, %dma_start3A_1233, %dma_start3A_1234] : memref<4x128x128xbf16, #tpu.memory_space<vmem>> -> memref<1x128x128xbf16, #tpu.memory_space<vmem>>
      %dma_start3A_1236 = tpu.memref_squeeze %dma_start3A_1235 : memref<1x128x128xbf16, #tpu.memory_space<vmem>> -> memref<128x128xbf16, #tpu.memory_space<vmem>>
      %dma_start3A_1237 = arith.constant 0 : i32
      %dma_start3A_1238 = tpu.memref_slice %arg14[%dma_start3A_1232, %dma_start3A_1237] : memref<16x128xi32, #tpu.memory_space<vmem>> -> memref<1x128xi32, #tpu.memory_space<vmem>>
      %dma_start3A_1239 = tpu.memref_squeeze %dma_start3A_1238 : memref<1x128xi32, #tpu.memory_space<vmem>> -> memref<128xi32, #tpu.memory_space<vmem>>
      %dma_start3A_1240 = arith.constant 0 : i32
      %dma_start3A_1241 = arith.constant 0 : i32
      %dma_start3A_1242 = tpu.memref_slice %arg10[%dma_start3A_1240, %dma_start3A_1241] : memref<10112x128xbf16, #tpu.memory_space<vmem_shared>> -> memref<10112x128xbf16, #tpu.memory_space<vmem_shared>>
      tpu.enqueue_indirect_dma source(%dma_start3A_1236 : memref<128x128xbf16, #tpu.memory_space<vmem>>) target(%dma_start3A_1242 : memref<10112x128xbf16, #tpu.memory_space<vmem_shared>>) offsets(%dma_start3A_1239 : memref<128xi32, #tpu.memory_space<vmem>>) semaphore(%arg22 : memref<!tpu.dma_semaphore, #tpu.memory_space<semaphore_mem>>) {add = true}
      %get3A_1243 = arith.constant 9 : i32
      %get3A_1244 = arith.index_cast %get3A_1243 : i32 to index
      %get3A_1245 = arith.constant 0 : index
      %get3A_1246 = tpu.vector_load %arg14[%get3A_1244, %get3A_1245] {strides = array<i32>} : memref<16x128xi32, #tpu.memory_space<vmem>>, vector<16xi32>,
      %shift_right_arithmetic3A_1247 = arith.constant 7 : i32
      %shift_right_arithmetic3A_1248 = vector.broadcast %shift_right_arithmetic3A_1247 : i32 to vector<16xi32>
      %shift_right_arithmetic3A_1249 = arith.shrsi %get3A_1246, %shift_right_arithmetic3A_1248 : vector<16xi32>
      %and3A_1250 = arith.constant 127 : i32
      %and3A_1251 = vector.broadcast %and3A_1250 : i32 to vector<16xi32>
      %and3A_1252 = arith.andi %get3A_1246, %and3A_1251 : vector<16xi32>
      tpu.vector_store_idx %arg15[%shift_right_arithmetic3A_1249, %and3A_1252], %broadcast_in_dim3A_49 {add = true} : memref<80x128xf32, #tpu.memory_space<vmem>>[vector<16xi32>, vector<16xi32>], vector<16xf32>,
      %get3A_1253 = arith.constant 9 : i32
      %get3A_1254 = arith.index_cast %get3A_1253 : i32 to index
      %get3A_1255 = arith.constant 16 : index
      %get3A_1256 = tpu.vector_load %arg14[%get3A_1254, %get3A_1255] {strides = array<i32>} : memref<16x128xi32, #tpu.memory_space<vmem>>, vector<16xi32>,
      %shift_right_arithmetic3A_1257 = arith.constant 7 : i32
      %shift_right_arithmetic3A_1258 = vector.broadcast %shift_right_arithmetic3A_1257 : i32 to vector<16xi32>
      %shift_right_arithmetic3A_1259 = arith.shrsi %get3A_1256, %shift_right_arithmetic3A_1258 : vector<16xi32>
      %and3A_1260 = arith.constant 127 : i32
      %and3A_1261 = vector.broadcast %and3A_1260 : i32 to vector<16xi32>
      %and3A_1262 = arith.andi %get3A_1256, %and3A_1261 : vector<16xi32>
      tpu.vector_store_idx %arg15[%shift_right_arithmetic3A_1259, %and3A_1262], %broadcast_in_dim3A_49 {add = true} : memref<80x128xf32, #tpu.memory_space<vmem>>[vector<16xi32>, vector<16xi32>], vector<16xf32>,
      %get3A_1263 = arith.constant 9 : i32
      %get3A_1264 = arith.index_cast %get3A_1263 : i32 to index
      %get3A_1265 = arith.constant 32 : index
      %get3A_1266 = tpu.vector_load %arg14[%get3A_1264, %get3A_1265] {strides = array<i32>} : memref<16x128xi32, #tpu.memory_space<vmem>>, vector<16xi32>,
      %shift_right_arithmetic3A_1267 = arith.constant 7 : i32
      %shift_right_arithmetic3A_1268 = vector.broadcast %shift_right_arithmetic3A_1267 : i32 to vector<16xi32>
      %shift_right_arithmetic3A_1269 = arith.shrsi %get3A_1266, %shift_right_arithmetic3A_1268 : vector<16xi32>
      %and3A_1270 = arith.constant 127 : i32
      %and3A_1271 = vector.broadcast %and3A_1270 : i32 to vector<16xi32>
      %and3A_1272 = arith.andi %get3A_1266, %and3A_1271 : vector<16xi32>
      tpu.vector_store_idx %arg15[%shift_right_arithmetic3A_1269, %and3A_1272], %broadcast_in_dim3A_49 {add = true} : memref<80x128xf32, #tpu.memory_space<vmem>>[vector<16xi32>, vector<16xi32>], vector<16xf32>,
      %get3A_1273 = arith.constant 9 : i32
      %get3A_1274 = arith.index_cast %get3A_1273 : i32 to index
      %get3A_1275 = arith.constant 48 : index
      %get3A_1276 = tpu.vector_load %arg14[%get3A_1274, %get3A_1275] {strides = array<i32>} : memref<16x128xi32, #tpu.memory_space<vmem>>, vector<16xi32>,
      %shift_right_arithmetic3A_1277 = arith.constant 7 : i32
      %shift_right_arithmetic3A_1278 = vector.broadcast %shift_right_arithmetic3A_1277 : i32 to vector<16xi32>
      %shift_right_arithmetic3A_1279 = arith.shrsi %get3A_1276, %shift_right_arithmetic3A_1278 : vector<16xi32>
      %and3A_1280 = arith.constant 127 : i32
      %and3A_1281 = vector.broadcast %and3A_1280 : i32 to vector<16xi32>
      %and3A_1282 = arith.andi %get3A_1276, %and3A_1281 : vector<16xi32>
      tpu.vector_store_idx %arg15[%shift_right_arithmetic3A_1279, %and3A_1282], %broadcast_in_dim3A_49 {add = true} : memref<80x128xf32, #tpu.memory_space<vmem>>[vector<16xi32>, vector<16xi32>], vector<16xf32>,
      %get3A_1283 = arith.constant 9 : i32
      %get3A_1284 = arith.index_cast %get3A_1283 : i32 to index
      %get3A_1285 = arith.constant 64 : index
      %get3A_1286 = tpu.vector_load %arg14[%get3A_1284, %get3A_1285] {strides = array<i32>} : memref<16x128xi32, #tpu.memory_space<vmem>>, vector<16xi32>,
      %shift_right_arithmetic3A_1287 = arith.constant 7 : i32
      %shift_right_arithmetic3A_1288 = vector.broadcast %shift_right_arithmetic3A_1287 : i32 to vector<16xi32>
      %shift_right_arithmetic3A_1289 = arith.shrsi %get3A_1286, %shift_right_arithmetic3A_1288 : vector<16xi32>
      %and3A_1290 = arith.constant 127 : i32
      %and3A_1291 = vector.broadcast %and3A_1290 : i32 to vector<16xi32>
      %and3A_1292 = arith.andi %get3A_1286, %and3A_1291 : vector<16xi32>
      tpu.vector_store_idx %arg15[%shift_right_arithmetic3A_1289, %and3A_1292], %broadcast_in_dim3A_49 {add = true} : memref<80x128xf32, #tpu.memory_space<vmem>>[vector<16xi32>, vector<16xi32>], vector<16xf32>,
      %get3A_1293 = arith.constant 9 : i32
      %get3A_1294 = arith.index_cast %get3A_1293 : i32 to index
      %get3A_1295 = arith.constant 80 : index
      %get3A_1296 = tpu.vector_load %arg14[%get3A_1294, %get3A_1295] {strides = array<i32>} : memref<16x128xi32, #tpu.memory_space<vmem>>, vector<16xi32>,
      %shift_right_arithmetic3A_1297 = arith.constant 7 : i32
      %shift_right_arithmetic3A_1298 = vector.broadcast %shift_right_arithmetic3A_1297 : i32 to vector<16xi32>
      %shift_right_arithmetic3A_1299 = arith.shrsi %get3A_1296, %shift_right_arithmetic3A_1298 : vector<16xi32>
      %and3A_1300 = arith.constant 127 : i32
      %and3A_1301 = vector.broadcast %and3A_1300 : i32 to vector<16xi32>
      %and3A_1302 = arith.andi %get3A_1296, %and3A_1301 : vector<16xi32>
      tpu.vector_store_idx %arg15[%shift_right_arithmetic3A_1299, %and3A_1302], %broadcast_in_dim3A_49 {add = true} : memref<80x128xf32, #tpu.memory_space<vmem>>[vector<16xi32>, vector<16xi32>], vector<16xf32>,
      %get3A_1303 = arith.constant 9 : i32
      %get3A_1304 = arith.index_cast %get3A_1303 : i32 to index
      %get3A_1305 = arith.constant 96 : index
      %get3A_1306 = tpu.vector_load %arg14[%get3A_1304, %get3A_1305] {strides = array<i32>} : memref<16x128xi32, #tpu.memory_space<vmem>>, vector<16xi32>,
      %shift_right_arithmetic3A_1307 = arith.constant 7 : i32
      %shift_right_arithmetic3A_1308 = vector.broadcast %shift_right_arithmetic3A_1307 : i32 to vector<16xi32>
      %shift_right_arithmetic3A_1309 = arith.shrsi %get3A_1306, %shift_right_arithmetic3A_1308 : vector<16xi32>
      %and3A_1310 = arith.constant 127 : i32
      %and3A_1311 = vector.broadcast %and3A_1310 : i32 to vector<16xi32>
      %and3A_1312 = arith.andi %get3A_1306, %and3A_1311 : vector<16xi32>
      tpu.vector_store_idx %arg15[%shift_right_arithmetic3A_1309, %and3A_1312], %broadcast_in_dim3A_49 {add = true} : memref<80x128xf32, #tpu.memory_space<vmem>>[vector<16xi32>, vector<16xi32>], vector<16xf32>,
      %get3A_1313 = arith.constant 9 : i32
      %get3A_1314 = arith.index_cast %get3A_1313 : i32 to index
      %get3A_1315 = arith.constant 112 : index
      %get3A_1316 = tpu.vector_load %arg14[%get3A_1314, %get3A_1315] {strides = array<i32>} : memref<16x128xi32, #tpu.memory_space<vmem>>, vector<16xi32>,
      %shift_right_arithmetic3A_1317 = arith.constant 7 : i32
      %shift_right_arithmetic3A_1318 = vector.broadcast %shift_right_arithmetic3A_1317 : i32 to vector<16xi32>
      %shift_right_arithmetic3A_1319 = arith.shrsi %get3A_1316, %shift_right_arithmetic3A_1318 : vector<16xi32>
      %and3A_1320 = arith.constant 127 : i32
      %and3A_1321 = vector.broadcast %and3A_1320 : i32 to vector<16xi32>
      %and3A_1322 = arith.andi %get3A_1316, %and3A_1321 : vector<16xi32>
      tpu.vector_store_idx %arg15[%shift_right_arithmetic3A_1319, %and3A_1322], %broadcast_in_dim3A_49 {add = true} : memref<80x128xf32, #tpu.memory_space<vmem>>[vector<16xi32>, vector<16xi32>], vector<16xf32>,
      %dma_wait3A_1323 = arith.constant 0 : i32
      %dma_wait3A_1324 = arith.constant 8 : i32
      %dma_wait3A_1325 = arith.constant 0 : i32
      %dma_wait3A_1326 = arith.constant 0 : i32
      %dma_wait3A_1327 = tpu.memref_slice %arg12[%dma_wait3A_1323, %dma_wait3A_1325, %dma_wait3A_1326] : memref<4x128x128xbf16, #tpu.memory_space<vmem>> -> memref<1x128x128xbf16, #tpu.memory_space<vmem>>
      %dma_wait3A_1328 = tpu.memref_squeeze %dma_wait3A_1327 : memref<1x128x128xbf16, #tpu.memory_space<vmem>> -> memref<128x128xbf16, #tpu.memory_space<vmem>>
      %dma_wait3A_1329 = arith.constant 0 : i32
      %dma_wait3A_1330 = tpu.memref_slice %arg14[%dma_wait3A_1324, %dma_wait3A_1329] : memref<16x128xi32, #tpu.memory_space<vmem>> -> memref<1x128xi32, #tpu.memory_space<vmem>>
      %dma_wait3A_1331 = tpu.memref_squeeze %dma_wait3A_1330 : memref<1x128xi32, #tpu.memory_space<vmem>> -> memref<128xi32, #tpu.memory_space<vmem>>
      %dma_wait3A_1332 = arith.constant 0 : i32
      %dma_wait3A_1333 = arith.constant 0 : i32
      %dma_wait3A_1334 = tpu.memref_slice %arg10[%dma_wait3A_1332, %dma_wait3A_1333] : memref<10112x128xbf16, #tpu.memory_space<vmem_shared>> -> memref<10112x128xbf16, #tpu.memory_space<vmem_shared>>
      tpu.wait_indirect_dma semaphore(%arg21 : memref<!tpu.dma_semaphore, #tpu.memory_space<semaphore_mem>>) src(%dma_wait3A_1328 : memref<128x128xbf16, #tpu.memory_space<vmem>>) dst(%dma_wait3A_1334 : memref<10112x128xbf16, #tpu.memory_space<vmem_shared>>)
      %dma_start3A_1335 = arith.constant 0 : i32
      %dma_start3A_1336 = arith.constant 0 : i32
      %dma_start3A_1337 = arith.constant 0 : i32
      %dma_start3A_1338 = tpu.memref_slice %arg12[%dma_start3A_1335, %dma_start3A_1336, %dma_start3A_1337] : memref<4x128x128xbf16, #tpu.memory_space<vmem>> -> memref<1x128x128xbf16, #tpu.memory_space<vmem>>
      %dma_start3A_1339 = tpu.memref_squeeze %dma_start3A_1338 : memref<1x128x128xbf16, #tpu.memory_space<vmem>> -> memref<128x128xbf16, #tpu.memory_space<vmem>>
      %dma_start3A_1340 = arith.constant 1536 : i32
      %dma_start3A_1341 = tpu.memref_slice %arg13[%dma_start3A_1340] : memref<2048xi32, #tpu.memory_space<vmem>> -> memref<128xi32, #tpu.memory_space<vmem>>
      %dma_start3A_1342 = arith.constant 0 : i32
      %dma_start3A_1343 = arith.constant 0 : i32
      %dma_start3A_1344 = tpu.memref_slice %arg9[%dma_start3A_1342, %dma_start3A_1343] : memref<10000x128xbf16, #tpu.memory_space<vmem_shared>> -> memref<10000x128xbf16, #tpu.memory_space<vmem_shared>>
      tpu.enqueue_indirect_dma source(%dma_start3A_1344 : memref<10000x128xbf16, #tpu.memory_space<vmem_shared>>) target(%dma_start3A_1339 : memref<128x128xbf16, #tpu.memory_space<vmem>>) offsets(%dma_start3A_1341 : memref<128xi32, #tpu.memory_space<vmem>>) semaphore(%arg17 : memref<!tpu.dma_semaphore, #tpu.memory_space<semaphore_mem>>)
      %dma_wait3A_1345 = arith.constant 2 : i32
      %dma_wait3A_1346 = arith.constant 0 : i32
      %dma_wait3A_1347 = arith.constant 0 : i32
      %dma_wait3A_1348 = tpu.memref_slice %arg12[%dma_wait3A_1345, %dma_wait3A_1346, %dma_wait3A_1347] : memref<4x128x128xbf16, #tpu.memory_space<vmem>> -> memref<1x128x128xbf16, #tpu.memory_space<vmem>>
      %dma_wait3A_1349 = tpu.memref_squeeze %dma_wait3A_1348 : memref<1x128x128xbf16, #tpu.memory_space<vmem>> -> memref<128x128xbf16, #tpu.memory_space<vmem>>
      %dma_wait3A_1350 = arith.constant 1280 : i32
      %dma_wait3A_1351 = tpu.memref_slice %arg13[%dma_wait3A_1350] : memref<2048xi32, #tpu.memory_space<vmem>> -> memref<128xi32, #tpu.memory_space<vmem>>
      %dma_wait3A_1352 = arith.constant 0 : i32
      %dma_wait3A_1353 = arith.constant 0 : i32
      %dma_wait3A_1354 = tpu.memref_slice %arg9[%dma_wait3A_1352, %dma_wait3A_1353] : memref<10000x128xbf16, #tpu.memory_space<vmem_shared>> -> memref<10000x128xbf16, #tpu.memory_space<vmem_shared>>
      tpu.wait_indirect_dma semaphore(%arg19 : memref<!tpu.dma_semaphore, #tpu.memory_space<semaphore_mem>>) src(%dma_wait3A_1354 : memref<10000x128xbf16, #tpu.memory_space<vmem_shared>>) dst(%dma_wait3A_1349 : memref<128x128xbf16, #tpu.memory_space<vmem>>)
      %dma_start3A_1355 = arith.constant 2 : i32
      %dma_start3A_1356 = arith.constant 10 : i32
      %dma_start3A_1357 = arith.constant 0 : i32
      %dma_start3A_1358 = arith.constant 0 : i32
      %dma_start3A_1359 = tpu.memref_slice %arg12[%dma_start3A_1355, %dma_start3A_1357, %dma_start3A_1358] : memref<4x128x128xbf16, #tpu.memory_space<vmem>> -> memref<1x128x128xbf16, #tpu.memory_space<vmem>>
      %dma_start3A_1360 = tpu.memref_squeeze %dma_start3A_1359 : memref<1x128x128xbf16, #tpu.memory_space<vmem>> -> memref<128x128xbf16, #tpu.memory_space<vmem>>
      %dma_start3A_1361 = arith.constant 0 : i32
      %dma_start3A_1362 = tpu.memref_slice %arg14[%dma_start3A_1356, %dma_start3A_1361] : memref<16x128xi32, #tpu.memory_space<vmem>> -> memref<1x128xi32, #tpu.memory_space<vmem>>
      %dma_start3A_1363 = tpu.memref_squeeze %dma_start3A_1362 : memref<1x128xi32, #tpu.memory_space<vmem>> -> memref<128xi32, #tpu.memory_space<vmem>>
      %dma_start3A_1364 = arith.constant 0 : i32
      %dma_start3A_1365 = arith.constant 0 : i32
      %dma_start3A_1366 = tpu.memref_slice %arg10[%dma_start3A_1364, %dma_start3A_1365] : memref<10112x128xbf16, #tpu.memory_space<vmem_shared>> -> memref<10112x128xbf16, #tpu.memory_space<vmem_shared>>
      tpu.enqueue_indirect_dma source(%dma_start3A_1360 : memref<128x128xbf16, #tpu.memory_space<vmem>>) target(%dma_start3A_1366 : memref<10112x128xbf16, #tpu.memory_space<vmem_shared>>) offsets(%dma_start3A_1363 : memref<128xi32, #tpu.memory_space<vmem>>) semaphore(%arg23 : memref<!tpu.dma_semaphore, #tpu.memory_space<semaphore_mem>>) {add = true}
      %get3A_1367 = arith.constant 10 : i32
      %get3A_1368 = arith.index_cast %get3A_1367 : i32 to index
      %get3A_1369 = arith.constant 0 : index
      %get3A_1370 = tpu.vector_load %arg14[%get3A_1368, %get3A_1369] {strides = array<i32>} : memref<16x128xi32, #tpu.memory_space<vmem>>, vector<16xi32>,
      %shift_right_arithmetic3A_1371 = arith.constant 7 : i32
      %shift_right_arithmetic3A_1372 = vector.broadcast %shift_right_arithmetic3A_1371 : i32 to vector<16xi32>
      %shift_right_arithmetic3A_1373 = arith.shrsi %get3A_1370, %shift_right_arithmetic3A_1372 : vector<16xi32>
      %and3A_1374 = arith.constant 127 : i32
      %and3A_1375 = vector.broadcast %and3A_1374 : i32 to vector<16xi32>
      %and3A_1376 = arith.andi %get3A_1370, %and3A_1375 : vector<16xi32>
      tpu.vector_store_idx %arg15[%shift_right_arithmetic3A_1373, %and3A_1376], %broadcast_in_dim3A_49 {add = true} : memref<80x128xf32, #tpu.memory_space<vmem>>[vector<16xi32>, vector<16xi32>], vector<16xf32>,
      %get3A_1377 = arith.constant 10 : i32
      %get3A_1378 = arith.index_cast %get3A_1377 : i32 to index
      %get3A_1379 = arith.constant 16 : index
      %get3A_1380 = tpu.vector_load %arg14[%get3A_1378, %get3A_1379] {strides = array<i32>} : memref<16x128xi32, #tpu.memory_space<vmem>>, vector<16xi32>,
      %shift_right_arithmetic3A_1381 = arith.constant 7 : i32
      %shift_right_arithmetic3A_1382 = vector.broadcast %shift_right_arithmetic3A_1381 : i32 to vector<16xi32>
      %shift_right_arithmetic3A_1383 = arith.shrsi %get3A_1380, %shift_right_arithmetic3A_1382 : vector<16xi32>
      %and3A_1384 = arith.constant 127 : i32
      %and3A_1385 = vector.broadcast %and3A_1384 : i32 to vector<16xi32>
      %and3A_1386 = arith.andi %get3A_1380, %and3A_1385 : vector<16xi32>
      tpu.vector_store_idx %arg15[%shift_right_arithmetic3A_1383, %and3A_1386], %broadcast_in_dim3A_49 {add = true} : memref<80x128xf32, #tpu.memory_space<vmem>>[vector<16xi32>, vector<16xi32>], vector<16xf32>,
      %get3A_1387 = arith.constant 10 : i32
      %get3A_1388 = arith.index_cast %get3A_1387 : i32 to index
      %get3A_1389 = arith.constant 32 : index
      %get3A_1390 = tpu.vector_load %arg14[%get3A_1388, %get3A_1389] {strides = array<i32>} : memref<16x128xi32, #tpu.memory_space<vmem>>, vector<16xi32>,
      %shift_right_arithmetic3A_1391 = arith.constant 7 : i32
      %shift_right_arithmetic3A_1392 = vector.broadcast %shift_right_arithmetic3A_1391 : i32 to vector<16xi32>
      %shift_right_arithmetic3A_1393 = arith.shrsi %get3A_1390, %shift_right_arithmetic3A_1392 : vector<16xi32>
      %and3A_1394 = arith.constant 127 : i32
      %and3A_1395 = vector.broadcast %and3A_1394 : i32 to vector<16xi32>
      %and3A_1396 = arith.andi %get3A_1390, %and3A_1395 : vector<16xi32>
      tpu.vector_store_idx %arg15[%shift_right_arithmetic3A_1393, %and3A_1396], %broadcast_in_dim3A_49 {add = true} : memref<80x128xf32, #tpu.memory_space<vmem>>[vector<16xi32>, vector<16xi32>], vector<16xf32>,
      %get3A_1397 = arith.constant 10 : i32
      %get3A_1398 = arith.index_cast %get3A_1397 : i32 to index
      %get3A_1399 = arith.constant 48 : index
      %get3A_1400 = tpu.vector_load %arg14[%get3A_1398, %get3A_1399] {strides = array<i32>} : memref<16x128xi32, #tpu.memory_space<vmem>>, vector<16xi32>,
      %shift_right_arithmetic3A_1401 = arith.constant 7 : i32
      %shift_right_arithmetic3A_1402 = vector.broadcast %shift_right_arithmetic3A_1401 : i32 to vector<16xi32>
      %shift_right_arithmetic3A_1403 = arith.shrsi %get3A_1400, %shift_right_arithmetic3A_1402 : vector<16xi32>
      %and3A_1404 = arith.constant 127 : i32
      %and3A_1405 = vector.broadcast %and3A_1404 : i32 to vector<16xi32>
      %and3A_1406 = arith.andi %get3A_1400, %and3A_1405 : vector<16xi32>
      tpu.vector_store_idx %arg15[%shift_right_arithmetic3A_1403, %and3A_1406], %broadcast_in_dim3A_49 {add = true} : memref<80x128xf32, #tpu.memory_space<vmem>>[vector<16xi32>, vector<16xi32>], vector<16xf32>,
      %get3A_1407 = arith.constant 10 : i32
      %get3A_1408 = arith.index_cast %get3A_1407 : i32 to index
      %get3A_1409 = arith.constant 64 : index
      %get3A_1410 = tpu.vector_load %arg14[%get3A_1408, %get3A_1409] {strides = array<i32>} : memref<16x128xi32, #tpu.memory_space<vmem>>, vector<16xi32>,
      %shift_right_arithmetic3A_1411 = arith.constant 7 : i32
      %shift_right_arithmetic3A_1412 = vector.broadcast %shift_right_arithmetic3A_1411 : i32 to vector<16xi32>
      %shift_right_arithmetic3A_1413 = arith.shrsi %get3A_1410, %shift_right_arithmetic3A_1412 : vector<16xi32>
      %and3A_1414 = arith.constant 127 : i32
      %and3A_1415 = vector.broadcast %and3A_1414 : i32 to vector<16xi32>
      %and3A_1416 = arith.andi %get3A_1410, %and3A_1415 : vector<16xi32>
      tpu.vector_store_idx %arg15[%shift_right_arithmetic3A_1413, %and3A_1416], %broadcast_in_dim3A_49 {add = true} : memref<80x128xf32, #tpu.memory_space<vmem>>[vector<16xi32>, vector<16xi32>], vector<16xf32>,
      %get3A_1417 = arith.constant 10 : i32
      %get3A_1418 = arith.index_cast %get3A_1417 : i32 to index
      %get3A_1419 = arith.constant 80 : index
      %get3A_1420 = tpu.vector_load %arg14[%get3A_1418, %get3A_1419] {strides = array<i32>} : memref<16x128xi32, #tpu.memory_space<vmem>>, vector<16xi32>,
      %shift_right_arithmetic3A_1421 = arith.constant 7 : i32
      %shift_right_arithmetic3A_1422 = vector.broadcast %shift_right_arithmetic3A_1421 : i32 to vector<16xi32>
      %shift_right_arithmetic3A_1423 = arith.shrsi %get3A_1420, %shift_right_arithmetic3A_1422 : vector<16xi32>
      %and3A_1424 = arith.constant 127 : i32
      %and3A_1425 = vector.broadcast %and3A_1424 : i32 to vector<16xi32>
      %and3A_1426 = arith.andi %get3A_1420, %and3A_1425 : vector<16xi32>
      tpu.vector_store_idx %arg15[%shift_right_arithmetic3A_1423, %and3A_1426], %broadcast_in_dim3A_49 {add = true} : memref<80x128xf32, #tpu.memory_space<vmem>>[vector<16xi32>, vector<16xi32>], vector<16xf32>,
      %get3A_1427 = arith.constant 10 : i32
      %get3A_1428 = arith.index_cast %get3A_1427 : i32 to index
      %get3A_1429 = arith.constant 96 : index
      %get3A_1430 = tpu.vector_load %arg14[%get3A_1428, %get3A_1429] {strides = array<i32>} : memref<16x128xi32, #tpu.memory_space<vmem>>, vector<16xi32>,
      %shift_right_arithmetic3A_1431 = arith.constant 7 : i32
      %shift_right_arithmetic3A_1432 = vector.broadcast %shift_right_arithmetic3A_1431 : i32 to vector<16xi32>
      %shift_right_arithmetic3A_1433 = arith.shrsi %get3A_1430, %shift_right_arithmetic3A_1432 : vector<16xi32>
      %and3A_1434 = arith.constant 127 : i32
      %and3A_1435 = vector.broadcast %and3A_1434 : i32 to vector<16xi32>
      %and3A_1436 = arith.andi %get3A_1430, %and3A_1435 : vector<16xi32>
      tpu.vector_store_idx %arg15[%shift_right_arithmetic3A_1433, %and3A_1436], %broadcast_in_dim3A_49 {add = true} : memref<80x128xf32, #tpu.memory_space<vmem>>[vector<16xi32>, vector<16xi32>], vector<16xf32>,
      %get3A_1437 = arith.constant 10 : i32
      %get3A_1438 = arith.index_cast %get3A_1437 : i32 to index
      %get3A_1439 = arith.constant 112 : index
      %get3A_1440 = tpu.vector_load %arg14[%get3A_1438, %get3A_1439] {strides = array<i32>} : memref<16x128xi32, #tpu.memory_space<vmem>>, vector<16xi32>,
      %shift_right_arithmetic3A_1441 = arith.constant 7 : i32
      %shift_right_arithmetic3A_1442 = vector.broadcast %shift_right_arithmetic3A_1441 : i32 to vector<16xi32>
      %shift_right_arithmetic3A_1443 = arith.shrsi %get3A_1440, %shift_right_arithmetic3A_1442 : vector<16xi32>
      %and3A_1444 = arith.constant 127 : i32
      %and3A_1445 = vector.broadcast %and3A_1444 : i32 to vector<16xi32>
      %and3A_1446 = arith.andi %get3A_1440, %and3A_1445 : vector<16xi32>
      tpu.vector_store_idx %arg15[%shift_right_arithmetic3A_1443, %and3A_1446], %broadcast_in_dim3A_49 {add = true} : memref<80x128xf32, #tpu.memory_space<vmem>>[vector<16xi32>, vector<16xi32>], vector<16xf32>,
      %dma_wait3A_1447 = arith.constant 1 : i32
      %dma_wait3A_1448 = arith.constant 9 : i32
      %dma_wait3A_1449 = arith.constant 0 : i32
      %dma_wait3A_1450 = arith.constant 0 : i32
      %dma_wait3A_1451 = tpu.memref_slice %arg12[%dma_wait3A_1447, %dma_wait3A_1449, %dma_wait3A_1450] : memref<4x128x128xbf16, #tpu.memory_space<vmem>> -> memref<1x128x128xbf16, #tpu.memory_space<vmem>>
      %dma_wait3A_1452 = tpu.memref_squeeze %dma_wait3A_1451 : memref<1x128x128xbf16, #tpu.memory_space<vmem>> -> memref<128x128xbf16, #tpu.memory_space<vmem>>
      %dma_wait3A_1453 = arith.constant 0 : i32
      %dma_wait3A_1454 = tpu.memref_slice %arg14[%dma_wait3A_1448, %dma_wait3A_1453] : memref<16x128xi32, #tpu.memory_space<vmem>> -> memref<1x128xi32, #tpu.memory_space<vmem>>
      %dma_wait3A_1455 = tpu.memref_squeeze %dma_wait3A_1454 : memref<1x128xi32, #tpu.memory_space<vmem>> -> memref<128xi32, #tpu.memory_space<vmem>>
      %dma_wait3A_1456 = arith.constant 0 : i32
      %dma_wait3A_1457 = arith.constant 0 : i32
      %dma_wait3A_1458 = tpu.memref_slice %arg10[%dma_wait3A_1456, %dma_wait3A_1457] : memref<10112x128xbf16, #tpu.memory_space<vmem_shared>> -> memref<10112x128xbf16, #tpu.memory_space<vmem_shared>>
      tpu.wait_indirect_dma semaphore(%arg22 : memref<!tpu.dma_semaphore, #tpu.memory_space<semaphore_mem>>) src(%dma_wait3A_1452 : memref<128x128xbf16, #tpu.memory_space<vmem>>) dst(%dma_wait3A_1458 : memref<10112x128xbf16, #tpu.memory_space<vmem_shared>>)
      %dma_start3A_1459 = arith.constant 1 : i32
      %dma_start3A_1460 = arith.constant 0 : i32
      %dma_start3A_1461 = arith.constant 0 : i32
      %dma_start3A_1462 = tpu.memref_slice %arg12[%dma_start3A_1459, %dma_start3A_1460, %dma_start3A_1461] : memref<4x128x128xbf16, #tpu.memory_space<vmem>> -> memref<1x128x128xbf16, #tpu.memory_space<vmem>>
      %dma_start3A_1463 = tpu.memref_squeeze %dma_start3A_1462 : memref<1x128x128xbf16, #tpu.memory_space<vmem>> -> memref<128x128xbf16, #tpu.memory_space<vmem>>
      %dma_start3A_1464 = arith.constant 1664 : i32
      %dma_start3A_1465 = tpu.memref_slice %arg13[%dma_start3A_1464] : memref<2048xi32, #tpu.memory_space<vmem>> -> memref<128xi32, #tpu.memory_space<vmem>>
      %dma_start3A_1466 = arith.constant 0 : i32
      %dma_start3A_1467 = arith.constant 0 : i32
      %dma_start3A_1468 = tpu.memref_slice %arg9[%dma_start3A_1466, %dma_start3A_1467] : memref<10000x128xbf16, #tpu.memory_space<vmem_shared>> -> memref<10000x128xbf16, #tpu.memory_space<vmem_shared>>
      tpu.enqueue_indirect_dma source(%dma_start3A_1468 : memref<10000x128xbf16, #tpu.memory_space<vmem_shared>>) target(%dma_start3A_1463 : memref<128x128xbf16, #tpu.memory_space<vmem>>) offsets(%dma_start3A_1465 : memref<128xi32, #tpu.memory_space<vmem>>) semaphore(%arg18 : memref<!tpu.dma_semaphore, #tpu.memory_space<semaphore_mem>>)
      %dma_wait3A_1469 = arith.constant 3 : i32
      %dma_wait3A_1470 = arith.constant 0 : i32
      %dma_wait3A_1471 = arith.constant 0 : i32
      %dma_wait3A_1472 = tpu.memref_slice %arg12[%dma_wait3A_1469, %dma_wait3A_1470, %dma_wait3A_1471] : memref<4x128x128xbf16, #tpu.memory_space<vmem>> -> memref<1x128x128xbf16, #tpu.memory_space<vmem>>
      %dma_wait3A_1473 = tpu.memref_squeeze %dma_wait3A_1472 : memref<1x128x128xbf16, #tpu.memory_space<vmem>> -> memref<128x128xbf16, #tpu.memory_space<vmem>>
      %dma_wait3A_1474 = arith.constant 1408 : i32
      %dma_wait3A_1475 = tpu.memref_slice %arg13[%dma_wait3A_1474] : memref<2048xi32, #tpu.memory_space<vmem>> -> memref<128xi32, #tpu.memory_space<vmem>>
      %dma_wait3A_1476 = arith.constant 0 : i32
      %dma_wait3A_1477 = arith.constant 0 : i32
      %dma_wait3A_1478 = tpu.memref_slice %arg9[%dma_wait3A_1476, %dma_wait3A_1477] : memref<10000x128xbf16, #tpu.memory_space<vmem_shared>> -> memref<10000x128xbf16, #tpu.memory_space<vmem_shared>>
      tpu.wait_indirect_dma semaphore(%arg20 : memref<!tpu.dma_semaphore, #tpu.memory_space<semaphore_mem>>) src(%dma_wait3A_1478 : memref<10000x128xbf16, #tpu.memory_space<vmem_shared>>) dst(%dma_wait3A_1473 : memref<128x128xbf16, #tpu.memory_space<vmem>>)
      %dma_start3A_1479 = arith.constant 3 : i32
      %dma_start3A_1480 = arith.constant 11 : i32
      %dma_start3A_1481 = arith.constant 0 : i32
      %dma_start3A_1482 = arith.constant 0 : i32
      %dma_start3A_1483 = tpu.memref_slice %arg12[%dma_start3A_1479, %dma_start3A_1481, %dma_start3A_1482] : memref<4x128x128xbf16, #tpu.memory_space<vmem>> -> memref<1x128x128xbf16, #tpu.memory_space<vmem>>
      %dma_start3A_1484 = tpu.memref_squeeze %dma_start3A_1483 : memref<1x128x128xbf16, #tpu.memory_space<vmem>> -> memref<128x128xbf16, #tpu.memory_space<vmem>>
      %dma_start3A_1485 = arith.constant 0 : i32
      %dma_start3A_1486 = tpu.memref_slice %arg14[%dma_start3A_1480, %dma_start3A_1485] : memref<16x128xi32, #tpu.memory_space<vmem>> -> memref<1x128xi32, #tpu.memory_space<vmem>>
      %dma_start3A_1487 = tpu.memref_squeeze %dma_start3A_1486 : memref<1x128xi32, #tpu.memory_space<vmem>> -> memref<128xi32, #tpu.memory_space<vmem>>
      %dma_start3A_1488 = arith.constant 0 : i32
      %dma_start3A_1489 = arith.constant 0 : i32
      %dma_start3A_1490 = tpu.memref_slice %arg10[%dma_start3A_1488, %dma_start3A_1489] : memref<10112x128xbf16, #tpu.memory_space<vmem_shared>> -> memref<10112x128xbf16, #tpu.memory_space<vmem_shared>>
      tpu.enqueue_indirect_dma source(%dma_start3A_1484 : memref<128x128xbf16, #tpu.memory_space<vmem>>) target(%dma_start3A_1490 : memref<10112x128xbf16, #tpu.memory_space<vmem_shared>>) offsets(%dma_start3A_1487 : memref<128xi32, #tpu.memory_space<vmem>>) semaphore(%arg24 : memref<!tpu.dma_semaphore, #tpu.memory_space<semaphore_mem>>) {add = true}
      %get3A_1491 = arith.constant 11 : i32
      %get3A_1492 = arith.index_cast %get3A_1491 : i32 to index
      %get3A_1493 = arith.constant 0 : index
      %get3A_1494 = tpu.vector_load %arg14[%get3A_1492, %get3A_1493] {strides = array<i32>} : memref<16x128xi32, #tpu.memory_space<vmem>>, vector<16xi32>,
      %shift_right_arithmetic3A_1495 = arith.constant 7 : i32
      %shift_right_arithmetic3A_1496 = vector.broadcast %shift_right_arithmetic3A_1495 : i32 to vector<16xi32>
      %shift_right_arithmetic3A_1497 = arith.shrsi %get3A_1494, %shift_right_arithmetic3A_1496 : vector<16xi32>
      %and3A_1498 = arith.constant 127 : i32
      %and3A_1499 = vector.broadcast %and3A_1498 : i32 to vector<16xi32>
      %and3A_1500 = arith.andi %get3A_1494, %and3A_1499 : vector<16xi32>
      tpu.vector_store_idx %arg15[%shift_right_arithmetic3A_1497, %and3A_1500], %broadcast_in_dim3A_49 {add = true} : memref<80x128xf32, #tpu.memory_space<vmem>>[vector<16xi32>, vector<16xi32>], vector<16xf32>,
      %get3A_1501 = arith.constant 11 : i32
      %get3A_1502 = arith.index_cast %get3A_1501 : i32 to index
      %get3A_1503 = arith.constant 16 : index
      %get3A_1504 = tpu.vector_load %arg14[%get3A_1502, %get3A_1503] {strides = array<i32>} : memref<16x128xi32, #tpu.memory_space<vmem>>, vector<16xi32>,
      %shift_right_arithmetic3A_1505 = arith.constant 7 : i32
      %shift_right_arithmetic3A_1506 = vector.broadcast %shift_right_arithmetic3A_1505 : i32 to vector<16xi32>
      %shift_right_arithmetic3A_1507 = arith.shrsi %get3A_1504, %shift_right_arithmetic3A_1506 : vector<16xi32>
      %and3A_1508 = arith.constant 127 : i32
      %and3A_1509 = vector.broadcast %and3A_1508 : i32 to vector<16xi32>
      %and3A_1510 = arith.andi %get3A_1504, %and3A_1509 : vector<16xi32>
      tpu.vector_store_idx %arg15[%shift_right_arithmetic3A_1507, %and3A_1510], %broadcast_in_dim3A_49 {add = true} : memref<80x128xf32, #tpu.memory_space<vmem>>[vector<16xi32>, vector<16xi32>], vector<16xf32>,
      %get3A_1511 = arith.constant 11 : i32
      %get3A_1512 = arith.index_cast %get3A_1511 : i32 to index
      %get3A_1513 = arith.constant 32 : index
      %get3A_1514 = tpu.vector_load %arg14[%get3A_1512, %get3A_1513] {strides = array<i32>} : memref<16x128xi32, #tpu.memory_space<vmem>>, vector<16xi32>,
      %shift_right_arithmetic3A_1515 = arith.constant 7 : i32
      %shift_right_arithmetic3A_1516 = vector.broadcast %shift_right_arithmetic3A_1515 : i32 to vector<16xi32>
      %shift_right_arithmetic3A_1517 = arith.shrsi %get3A_1514, %shift_right_arithmetic3A_1516 : vector<16xi32>
      %and3A_1518 = arith.constant 127 : i32
      %and3A_1519 = vector.broadcast %and3A_1518 : i32 to vector<16xi32>
      %and3A_1520 = arith.andi %get3A_1514, %and3A_1519 : vector<16xi32>
      tpu.vector_store_idx %arg15[%shift_right_arithmetic3A_1517, %and3A_1520], %broadcast_in_dim3A_49 {add = true} : memref<80x128xf32, #tpu.memory_space<vmem>>[vector<16xi32>, vector<16xi32>], vector<16xf32>,
      %get3A_1521 = arith.constant 11 : i32
      %get3A_1522 = arith.index_cast %get3A_1521 : i32 to index
      %get3A_1523 = arith.constant 48 : index
      %get3A_1524 = tpu.vector_load %arg14[%get3A_1522, %get3A_1523] {strides = array<i32>} : memref<16x128xi32, #tpu.memory_space<vmem>>, vector<16xi32>,
      %shift_right_arithmetic3A_1525 = arith.constant 7 : i32
      %shift_right_arithmetic3A_1526 = vector.broadcast %shift_right_arithmetic3A_1525 : i32 to vector<16xi32>
      %shift_right_arithmetic3A_1527 = arith.shrsi %get3A_1524, %shift_right_arithmetic3A_1526 : vector<16xi32>
      %and3A_1528 = arith.constant 127 : i32
      %and3A_1529 = vector.broadcast %and3A_1528 : i32 to vector<16xi32>
      %and3A_1530 = arith.andi %get3A_1524, %and3A_1529 : vector<16xi32>
      tpu.vector_store_idx %arg15[%shift_right_arithmetic3A_1527, %and3A_1530], %broadcast_in_dim3A_49 {add = true} : memref<80x128xf32, #tpu.memory_space<vmem>>[vector<16xi32>, vector<16xi32>], vector<16xf32>,
      %get3A_1531 = arith.constant 11 : i32
      %get3A_1532 = arith.index_cast %get3A_1531 : i32 to index
      %get3A_1533 = arith.constant 64 : index
      %get3A_1534 = tpu.vector_load %arg14[%get3A_1532, %get3A_1533] {strides = array<i32>} : memref<16x128xi32, #tpu.memory_space<vmem>>, vector<16xi32>,
      %shift_right_arithmetic3A_1535 = arith.constant 7 : i32
      %shift_right_arithmetic3A_1536 = vector.broadcast %shift_right_arithmetic3A_1535 : i32 to vector<16xi32>
      %shift_right_arithmetic3A_1537 = arith.shrsi %get3A_1534, %shift_right_arithmetic3A_1536 : vector<16xi32>
      %and3A_1538 = arith.constant 127 : i32
      %and3A_1539 = vector.broadcast %and3A_1538 : i32 to vector<16xi32>
      %and3A_1540 = arith.andi %get3A_1534, %and3A_1539 : vector<16xi32>
      tpu.vector_store_idx %arg15[%shift_right_arithmetic3A_1537, %and3A_1540], %broadcast_in_dim3A_49 {add = true} : memref<80x128xf32, #tpu.memory_space<vmem>>[vector<16xi32>, vector<16xi32>], vector<16xf32>,
      %get3A_1541 = arith.constant 11 : i32
      %get3A_1542 = arith.index_cast %get3A_1541 : i32 to index
      %get3A_1543 = arith.constant 80 : index
      %get3A_1544 = tpu.vector_load %arg14[%get3A_1542, %get3A_1543] {strides = array<i32>} : memref<16x128xi32, #tpu.memory_space<vmem>>, vector<16xi32>,
      %shift_right_arithmetic3A_1545 = arith.constant 7 : i32
      %shift_right_arithmetic3A_1546 = vector.broadcast %shift_right_arithmetic3A_1545 : i32 to vector<16xi32>
      %shift_right_arithmetic3A_1547 = arith.shrsi %get3A_1544, %shift_right_arithmetic3A_1546 : vector<16xi32>
      %and3A_1548 = arith.constant 127 : i32
      %and3A_1549 = vector.broadcast %and3A_1548 : i32 to vector<16xi32>
      %and3A_1550 = arith.andi %get3A_1544, %and3A_1549 : vector<16xi32>
      tpu.vector_store_idx %arg15[%shift_right_arithmetic3A_1547, %and3A_1550], %broadcast_in_dim3A_49 {add = true} : memref<80x128xf32, #tpu.memory_space<vmem>>[vector<16xi32>, vector<16xi32>], vector<16xf32>,
      %get3A_1551 = arith.constant 11 : i32
      %get3A_1552 = arith.index_cast %get3A_1551 : i32 to index
      %get3A_1553 = arith.constant 96 : index
      %get3A_1554 = tpu.vector_load %arg14[%get3A_1552, %get3A_1553] {strides = array<i32>} : memref<16x128xi32, #tpu.memory_space<vmem>>, vector<16xi32>,
      %shift_right_arithmetic3A_1555 = arith.constant 7 : i32
      %shift_right_arithmetic3A_1556 = vector.broadcast %shift_right_arithmetic3A_1555 : i32 to vector<16xi32>
      %shift_right_arithmetic3A_1557 = arith.shrsi %get3A_1554, %shift_right_arithmetic3A_1556 : vector<16xi32>
      %and3A_1558 = arith.constant 127 : i32
      %and3A_1559 = vector.broadcast %and3A_1558 : i32 to vector<16xi32>
      %and3A_1560 = arith.andi %get3A_1554, %and3A_1559 : vector<16xi32>
      tpu.vector_store_idx %arg15[%shift_right_arithmetic3A_1557, %and3A_1560], %broadcast_in_dim3A_49 {add = true} : memref<80x128xf32, #tpu.memory_space<vmem>>[vector<16xi32>, vector<16xi32>], vector<16xf32>,
      %get3A_1561 = arith.constant 11 : i32
      %get3A_1562 = arith.index_cast %get3A_1561 : i32 to index
      %get3A_1563 = arith.constant 112 : index
      %get3A_1564 = tpu.vector_load %arg14[%get3A_1562, %get3A_1563] {strides = array<i32>} : memref<16x128xi32, #tpu.memory_space<vmem>>, vector<16xi32>,
      %shift_right_arithmetic3A_1565 = arith.constant 7 : i32
      %shift_right_arithmetic3A_1566 = vector.broadcast %shift_right_arithmetic3A_1565 : i32 to vector<16xi32>
      %shift_right_arithmetic3A_1567 = arith.shrsi %get3A_1564, %shift_right_arithmetic3A_1566 : vector<16xi32>
      %and3A_1568 = arith.constant 127 : i32
      %and3A_1569 = vector.broadcast %and3A_1568 : i32 to vector<16xi32>
      %and3A_1570 = arith.andi %get3A_1564, %and3A_1569 : vector<16xi32>
      tpu.vector_store_idx %arg15[%shift_right_arithmetic3A_1567, %and3A_1570], %broadcast_in_dim3A_49 {add = true} : memref<80x128xf32, #tpu.memory_space<vmem>>[vector<16xi32>, vector<16xi32>], vector<16xf32>,
      %dma_wait3A_1571 = arith.constant 2 : i32
      %dma_wait3A_1572 = arith.constant 10 : i32
      %dma_wait3A_1573 = arith.constant 0 : i32
      %dma_wait3A_1574 = arith.constant 0 : i32
      %dma_wait3A_1575 = tpu.memref_slice %arg12[%dma_wait3A_1571, %dma_wait3A_1573, %dma_wait3A_1574] : memref<4x128x128xbf16, #tpu.memory_space<vmem>> -> memref<1x128x128xbf16, #tpu.memory_space<vmem>>
      %dma_wait3A_1576 = tpu.memref_squeeze %dma_wait3A_1575 : memref<1x128x128xbf16, #tpu.memory_space<vmem>> -> memref<128x128xbf16, #tpu.memory_space<vmem>>
      %dma_wait3A_1577 = arith.constant 0 : i32
      %dma_wait3A_1578 = tpu.memref_slice %arg14[%dma_wait3A_1572, %dma_wait3A_1577] : memref<16x128xi32, #tpu.memory_space<vmem>> -> memref<1x128xi32, #tpu.memory_space<vmem>>
      %dma_wait3A_1579 = tpu.memref_squeeze %dma_wait3A_1578 : memref<1x128xi32, #tpu.memory_space<vmem>> -> memref<128xi32, #tpu.memory_space<vmem>>
      %dma_wait3A_1580 = arith.constant 0 : i32
      %dma_wait3A_1581 = arith.constant 0 : i32
      %dma_wait3A_1582 = tpu.memref_slice %arg10[%dma_wait3A_1580, %dma_wait3A_1581] : memref<10112x128xbf16, #tpu.memory_space<vmem_shared>> -> memref<10112x128xbf16, #tpu.memory_space<vmem_shared>>
      tpu.wait_indirect_dma semaphore(%arg23 : memref<!tpu.dma_semaphore, #tpu.memory_space<semaphore_mem>>) src(%dma_wait3A_1576 : memref<128x128xbf16, #tpu.memory_space<vmem>>) dst(%dma_wait3A_1582 : memref<10112x128xbf16, #tpu.memory_space<vmem_shared>>)
      %dma_start3A_1583 = arith.constant 2 : i32
      %dma_start3A_1584 = arith.constant 0 : i32
      %dma_start3A_1585 = arith.constant 0 : i32
      %dma_start3A_1586 = tpu.memref_slice %arg12[%dma_start3A_1583, %dma_start3A_1584, %dma_start3A_1585] : memref<4x128x128xbf16, #tpu.memory_space<vmem>> -> memref<1x128x128xbf16, #tpu.memory_space<vmem>>
      %dma_start3A_1587 = tpu.memref_squeeze %dma_start3A_1586 : memref<1x128x128xbf16, #tpu.memory_space<vmem>> -> memref<128x128xbf16, #tpu.memory_space<vmem>>
      %dma_start3A_1588 = arith.constant 1792 : i32
      %dma_start3A_1589 = tpu.memref_slice %arg13[%dma_start3A_1588] : memref<2048xi32, #tpu.memory_space<vmem>> -> memref<128xi32, #tpu.memory_space<vmem>>
      %dma_start3A_1590 = arith.constant 0 : i32
      %dma_start3A_1591 = arith.constant 0 : i32
      %dma_start3A_1592 = tpu.memref_slice %arg9[%dma_start3A_1590, %dma_start3A_1591] : memref<10000x128xbf16, #tpu.memory_space<vmem_shared>> -> memref<10000x128xbf16, #tpu.memory_space<vmem_shared>>
      tpu.enqueue_indirect_dma source(%dma_start3A_1592 : memref<10000x128xbf16, #tpu.memory_space<vmem_shared>>) target(%dma_start3A_1587 : memref<128x128xbf16, #tpu.memory_space<vmem>>) offsets(%dma_start3A_1589 : memref<128xi32, #tpu.memory_space<vmem>>) semaphore(%arg19 : memref<!tpu.dma_semaphore, #tpu.memory_space<semaphore_mem>>)
      %dma_wait3A_1593 = arith.constant 0 : i32
      %dma_wait3A_1594 = arith.constant 0 : i32
      %dma_wait3A_1595 = arith.constant 0 : i32
      %dma_wait3A_1596 = tpu.memref_slice %arg12[%dma_wait3A_1593, %dma_wait3A_1594, %dma_wait3A_1595] : memref<4x128x128xbf16, #tpu.memory_space<vmem>> -> memref<1x128x128xbf16, #tpu.memory_space<vmem>>
      %dma_wait3A_1597 = tpu.memref_squeeze %dma_wait3A_1596 : memref<1x128x128xbf16, #tpu.memory_space<vmem>> -> memref<128x128xbf16, #tpu.memory_space<vmem>>
      %dma_wait3A_1598 = arith.constant 1536 : i32
      %dma_wait3A_1599 = tpu.memref_slice %arg13[%dma_wait3A_1598] : memref<2048xi32, #tpu.memory_space<vmem>> -> memref<128xi32, #tpu.memory_space<vmem>>
      %dma_wait3A_1600 = arith.constant 0 : i32
      %dma_wait3A_1601 = arith.constant 0 : i32
      %dma_wait3A_1602 = tpu.memref_slice %arg9[%dma_wait3A_1600, %dma_wait3A_1601] : memref<10000x128xbf16, #tpu.memory_space<vmem_shared>> -> memref<10000x128xbf16, #tpu.memory_space<vmem_shared>>
      tpu.wait_indirect_dma semaphore(%arg17 : memref<!tpu.dma_semaphore, #tpu.memory_space<semaphore_mem>>) src(%dma_wait3A_1602 : memref<10000x128xbf16, #tpu.memory_space<vmem_shared>>) dst(%dma_wait3A_1597 : memref<128x128xbf16, #tpu.memory_space<vmem>>)
      %dma_start3A_1603 = arith.constant 0 : i32
      %dma_start3A_1604 = arith.constant 12 : i32
      %dma_start3A_1605 = arith.constant 0 : i32
      %dma_start3A_1606 = arith.constant 0 : i32
      %dma_start3A_1607 = tpu.memref_slice %arg12[%dma_start3A_1603, %dma_start3A_1605, %dma_start3A_1606] : memref<4x128x128xbf16, #tpu.memory_space<vmem>> -> memref<1x128x128xbf16, #tpu.memory_space<vmem>>
      %dma_start3A_1608 = tpu.memref_squeeze %dma_start3A_1607 : memref<1x128x128xbf16, #tpu.memory_space<vmem>> -> memref<128x128xbf16, #tpu.memory_space<vmem>>
      %dma_start3A_1609 = arith.constant 0 : i32
      %dma_start3A_1610 = tpu.memref_slice %arg14[%dma_start3A_1604, %dma_start3A_1609] : memref<16x128xi32, #tpu.memory_space<vmem>> -> memref<1x128xi32, #tpu.memory_space<vmem>>
      %dma_start3A_1611 = tpu.memref_squeeze %dma_start3A_1610 : memref<1x128xi32, #tpu.memory_space<vmem>> -> memref<128xi32, #tpu.memory_space<vmem>>
      %dma_start3A_1612 = arith.constant 0 : i32
      %dma_start3A_1613 = arith.constant 0 : i32
      %dma_start3A_1614 = tpu.memref_slice %arg10[%dma_start3A_1612, %dma_start3A_1613] : memref<10112x128xbf16, #tpu.memory_space<vmem_shared>> -> memref<10112x128xbf16, #tpu.memory_space<vmem_shared>>
      tpu.enqueue_indirect_dma source(%dma_start3A_1608 : memref<128x128xbf16, #tpu.memory_space<vmem>>) target(%dma_start3A_1614 : memref<10112x128xbf16, #tpu.memory_space<vmem_shared>>) offsets(%dma_start3A_1611 : memref<128xi32, #tpu.memory_space<vmem>>) semaphore(%arg21 : memref<!tpu.dma_semaphore, #tpu.memory_space<semaphore_mem>>) {add = true}
      %get3A_1615 = arith.constant 12 : i32
      %get3A_1616 = arith.index_cast %get3A_1615 : i32 to index
      %get3A_1617 = arith.constant 0 : index
      %get3A_1618 = tpu.vector_load %arg14[%get3A_1616, %get3A_1617] {strides = array<i32>} : memref<16x128xi32, #tpu.memory_space<vmem>>, vector<16xi32>,
      %shift_right_arithmetic3A_1619 = arith.constant 7 : i32
      %shift_right_arithmetic3A_1620 = vector.broadcast %shift_right_arithmetic3A_1619 : i32 to vector<16xi32>
      %shift_right_arithmetic3A_1621 = arith.shrsi %get3A_1618, %shift_right_arithmetic3A_1620 : vector<16xi32>
      %and3A_1622 = arith.constant 127 : i32
      %and3A_1623 = vector.broadcast %and3A_1622 : i32 to vector<16xi32>
      %and3A_1624 = arith.andi %get3A_1618, %and3A_1623 : vector<16xi32>
      tpu.vector_store_idx %arg15[%shift_right_arithmetic3A_1621, %and3A_1624], %broadcast_in_dim3A_49 {add = true} : memref<80x128xf32, #tpu.memory_space<vmem>>[vector<16xi32>, vector<16xi32>], vector<16xf32>,
      %get3A_1625 = arith.constant 12 : i32
      %get3A_1626 = arith.index_cast %get3A_1625 : i32 to index
      %get3A_1627 = arith.constant 16 : index
      %get3A_1628 = tpu.vector_load %arg14[%get3A_1626, %get3A_1627] {strides = array<i32>} : memref<16x128xi32, #tpu.memory_space<vmem>>, vector<16xi32>,
      %shift_right_arithmetic3A_1629 = arith.constant 7 : i32
      %shift_right_arithmetic3A_1630 = vector.broadcast %shift_right_arithmetic3A_1629 : i32 to vector<16xi32>
      %shift_right_arithmetic3A_1631 = arith.shrsi %get3A_1628, %shift_right_arithmetic3A_1630 : vector<16xi32>
      %and3A_1632 = arith.constant 127 : i32
      %and3A_1633 = vector.broadcast %and3A_1632 : i32 to vector<16xi32>
      %and3A_1634 = arith.andi %get3A_1628, %and3A_1633 : vector<16xi32>
      tpu.vector_store_idx %arg15[%shift_right_arithmetic3A_1631, %and3A_1634], %broadcast_in_dim3A_49 {add = true} : memref<80x128xf32, #tpu.memory_space<vmem>>[vector<16xi32>, vector<16xi32>], vector<16xf32>,
      %get3A_1635 = arith.constant 12 : i32
      %get3A_1636 = arith.index_cast %get3A_1635 : i32 to index
      %get3A_1637 = arith.constant 32 : index
      %get3A_1638 = tpu.vector_load %arg14[%get3A_1636, %get3A_1637] {strides = array<i32>} : memref<16x128xi32, #tpu.memory_space<vmem>>, vector<16xi32>,
      %shift_right_arithmetic3A_1639 = arith.constant 7 : i32
      %shift_right_arithmetic3A_1640 = vector.broadcast %shift_right_arithmetic3A_1639 : i32 to vector<16xi32>
      %shift_right_arithmetic3A_1641 = arith.shrsi %get3A_1638, %shift_right_arithmetic3A_1640 : vector<16xi32>
      %and3A_1642 = arith.constant 127 : i32
      %and3A_1643 = vector.broadcast %and3A_1642 : i32 to vector<16xi32>
      %and3A_1644 = arith.andi %get3A_1638, %and3A_1643 : vector<16xi32>
      tpu.vector_store_idx %arg15[%shift_right_arithmetic3A_1641, %and3A_1644], %broadcast_in_dim3A_49 {add = true} : memref<80x128xf32, #tpu.memory_space<vmem>>[vector<16xi32>, vector<16xi32>], vector<16xf32>,
      %get3A_1645 = arith.constant 12 : i32
      %get3A_1646 = arith.index_cast %get3A_1645 : i32 to index
      %get3A_1647 = arith.constant 48 : index
      %get3A_1648 = tpu.vector_load %arg14[%get3A_1646, %get3A_1647] {strides = array<i32>} : memref<16x128xi32, #tpu.memory_space<vmem>>, vector<16xi32>,
      %shift_right_arithmetic3A_1649 = arith.constant 7 : i32
      %shift_right_arithmetic3A_1650 = vector.broadcast %shift_right_arithmetic3A_1649 : i32 to vector<16xi32>
      %shift_right_arithmetic3A_1651 = arith.shrsi %get3A_1648, %shift_right_arithmetic3A_1650 : vector<16xi32>
      %and3A_1652 = arith.constant 127 : i32
      %and3A_1653 = vector.broadcast %and3A_1652 : i32 to vector<16xi32>
      %and3A_1654 = arith.andi %get3A_1648, %and3A_1653 : vector<16xi32>
      tpu.vector_store_idx %arg15[%shift_right_arithmetic3A_1651, %and3A_1654], %broadcast_in_dim3A_49 {add = true} : memref<80x128xf32, #tpu.memory_space<vmem>>[vector<16xi32>, vector<16xi32>], vector<16xf32>,
      %get3A_1655 = arith.constant 12 : i32
      %get3A_1656 = arith.index_cast %get3A_1655 : i32 to index
      %get3A_1657 = arith.constant 64 : index
      %get3A_1658 = tpu.vector_load %arg14[%get3A_1656, %get3A_1657] {strides = array<i32>} : memref<16x128xi32, #tpu.memory_space<vmem>>, vector<16xi32>,
      %shift_right_arithmetic3A_1659 = arith.constant 7 : i32
      %shift_right_arithmetic3A_1660 = vector.broadcast %shift_right_arithmetic3A_1659 : i32 to vector<16xi32>
      %shift_right_arithmetic3A_1661 = arith.shrsi %get3A_1658, %shift_right_arithmetic3A_1660 : vector<16xi32>
      %and3A_1662 = arith.constant 127 : i32
      %and3A_1663 = vector.broadcast %and3A_1662 : i32 to vector<16xi32>
      %and3A_1664 = arith.andi %get3A_1658, %and3A_1663 : vector<16xi32>
      tpu.vector_store_idx %arg15[%shift_right_arithmetic3A_1661, %and3A_1664], %broadcast_in_dim3A_49 {add = true} : memref<80x128xf32, #tpu.memory_space<vmem>>[vector<16xi32>, vector<16xi32>], vector<16xf32>,
      %get3A_1665 = arith.constant 12 : i32
      %get3A_1666 = arith.index_cast %get3A_1665 : i32 to index
      %get3A_1667 = arith.constant 80 : index
      %get3A_1668 = tpu.vector_load %arg14[%get3A_1666, %get3A_1667] {strides = array<i32>} : memref<16x128xi32, #tpu.memory_space<vmem>>, vector<16xi32>,
      %shift_right_arithmetic3A_1669 = arith.constant 7 : i32
      %shift_right_arithmetic3A_1670 = vector.broadcast %shift_right_arithmetic3A_1669 : i32 to vector<16xi32>
      %shift_right_arithmetic3A_1671 = arith.shrsi %get3A_1668, %shift_right_arithmetic3A_1670 : vector<16xi32>
      %and3A_1672 = arith.constant 127 : i32
      %and3A_1673 = vector.broadcast %and3A_1672 : i32 to vector<16xi32>
      %and3A_1674 = arith.andi %get3A_1668, %and3A_1673 : vector<16xi32>
      tpu.vector_store_idx %arg15[%shift_right_arithmetic3A_1671, %and3A_1674], %broadcast_in_dim3A_49 {add = true} : memref<80x128xf32, #tpu.memory_space<vmem>>[vector<16xi32>, vector<16xi32>], vector<16xf32>,
      %get3A_1675 = arith.constant 12 : i32
      %get3A_1676 = arith.index_cast %get3A_1675 : i32 to index
      %get3A_1677 = arith.constant 96 : index
      %get3A_1678 = tpu.vector_load %arg14[%get3A_1676, %get3A_1677] {strides = array<i32>} : memref<16x128xi32, #tpu.memory_space<vmem>>, vector<16xi32>,
      %shift_right_arithmetic3A_1679 = arith.constant 7 : i32
      %shift_right_arithmetic3A_1680 = vector.broadcast %shift_right_arithmetic3A_1679 : i32 to vector<16xi32>
      %shift_right_arithmetic3A_1681 = arith.shrsi %get3A_1678, %shift_right_arithmetic3A_1680 : vector<16xi32>
      %and3A_1682 = arith.constant 127 : i32
      %and3A_1683 = vector.broadcast %and3A_1682 : i32 to vector<16xi32>
      %and3A_1684 = arith.andi %get3A_1678, %and3A_1683 : vector<16xi32>
      tpu.vector_store_idx %arg15[%shift_right_arithmetic3A_1681, %and3A_1684], %broadcast_in_dim3A_49 {add = true} : memref<80x128xf32, #tpu.memory_space<vmem>>[vector<16xi32>, vector<16xi32>], vector<16xf32>,
      %get3A_1685 = arith.constant 12 : i32
      %get3A_1686 = arith.index_cast %get3A_1685 : i32 to index
      %get3A_1687 = arith.constant 112 : index
      %get3A_1688 = tpu.vector_load %arg14[%get3A_1686, %get3A_1687] {strides = array<i32>} : memref<16x128xi32, #tpu.memory_space<vmem>>, vector<16xi32>,
      %shift_right_arithmetic3A_1689 = arith.constant 7 : i32
      %shift_right_arithmetic3A_1690 = vector.broadcast %shift_right_arithmetic3A_1689 : i32 to vector<16xi32>
      %shift_right_arithmetic3A_1691 = arith.shrsi %get3A_1688, %shift_right_arithmetic3A_1690 : vector<16xi32>
      %and3A_1692 = arith.constant 127 : i32
      %and3A_1693 = vector.broadcast %and3A_1692 : i32 to vector<16xi32>
      %and3A_1694 = arith.andi %get3A_1688, %and3A_1693 : vector<16xi32>
      tpu.vector_store_idx %arg15[%shift_right_arithmetic3A_1691, %and3A_1694], %broadcast_in_dim3A_49 {add = true} : memref<80x128xf32, #tpu.memory_space<vmem>>[vector<16xi32>, vector<16xi32>], vector<16xf32>,
      %dma_wait3A_1695 = arith.constant 3 : i32
      %dma_wait3A_1696 = arith.constant 11 : i32
      %dma_wait3A_1697 = arith.constant 0 : i32
      %dma_wait3A_1698 = arith.constant 0 : i32
      %dma_wait3A_1699 = tpu.memref_slice %arg12[%dma_wait3A_1695, %dma_wait3A_1697, %dma_wait3A_1698] : memref<4x128x128xbf16, #tpu.memory_space<vmem>> -> memref<1x128x128xbf16, #tpu.memory_space<vmem>>
      %dma_wait3A_1700 = tpu.memref_squeeze %dma_wait3A_1699 : memref<1x128x128xbf16, #tpu.memory_space<vmem>> -> memref<128x128xbf16, #tpu.memory_space<vmem>>
      %dma_wait3A_1701 = arith.constant 0 : i32
      %dma_wait3A_1702 = tpu.memref_slice %arg14[%dma_wait3A_1696, %dma_wait3A_1701] : memref<16x128xi32, #tpu.memory_space<vmem>> -> memref<1x128xi32, #tpu.memory_space<vmem>>
      %dma_wait3A_1703 = tpu.memref_squeeze %dma_wait3A_1702 : memref<1x128xi32, #tpu.memory_space<vmem>> -> memref<128xi32, #tpu.memory_space<vmem>>
      %dma_wait3A_1704 = arith.constant 0 : i32
      %dma_wait3A_1705 = arith.constant 0 : i32
      %dma_wait3A_1706 = tpu.memref_slice %arg10[%dma_wait3A_1704, %dma_wait3A_1705] : memref<10112x128xbf16, #tpu.memory_space<vmem_shared>> -> memref<10112x128xbf16, #tpu.memory_space<vmem_shared>>
      tpu.wait_indirect_dma semaphore(%arg24 : memref<!tpu.dma_semaphore, #tpu.memory_space<semaphore_mem>>) src(%dma_wait3A_1700 : memref<128x128xbf16, #tpu.memory_space<vmem>>) dst(%dma_wait3A_1706 : memref<10112x128xbf16, #tpu.memory_space<vmem_shared>>)
      %dma_start3A_1707 = arith.constant 3 : i32
      %dma_start3A_1708 = arith.constant 0 : i32
      %dma_start3A_1709 = arith.constant 0 : i32
      %dma_start3A_1710 = tpu.memref_slice %arg12[%dma_start3A_1707, %dma_start3A_1708, %dma_start3A_1709] : memref<4x128x128xbf16, #tpu.memory_space<vmem>> -> memref<1x128x128xbf16, #tpu.memory_space<vmem>>
      %dma_start3A_1711 = tpu.memref_squeeze %dma_start3A_1710 : memref<1x128x128xbf16, #tpu.memory_space<vmem>> -> memref<128x128xbf16, #tpu.memory_space<vmem>>
      %dma_start3A_1712 = arith.constant 1920 : i32
      %dma_start3A_1713 = tpu.memref_slice %arg13[%dma_start3A_1712] : memref<2048xi32, #tpu.memory_space<vmem>> -> memref<128xi32, #tpu.memory_space<vmem>>
      %dma_start3A_1714 = arith.constant 0 : i32
      %dma_start3A_1715 = arith.constant 0 : i32
      %dma_start3A_1716 = tpu.memref_slice %arg9[%dma_start3A_1714, %dma_start3A_1715] : memref<10000x128xbf16, #tpu.memory_space<vmem_shared>> -> memref<10000x128xbf16, #tpu.memory_space<vmem_shared>>
      tpu.enqueue_indirect_dma source(%dma_start3A_1716 : memref<10000x128xbf16, #tpu.memory_space<vmem_shared>>) target(%dma_start3A_1711 : memref<128x128xbf16, #tpu.memory_space<vmem>>) offsets(%dma_start3A_1713 : memref<128xi32, #tpu.memory_space<vmem>>) semaphore(%arg20 : memref<!tpu.dma_semaphore, #tpu.memory_space<semaphore_mem>>)
      %dma_wait3A_1717 = arith.constant 1 : i32
      %dma_wait3A_1718 = arith.constant 0 : i32
      %dma_wait3A_1719 = arith.constant 0 : i32
      %dma_wait3A_1720 = tpu.memref_slice %arg12[%dma_wait3A_1717, %dma_wait3A_1718, %dma_wait3A_1719] : memref<4x128x128xbf16, #tpu.memory_space<vmem>> -> memref<1x128x128xbf16, #tpu.memory_space<vmem>>
      %dma_wait3A_1721 = tpu.memref_squeeze %dma_wait3A_1720 : memref<1x128x128xbf16, #tpu.memory_space<vmem>> -> memref<128x128xbf16, #tpu.memory_space<vmem>>
      %dma_wait3A_1722 = arith.constant 1664 : i32
      %dma_wait3A_1723 = tpu.memref_slice %arg13[%dma_wait3A_1722] : memref<2048xi32, #tpu.memory_space<vmem>> -> memref<128xi32, #tpu.memory_space<vmem>>
      %dma_wait3A_1724 = arith.constant 0 : i32
      %dma_wait3A_1725 = arith.constant 0 : i32
      %dma_wait3A_1726 = tpu.memref_slice %arg9[%dma_wait3A_1724, %dma_wait3A_1725] : memref<10000x128xbf16, #tpu.memory_space<vmem_shared>> -> memref<10000x128xbf16, #tpu.memory_space<vmem_shared>>
      tpu.wait_indirect_dma semaphore(%arg18 : memref<!tpu.dma_semaphore, #tpu.memory_space<semaphore_mem>>) src(%dma_wait3A_1726 : memref<10000x128xbf16, #tpu.memory_space<vmem_shared>>) dst(%dma_wait3A_1721 : memref<128x128xbf16, #tpu.memory_space<vmem>>)
      %dma_start3A_1727 = arith.constant 1 : i32
      %dma_start3A_1728 = arith.constant 13 : i32
      %dma_start3A_1729 = arith.constant 0 : i32
      %dma_start3A_1730 = arith.constant 0 : i32
      %dma_start3A_1731 = tpu.memref_slice %arg12[%dma_start3A_1727, %dma_start3A_1729, %dma_start3A_1730] : memref<4x128x128xbf16, #tpu.memory_space<vmem>> -> memref<1x128x128xbf16, #tpu.memory_space<vmem>>
      %dma_start3A_1732 = tpu.memref_squeeze %dma_start3A_1731 : memref<1x128x128xbf16, #tpu.memory_space<vmem>> -> memref<128x128xbf16, #tpu.memory_space<vmem>>
      %dma_start3A_1733 = arith.constant 0 : i32
      %dma_start3A_1734 = tpu.memref_slice %arg14[%dma_start3A_1728, %dma_start3A_1733] : memref<16x128xi32, #tpu.memory_space<vmem>> -> memref<1x128xi32, #tpu.memory_space<vmem>>
      %dma_start3A_1735 = tpu.memref_squeeze %dma_start3A_1734 : memref<1x128xi32, #tpu.memory_space<vmem>> -> memref<128xi32, #tpu.memory_space<vmem>>
      %dma_start3A_1736 = arith.constant 0 : i32
      %dma_start3A_1737 = arith.constant 0 : i32
      %dma_start3A_1738 = tpu.memref_slice %arg10[%dma_start3A_1736, %dma_start3A_1737] : memref<10112x128xbf16, #tpu.memory_space<vmem_shared>> -> memref<10112x128xbf16, #tpu.memory_space<vmem_shared>>
      tpu.enqueue_indirect_dma source(%dma_start3A_1732 : memref<128x128xbf16, #tpu.memory_space<vmem>>) target(%dma_start3A_1738 : memref<10112x128xbf16, #tpu.memory_space<vmem_shared>>) offsets(%dma_start3A_1735 : memref<128xi32, #tpu.memory_space<vmem>>) semaphore(%arg22 : memref<!tpu.dma_semaphore, #tpu.memory_space<semaphore_mem>>) {add = true}
      %get3A_1739 = arith.constant 13 : i32
      %get3A_1740 = arith.index_cast %get3A_1739 : i32 to index
      %get3A_1741 = arith.constant 0 : index
      %get3A_1742 = tpu.vector_load %arg14[%get3A_1740, %get3A_1741] {strides = array<i32>} : memref<16x128xi32, #tpu.memory_space<vmem>>, vector<16xi32>,
      %shift_right_arithmetic3A_1743 = arith.constant 7 : i32
      %shift_right_arithmetic3A_1744 = vector.broadcast %shift_right_arithmetic3A_1743 : i32 to vector<16xi32>
      %shift_right_arithmetic3A_1745 = arith.shrsi %get3A_1742, %shift_right_arithmetic3A_1744 : vector<16xi32>
      %and3A_1746 = arith.constant 127 : i32
      %and3A_1747 = vector.broadcast %and3A_1746 : i32 to vector<16xi32>
      %and3A_1748 = arith.andi %get3A_1742, %and3A_1747 : vector<16xi32>
      tpu.vector_store_idx %arg15[%shift_right_arithmetic3A_1745, %and3A_1748], %broadcast_in_dim3A_49 {add = true} : memref<80x128xf32, #tpu.memory_space<vmem>>[vector<16xi32>, vector<16xi32>], vector<16xf32>,
      %get3A_1749 = arith.constant 13 : i32
      %get3A_1750 = arith.index_cast %get3A_1749 : i32 to index
      %get3A_1751 = arith.constant 16 : index
      %get3A_1752 = tpu.vector_load %arg14[%get3A_1750, %get3A_1751] {strides = array<i32>} : memref<16x128xi32, #tpu.memory_space<vmem>>, vector<16xi32>,
      %shift_right_arithmetic3A_1753 = arith.constant 7 : i32
      %shift_right_arithmetic3A_1754 = vector.broadcast %shift_right_arithmetic3A_1753 : i32 to vector<16xi32>
      %shift_right_arithmetic3A_1755 = arith.shrsi %get3A_1752, %shift_right_arithmetic3A_1754 : vector<16xi32>
      %and3A_1756 = arith.constant 127 : i32
      %and3A_1757 = vector.broadcast %and3A_1756 : i32 to vector<16xi32>
      %and3A_1758 = arith.andi %get3A_1752, %and3A_1757 : vector<16xi32>
      tpu.vector_store_idx %arg15[%shift_right_arithmetic3A_1755, %and3A_1758], %broadcast_in_dim3A_49 {add = true} : memref<80x128xf32, #tpu.memory_space<vmem>>[vector<16xi32>, vector<16xi32>], vector<16xf32>,
      %get3A_1759 = arith.constant 13 : i32
      %get3A_1760 = arith.index_cast %get3A_1759 : i32 to index
      %get3A_1761 = arith.constant 32 : index
      %get3A_1762 = tpu.vector_load %arg14[%get3A_1760, %get3A_1761] {strides = array<i32>} : memref<16x128xi32, #tpu.memory_space<vmem>>, vector<16xi32>,
      %shift_right_arithmetic3A_1763 = arith.constant 7 : i32
      %shift_right_arithmetic3A_1764 = vector.broadcast %shift_right_arithmetic3A_1763 : i32 to vector<16xi32>
      %shift_right_arithmetic3A_1765 = arith.shrsi %get3A_1762, %shift_right_arithmetic3A_1764 : vector<16xi32>
      %and3A_1766 = arith.constant 127 : i32
      %and3A_1767 = vector.broadcast %and3A_1766 : i32 to vector<16xi32>
      %and3A_1768 = arith.andi %get3A_1762, %and3A_1767 : vector<16xi32>
      tpu.vector_store_idx %arg15[%shift_right_arithmetic3A_1765, %and3A_1768], %broadcast_in_dim3A_49 {add = true} : memref<80x128xf32, #tpu.memory_space<vmem>>[vector<16xi32>, vector<16xi32>], vector<16xf32>,
      %get3A_1769 = arith.constant 13 : i32
      %get3A_1770 = arith.index_cast %get3A_1769 : i32 to index
      %get3A_1771 = arith.constant 48 : index
      %get3A_1772 = tpu.vector_load %arg14[%get3A_1770, %get3A_1771] {strides = array<i32>} : memref<16x128xi32, #tpu.memory_space<vmem>>, vector<16xi32>,
      %shift_right_arithmetic3A_1773 = arith.constant 7 : i32
      %shift_right_arithmetic3A_1774 = vector.broadcast %shift_right_arithmetic3A_1773 : i32 to vector<16xi32>
      %shift_right_arithmetic3A_1775 = arith.shrsi %get3A_1772, %shift_right_arithmetic3A_1774 : vector<16xi32>
      %and3A_1776 = arith.constant 127 : i32
      %and3A_1777 = vector.broadcast %and3A_1776 : i32 to vector<16xi32>
      %and3A_1778 = arith.andi %get3A_1772, %and3A_1777 : vector<16xi32>
      tpu.vector_store_idx %arg15[%shift_right_arithmetic3A_1775, %and3A_1778], %broadcast_in_dim3A_49 {add = true} : memref<80x128xf32, #tpu.memory_space<vmem>>[vector<16xi32>, vector<16xi32>], vector<16xf32>,
      %get3A_1779 = arith.constant 13 : i32
      %get3A_1780 = arith.index_cast %get3A_1779 : i32 to index
      %get3A_1781 = arith.constant 64 : index
      %get3A_1782 = tpu.vector_load %arg14[%get3A_1780, %get3A_1781] {strides = array<i32>} : memref<16x128xi32, #tpu.memory_space<vmem>>, vector<16xi32>,
      %shift_right_arithmetic3A_1783 = arith.constant 7 : i32
      %shift_right_arithmetic3A_1784 = vector.broadcast %shift_right_arithmetic3A_1783 : i32 to vector<16xi32>
      %shift_right_arithmetic3A_1785 = arith.shrsi %get3A_1782, %shift_right_arithmetic3A_1784 : vector<16xi32>
      %and3A_1786 = arith.constant 127 : i32
      %and3A_1787 = vector.broadcast %and3A_1786 : i32 to vector<16xi32>
      %and3A_1788 = arith.andi %get3A_1782, %and3A_1787 : vector<16xi32>
      tpu.vector_store_idx %arg15[%shift_right_arithmetic3A_1785, %and3A_1788], %broadcast_in_dim3A_49 {add = true} : memref<80x128xf32, #tpu.memory_space<vmem>>[vector<16xi32>, vector<16xi32>], vector<16xf32>,
      %get3A_1789 = arith.constant 13 : i32
      %get3A_1790 = arith.index_cast %get3A_1789 : i32 to index
      %get3A_1791 = arith.constant 80 : index
      %get3A_1792 = tpu.vector_load %arg14[%get3A_1790, %get3A_1791] {strides = array<i32>} : memref<16x128xi32, #tpu.memory_space<vmem>>, vector<16xi32>,
      %shift_right_arithmetic3A_1793 = arith.constant 7 : i32
      %shift_right_arithmetic3A_1794 = vector.broadcast %shift_right_arithmetic3A_1793 : i32 to vector<16xi32>
      %shift_right_arithmetic3A_1795 = arith.shrsi %get3A_1792, %shift_right_arithmetic3A_1794 : vector<16xi32>
      %and3A_1796 = arith.constant 127 : i32
      %and3A_1797 = vector.broadcast %and3A_1796 : i32 to vector<16xi32>
      %and3A_1798 = arith.andi %get3A_1792, %and3A_1797 : vector<16xi32>
      tpu.vector_store_idx %arg15[%shift_right_arithmetic3A_1795, %and3A_1798], %broadcast_in_dim3A_49 {add = true} : memref<80x128xf32, #tpu.memory_space<vmem>>[vector<16xi32>, vector<16xi32>], vector<16xf32>,
      %get3A_1799 = arith.constant 13 : i32
      %get3A_1800 = arith.index_cast %get3A_1799 : i32 to index
      %get3A_1801 = arith.constant 96 : index
      %get3A_1802 = tpu.vector_load %arg14[%get3A_1800, %get3A_1801] {strides = array<i32>} : memref<16x128xi32, #tpu.memory_space<vmem>>, vector<16xi32>,
      %shift_right_arithmetic3A_1803 = arith.constant 7 : i32
      %shift_right_arithmetic3A_1804 = vector.broadcast %shift_right_arithmetic3A_1803 : i32 to vector<16xi32>
      %shift_right_arithmetic3A_1805 = arith.shrsi %get3A_1802, %shift_right_arithmetic3A_1804 : vector<16xi32>
      %and3A_1806 = arith.constant 127 : i32
      %and3A_1807 = vector.broadcast %and3A_1806 : i32 to vector<16xi32>
      %and3A_1808 = arith.andi %get3A_1802, %and3A_1807 : vector<16xi32>
      tpu.vector_store_idx %arg15[%shift_right_arithmetic3A_1805, %and3A_1808], %broadcast_in_dim3A_49 {add = true} : memref<80x128xf32, #tpu.memory_space<vmem>>[vector<16xi32>, vector<16xi32>], vector<16xf32>,
      %get3A_1809 = arith.constant 13 : i32
      %get3A_1810 = arith.index_cast %get3A_1809 : i32 to index
      %get3A_1811 = arith.constant 112 : index
      %get3A_1812 = tpu.vector_load %arg14[%get3A_1810, %get3A_1811] {strides = array<i32>} : memref<16x128xi32, #tpu.memory_space<vmem>>, vector<16xi32>,
      %shift_right_arithmetic3A_1813 = arith.constant 7 : i32
      %shift_right_arithmetic3A_1814 = vector.broadcast %shift_right_arithmetic3A_1813 : i32 to vector<16xi32>
      %shift_right_arithmetic3A_1815 = arith.shrsi %get3A_1812, %shift_right_arithmetic3A_1814 : vector<16xi32>
      %and3A_1816 = arith.constant 127 : i32
      %and3A_1817 = vector.broadcast %and3A_1816 : i32 to vector<16xi32>
      %and3A_1818 = arith.andi %get3A_1812, %and3A_1817 : vector<16xi32>
      tpu.vector_store_idx %arg15[%shift_right_arithmetic3A_1815, %and3A_1818], %broadcast_in_dim3A_49 {add = true} : memref<80x128xf32, #tpu.memory_space<vmem>>[vector<16xi32>, vector<16xi32>], vector<16xf32>,
      %dma_wait3A_1819 = arith.constant 2 : i32
      %dma_wait3A_1820 = arith.constant 0 : i32
      %dma_wait3A_1821 = arith.constant 0 : i32
      %dma_wait3A_1822 = tpu.memref_slice %arg12[%dma_wait3A_1819, %dma_wait3A_1820, %dma_wait3A_1821] : memref<4x128x128xbf16, #tpu.memory_space<vmem>> -> memref<1x128x128xbf16, #tpu.memory_space<vmem>>
      %dma_wait3A_1823 = tpu.memref_squeeze %dma_wait3A_1822 : memref<1x128x128xbf16, #tpu.memory_space<vmem>> -> memref<128x128xbf16, #tpu.memory_space<vmem>>
      %dma_wait3A_1824 = arith.constant 1792 : i32
      %dma_wait3A_1825 = tpu.memref_slice %arg13[%dma_wait3A_1824] : memref<2048xi32, #tpu.memory_space<vmem>> -> memref<128xi32, #tpu.memory_space<vmem>>
      %dma_wait3A_1826 = arith.constant 0 : i32
      %dma_wait3A_1827 = arith.constant 0 : i32
      %dma_wait3A_1828 = tpu.memref_slice %arg9[%dma_wait3A_1826, %dma_wait3A_1827] : memref<10000x128xbf16, #tpu.memory_space<vmem_shared>> -> memref<10000x128xbf16, #tpu.memory_space<vmem_shared>>
      tpu.wait_indirect_dma semaphore(%arg19 : memref<!tpu.dma_semaphore, #tpu.memory_space<semaphore_mem>>) src(%dma_wait3A_1828 : memref<10000x128xbf16, #tpu.memory_space<vmem_shared>>) dst(%dma_wait3A_1823 : memref<128x128xbf16, #tpu.memory_space<vmem>>)
      %dma_start3A_1829 = arith.constant 2 : i32
      %dma_start3A_1830 = arith.constant 14 : i32
      %dma_start3A_1831 = arith.constant 0 : i32
      %dma_start3A_1832 = arith.constant 0 : i32
      %dma_start3A_1833 = tpu.memref_slice %arg12[%dma_start3A_1829, %dma_start3A_1831, %dma_start3A_1832] : memref<4x128x128xbf16, #tpu.memory_space<vmem>> -> memref<1x128x128xbf16, #tpu.memory_space<vmem>>
      %dma_start3A_1834 = tpu.memref_squeeze %dma_start3A_1833 : memref<1x128x128xbf16, #tpu.memory_space<vmem>> -> memref<128x128xbf16, #tpu.memory_space<vmem>>
      %dma_start3A_1835 = arith.constant 0 : i32
      %dma_start3A_1836 = tpu.memref_slice %arg14[%dma_start3A_1830, %dma_start3A_1835] : memref<16x128xi32, #tpu.memory_space<vmem>> -> memref<1x128xi32, #tpu.memory_space<vmem>>
      %dma_start3A_1837 = tpu.memref_squeeze %dma_start3A_1836 : memref<1x128xi32, #tpu.memory_space<vmem>> -> memref<128xi32, #tpu.memory_space<vmem>>
      %dma_start3A_1838 = arith.constant 0 : i32
      %dma_start3A_1839 = arith.constant 0 : i32
      %dma_start3A_1840 = tpu.memref_slice %arg10[%dma_start3A_1838, %dma_start3A_1839] : memref<10112x128xbf16, #tpu.memory_space<vmem_shared>> -> memref<10112x128xbf16, #tpu.memory_space<vmem_shared>>
      tpu.enqueue_indirect_dma source(%dma_start3A_1834 : memref<128x128xbf16, #tpu.memory_space<vmem>>) target(%dma_start3A_1840 : memref<10112x128xbf16, #tpu.memory_space<vmem_shared>>) offsets(%dma_start3A_1837 : memref<128xi32, #tpu.memory_space<vmem>>) semaphore(%arg23 : memref<!tpu.dma_semaphore, #tpu.memory_space<semaphore_mem>>) {add = true}
      %get3A_1841 = arith.constant 14 : i32
      %get3A_1842 = arith.index_cast %get3A_1841 : i32 to index
      %get3A_1843 = arith.constant 0 : index
      %get3A_1844 = tpu.vector_load %arg14[%get3A_1842, %get3A_1843] {strides = array<i32>} : memref<16x128xi32, #tpu.memory_space<vmem>>, vector<16xi32>,
      %shift_right_arithmetic3A_1845 = arith.constant 7 : i32
      %shift_right_arithmetic3A_1846 = vector.broadcast %shift_right_arithmetic3A_1845 : i32 to vector<16xi32>
      %shift_right_arithmetic3A_1847 = arith.shrsi %get3A_1844, %shift_right_arithmetic3A_1846 : vector<16xi32>
      %and3A_1848 = arith.constant 127 : i32
      %and3A_1849 = vector.broadcast %and3A_1848 : i32 to vector<16xi32>
      %and3A_1850 = arith.andi %get3A_1844, %and3A_1849 : vector<16xi32>
      tpu.vector_store_idx %arg15[%shift_right_arithmetic3A_1847, %and3A_1850], %broadcast_in_dim3A_49 {add = true} : memref<80x128xf32, #tpu.memory_space<vmem>>[vector<16xi32>, vector<16xi32>], vector<16xf32>,
      %get3A_1851 = arith.constant 14 : i32
      %get3A_1852 = arith.index_cast %get3A_1851 : i32 to index
      %get3A_1853 = arith.constant 16 : index
      %get3A_1854 = tpu.vector_load %arg14[%get3A_1852, %get3A_1853] {strides = array<i32>} : memref<16x128xi32, #tpu.memory_space<vmem>>, vector<16xi32>,
      %shift_right_arithmetic3A_1855 = arith.constant 7 : i32
      %shift_right_arithmetic3A_1856 = vector.broadcast %shift_right_arithmetic3A_1855 : i32 to vector<16xi32>
      %shift_right_arithmetic3A_1857 = arith.shrsi %get3A_1854, %shift_right_arithmetic3A_1856 : vector<16xi32>
      %and3A_1858 = arith.constant 127 : i32
      %and3A_1859 = vector.broadcast %and3A_1858 : i32 to vector<16xi32>
      %and3A_1860 = arith.andi %get3A_1854, %and3A_1859 : vector<16xi32>
      tpu.vector_store_idx %arg15[%shift_right_arithmetic3A_1857, %and3A_1860], %broadcast_in_dim3A_49 {add = true} : memref<80x128xf32, #tpu.memory_space<vmem>>[vector<16xi32>, vector<16xi32>], vector<16xf32>,
      %get3A_1861 = arith.constant 14 : i32
      %get3A_1862 = arith.index_cast %get3A_1861 : i32 to index
      %get3A_1863 = arith.constant 32 : index
      %get3A_1864 = tpu.vector_load %arg14[%get3A_1862, %get3A_1863] {strides = array<i32>} : memref<16x128xi32, #tpu.memory_space<vmem>>, vector<16xi32>,
      %shift_right_arithmetic3A_1865 = arith.constant 7 : i32
      %shift_right_arithmetic3A_1866 = vector.broadcast %shift_right_arithmetic3A_1865 : i32 to vector<16xi32>
      %shift_right_arithmetic3A_1867 = arith.shrsi %get3A_1864, %shift_right_arithmetic3A_1866 : vector<16xi32>
      %and3A_1868 = arith.constant 127 : i32
      %and3A_1869 = vector.broadcast %and3A_1868 : i32 to vector<16xi32>
      %and3A_1870 = arith.andi %get3A_1864, %and3A_1869 : vector<16xi32>
      tpu.vector_store_idx %arg15[%shift_right_arithmetic3A_1867, %and3A_1870], %broadcast_in_dim3A_49 {add = true} : memref<80x128xf32, #tpu.memory_space<vmem>>[vector<16xi32>, vector<16xi32>], vector<16xf32>,
      %get3A_1871 = arith.constant 14 : i32
      %get3A_1872 = arith.index_cast %get3A_1871 : i32 to index
      %get3A_1873 = arith.constant 48 : index
      %get3A_1874 = tpu.vector_load %arg14[%get3A_1872, %get3A_1873] {strides = array<i32>} : memref<16x128xi32, #tpu.memory_space<vmem>>, vector<16xi32>,
      %shift_right_arithmetic3A_1875 = arith.constant 7 : i32
      %shift_right_arithmetic3A_1876 = vector.broadcast %shift_right_arithmetic3A_1875 : i32 to vector<16xi32>
      %shift_right_arithmetic3A_1877 = arith.shrsi %get3A_1874, %shift_right_arithmetic3A_1876 : vector<16xi32>
      %and3A_1878 = arith.constant 127 : i32
      %and3A_1879 = vector.broadcast %and3A_1878 : i32 to vector<16xi32>
      %and3A_1880 = arith.andi %get3A_1874, %and3A_1879 : vector<16xi32>
      tpu.vector_store_idx %arg15[%shift_right_arithmetic3A_1877, %and3A_1880], %broadcast_in_dim3A_49 {add = true} : memref<80x128xf32, #tpu.memory_space<vmem>>[vector<16xi32>, vector<16xi32>], vector<16xf32>,
      %get3A_1881 = arith.constant 14 : i32
      %get3A_1882 = arith.index_cast %get3A_1881 : i32 to index
      %get3A_1883 = arith.constant 64 : index
      %get3A_1884 = tpu.vector_load %arg14[%get3A_1882, %get3A_1883] {strides = array<i32>} : memref<16x128xi32, #tpu.memory_space<vmem>>, vector<16xi32>,
      %shift_right_arithmetic3A_1885 = arith.constant 7 : i32
      %shift_right_arithmetic3A_1886 = vector.broadcast %shift_right_arithmetic3A_1885 : i32 to vector<16xi32>
      %shift_right_arithmetic3A_1887 = arith.shrsi %get3A_1884, %shift_right_arithmetic3A_1886 : vector<16xi32>
      %and3A_1888 = arith.constant 127 : i32
      %and3A_1889 = vector.broadcast %and3A_1888 : i32 to vector<16xi32>
      %and3A_1890 = arith.andi %get3A_1884, %and3A_1889 : vector<16xi32>
      tpu.vector_store_idx %arg15[%shift_right_arithmetic3A_1887, %and3A_1890], %broadcast_in_dim3A_49 {add = true} : memref<80x128xf32, #tpu.memory_space<vmem>>[vector<16xi32>, vector<16xi32>], vector<16xf32>,
      %get3A_1891 = arith.constant 14 : i32
      %get3A_1892 = arith.index_cast %get3A_1891 : i32 to index
      %get3A_1893 = arith.constant 80 : index
      %get3A_1894 = tpu.vector_load %arg14[%get3A_1892, %get3A_1893] {strides = array<i32>} : memref<16x128xi32, #tpu.memory_space<vmem>>, vector<16xi32>,
      %shift_right_arithmetic3A_1895 = arith.constant 7 : i32
      %shift_right_arithmetic3A_1896 = vector.broadcast %shift_right_arithmetic3A_1895 : i32 to vector<16xi32>
      %shift_right_arithmetic3A_1897 = arith.shrsi %get3A_1894, %shift_right_arithmetic3A_1896 : vector<16xi32>
      %and3A_1898 = arith.constant 127 : i32
      %and3A_1899 = vector.broadcast %and3A_1898 : i32 to vector<16xi32>
      %and3A_1900 = arith.andi %get3A_1894, %and3A_1899 : vector<16xi32>
      tpu.vector_store_idx %arg15[%shift_right_arithmetic3A_1897, %and3A_1900], %broadcast_in_dim3A_49 {add = true} : memref<80x128xf32, #tpu.memory_space<vmem>>[vector<16xi32>, vector<16xi32>], vector<16xf32>,
      %get3A_1901 = arith.constant 14 : i32
      %get3A_1902 = arith.index_cast %get3A_1901 : i32 to index
      %get3A_1903 = arith.constant 96 : index
      %get3A_1904 = tpu.vector_load %arg14[%get3A_1902, %get3A_1903] {strides = array<i32>} : memref<16x128xi32, #tpu.memory_space<vmem>>, vector<16xi32>,
      %shift_right_arithmetic3A_1905 = arith.constant 7 : i32
      %shift_right_arithmetic3A_1906 = vector.broadcast %shift_right_arithmetic3A_1905 : i32 to vector<16xi32>
      %shift_right_arithmetic3A_1907 = arith.shrsi %get3A_1904, %shift_right_arithmetic3A_1906 : vector<16xi32>
      %and3A_1908 = arith.constant 127 : i32
      %and3A_1909 = vector.broadcast %and3A_1908 : i32 to vector<16xi32>
      %and3A_1910 = arith.andi %get3A_1904, %and3A_1909 : vector<16xi32>
      tpu.vector_store_idx %arg15[%shift_right_arithmetic3A_1907, %and3A_1910], %broadcast_in_dim3A_49 {add = true} : memref<80x128xf32, #tpu.memory_space<vmem>>[vector<16xi32>, vector<16xi32>], vector<16xf32>,
      %get3A_1911 = arith.constant 14 : i32
      %get3A_1912 = arith.index_cast %get3A_1911 : i32 to index
      %get3A_1913 = arith.constant 112 : index
      %get3A_1914 = tpu.vector_load %arg14[%get3A_1912, %get3A_1913] {strides = array<i32>} : memref<16x128xi32, #tpu.memory_space<vmem>>, vector<16xi32>,
      %shift_right_arithmetic3A_1915 = arith.constant 7 : i32
      %shift_right_arithmetic3A_1916 = vector.broadcast %shift_right_arithmetic3A_1915 : i32 to vector<16xi32>
      %shift_right_arithmetic3A_1917 = arith.shrsi %get3A_1914, %shift_right_arithmetic3A_1916 : vector<16xi32>
      %and3A_1918 = arith.constant 127 : i32
      %and3A_1919 = vector.broadcast %and3A_1918 : i32 to vector<16xi32>
      %and3A_1920 = arith.andi %get3A_1914, %and3A_1919 : vector<16xi32>
      tpu.vector_store_idx %arg15[%shift_right_arithmetic3A_1917, %and3A_1920], %broadcast_in_dim3A_49 {add = true} : memref<80x128xf32, #tpu.memory_space<vmem>>[vector<16xi32>, vector<16xi32>], vector<16xf32>,
      %dma_wait3A_1921 = arith.constant 3 : i32
      %dma_wait3A_1922 = arith.constant 0 : i32
      %dma_wait3A_1923 = arith.constant 0 : i32
      %dma_wait3A_1924 = tpu.memref_slice %arg12[%dma_wait3A_1921, %dma_wait3A_1922, %dma_wait3A_1923] : memref<4x128x128xbf16, #tpu.memory_space<vmem>> -> memref<1x128x128xbf16, #tpu.memory_space<vmem>>
      %dma_wait3A_1925 = tpu.memref_squeeze %dma_wait3A_1924 : memref<1x128x128xbf16, #tpu.memory_space<vmem>> -> memref<128x128xbf16, #tpu.memory_space<vmem>>
      %dma_wait3A_1926 = arith.constant 1920 : i32
      %dma_wait3A_1927 = tpu.memref_slice %arg13[%dma_wait3A_1926] : memref<2048xi32, #tpu.memory_space<vmem>> -> memref<128xi32, #tpu.memory_space<vmem>>
      %dma_wait3A_1928 = arith.constant 0 : i32
      %dma_wait3A_1929 = arith.constant 0 : i32
      %dma_wait3A_1930 = tpu.memref_slice %arg9[%dma_wait3A_1928, %dma_wait3A_1929] : memref<10000x128xbf16, #tpu.memory_space<vmem_shared>> -> memref<10000x128xbf16, #tpu.memory_space<vmem_shared>>
      tpu.wait_indirect_dma semaphore(%arg20 : memref<!tpu.dma_semaphore, #tpu.memory_space<semaphore_mem>>) src(%dma_wait3A_1930 : memref<10000x128xbf16, #tpu.memory_space<vmem_shared>>) dst(%dma_wait3A_1925 : memref<128x128xbf16, #tpu.memory_space<vmem>>)
      %dma_start3A_1931 = arith.constant 3 : i32
      %dma_start3A_1932 = arith.constant 15 : i32
      %dma_start3A_1933 = arith.constant 0 : i32
      %dma_start3A_1934 = arith.constant 0 : i32
      %dma_start3A_1935 = tpu.memref_slice %arg12[%dma_start3A_1931, %dma_start3A_1933, %dma_start3A_1934] : memref<4x128x128xbf16, #tpu.memory_space<vmem>> -> memref<1x128x128xbf16, #tpu.memory_space<vmem>>
      %dma_start3A_1936 = tpu.memref_squeeze %dma_start3A_1935 : memref<1x128x128xbf16, #tpu.memory_space<vmem>> -> memref<128x128xbf16, #tpu.memory_space<vmem>>
      %dma_start3A_1937 = arith.constant 0 : i32
      %dma_start3A_1938 = tpu.memref_slice %arg14[%dma_start3A_1932, %dma_start3A_1937] : memref<16x128xi32, #tpu.memory_space<vmem>> -> memref<1x128xi32, #tpu.memory_space<vmem>>
      %dma_start3A_1939 = tpu.memref_squeeze %dma_start3A_1938 : memref<1x128xi32, #tpu.memory_space<vmem>> -> memref<128xi32, #tpu.memory_space<vmem>>
      %dma_start3A_1940 = arith.constant 0 : i32
      %dma_start3A_1941 = arith.constant 0 : i32
      %dma_start3A_1942 = tpu.memref_slice %arg10[%dma_start3A_1940, %dma_start3A_1941] : memref<10112x128xbf16, #tpu.memory_space<vmem_shared>> -> memref<10112x128xbf16, #tpu.memory_space<vmem_shared>>
      tpu.enqueue_indirect_dma source(%dma_start3A_1936 : memref<128x128xbf16, #tpu.memory_space<vmem>>) target(%dma_start3A_1942 : memref<10112x128xbf16, #tpu.memory_space<vmem_shared>>) offsets(%dma_start3A_1939 : memref<128xi32, #tpu.memory_space<vmem>>) semaphore(%arg24 : memref<!tpu.dma_semaphore, #tpu.memory_space<semaphore_mem>>) {add = true}
      %get3A_1943 = arith.constant 15 : i32
      %get3A_1944 = arith.index_cast %get3A_1943 : i32 to index
      %get3A_1945 = arith.constant 0 : index
      %get3A_1946 = tpu.vector_load %arg14[%get3A_1944, %get3A_1945] {strides = array<i32>} : memref<16x128xi32, #tpu.memory_space<vmem>>, vector<16xi32>,
      %shift_right_arithmetic3A_1947 = arith.constant 7 : i32
      %shift_right_arithmetic3A_1948 = vector.broadcast %shift_right_arithmetic3A_1947 : i32 to vector<16xi32>
      %shift_right_arithmetic3A_1949 = arith.shrsi %get3A_1946, %shift_right_arithmetic3A_1948 : vector<16xi32>
      %and3A_1950 = arith.constant 127 : i32
      %and3A_1951 = vector.broadcast %and3A_1950 : i32 to vector<16xi32>
      %and3A_1952 = arith.andi %get3A_1946, %and3A_1951 : vector<16xi32>
      tpu.vector_store_idx %arg15[%shift_right_arithmetic3A_1949, %and3A_1952], %broadcast_in_dim3A_49 {add = true} : memref<80x128xf32, #tpu.memory_space<vmem>>[vector<16xi32>, vector<16xi32>], vector<16xf32>,
      %get3A_1953 = arith.constant 15 : i32
      %get3A_1954 = arith.index_cast %get3A_1953 : i32 to index
      %get3A_1955 = arith.constant 16 : index
      %get3A_1956 = tpu.vector_load %arg14[%get3A_1954, %get3A_1955] {strides = array<i32>} : memref<16x128xi32, #tpu.memory_space<vmem>>, vector<16xi32>,
      %shift_right_arithmetic3A_1957 = arith.constant 7 : i32
      %shift_right_arithmetic3A_1958 = vector.broadcast %shift_right_arithmetic3A_1957 : i32 to vector<16xi32>
      %shift_right_arithmetic3A_1959 = arith.shrsi %get3A_1956, %shift_right_arithmetic3A_1958 : vector<16xi32>
      %and3A_1960 = arith.constant 127 : i32
      %and3A_1961 = vector.broadcast %and3A_1960 : i32 to vector<16xi32>
      %and3A_1962 = arith.andi %get3A_1956, %and3A_1961 : vector<16xi32>
      tpu.vector_store_idx %arg15[%shift_right_arithmetic3A_1959, %and3A_1962], %broadcast_in_dim3A_49 {add = true} : memref<80x128xf32, #tpu.memory_space<vmem>>[vector<16xi32>, vector<16xi32>], vector<16xf32>,
      %get3A_1963 = arith.constant 15 : i32
      %get3A_1964 = arith.index_cast %get3A_1963 : i32 to index
      %get3A_1965 = arith.constant 32 : index
      %get3A_1966 = tpu.vector_load %arg14[%get3A_1964, %get3A_1965] {strides = array<i32>} : memref<16x128xi32, #tpu.memory_space<vmem>>, vector<16xi32>,
      %shift_right_arithmetic3A_1967 = arith.constant 7 : i32
      %shift_right_arithmetic3A_1968 = vector.broadcast %shift_right_arithmetic3A_1967 : i32 to vector<16xi32>
      %shift_right_arithmetic3A_1969 = arith.shrsi %get3A_1966, %shift_right_arithmetic3A_1968 : vector<16xi32>
      %and3A_1970 = arith.constant 127 : i32
      %and3A_1971 = vector.broadcast %and3A_1970 : i32 to vector<16xi32>
      %and3A_1972 = arith.andi %get3A_1966, %and3A_1971 : vector<16xi32>
      tpu.vector_store_idx %arg15[%shift_right_arithmetic3A_1969, %and3A_1972], %broadcast_in_dim3A_49 {add = true} : memref<80x128xf32, #tpu.memory_space<vmem>>[vector<16xi32>, vector<16xi32>], vector<16xf32>,
      %get3A_1973 = arith.constant 15 : i32
      %get3A_1974 = arith.index_cast %get3A_1973 : i32 to index
      %get3A_1975 = arith.constant 48 : index
      %get3A_1976 = tpu.vector_load %arg14[%get3A_1974, %get3A_1975] {strides = array<i32>} : memref<16x128xi32, #tpu.memory_space<vmem>>, vector<16xi32>,
      %shift_right_arithmetic3A_1977 = arith.constant 7 : i32
      %shift_right_arithmetic3A_1978 = vector.broadcast %shift_right_arithmetic3A_1977 : i32 to vector<16xi32>
      %shift_right_arithmetic3A_1979 = arith.shrsi %get3A_1976, %shift_right_arithmetic3A_1978 : vector<16xi32>
      %and3A_1980 = arith.constant 127 : i32
      %and3A_1981 = vector.broadcast %and3A_1980 : i32 to vector<16xi32>
      %and3A_1982 = arith.andi %get3A_1976, %and3A_1981 : vector<16xi32>
      tpu.vector_store_idx %arg15[%shift_right_arithmetic3A_1979, %and3A_1982], %broadcast_in_dim3A_49 {add = true} : memref<80x128xf32, #tpu.memory_space<vmem>>[vector<16xi32>, vector<16xi32>], vector<16xf32>,
      %get3A_1983 = arith.constant 15 : i32
      %get3A_1984 = arith.index_cast %get3A_1983 : i32 to index
      %get3A_1985 = arith.constant 64 : index
      %get3A_1986 = tpu.vector_load %arg14[%get3A_1984, %get3A_1985] {strides = array<i32>} : memref<16x128xi32, #tpu.memory_space<vmem>>, vector<16xi32>,
      %shift_right_arithmetic3A_1987 = arith.constant 7 : i32
      %shift_right_arithmetic3A_1988 = vector.broadcast %shift_right_arithmetic3A_1987 : i32 to vector<16xi32>
      %shift_right_arithmetic3A_1989 = arith.shrsi %get3A_1986, %shift_right_arithmetic3A_1988 : vector<16xi32>
      %and3A_1990 = arith.constant 127 : i32
      %and3A_1991 = vector.broadcast %and3A_1990 : i32 to vector<16xi32>
      %and3A_1992 = arith.andi %get3A_1986, %and3A_1991 : vector<16xi32>
      tpu.vector_store_idx %arg15[%shift_right_arithmetic3A_1989, %and3A_1992], %broadcast_in_dim3A_49 {add = true} : memref<80x128xf32, #tpu.memory_space<vmem>>[vector<16xi32>, vector<16xi32>], vector<16xf32>,
      %get3A_1993 = arith.constant 15 : i32
      %get3A_1994 = arith.index_cast %get3A_1993 : i32 to index
      %get3A_1995 = arith.constant 80 : index
      %get3A_1996 = tpu.vector_load %arg14[%get3A_1994, %get3A_1995] {strides = array<i32>} : memref<16x128xi32, #tpu.memory_space<vmem>>, vector<16xi32>,
      %shift_right_arithmetic3A_1997 = arith.constant 7 : i32
      %shift_right_arithmetic3A_1998 = vector.broadcast %shift_right_arithmetic3A_1997 : i32 to vector<16xi32>
      %shift_right_arithmetic3A_1999 = arith.shrsi %get3A_1996, %shift_right_arithmetic3A_1998 : vector<16xi32>
      %and3A_2000 = arith.constant 127 : i32
      %and3A_2001 = vector.broadcast %and3A_2000 : i32 to vector<16xi32>
      %and3A_2002 = arith.andi %get3A_1996, %and3A_2001 : vector<16xi32>
      tpu.vector_store_idx %arg15[%shift_right_arithmetic3A_1999, %and3A_2002], %broadcast_in_dim3A_49 {add = true} : memref<80x128xf32, #tpu.memory_space<vmem>>[vector<16xi32>, vector<16xi32>], vector<16xf32>,
      %get3A_2003 = arith.constant 15 : i32
      %get3A_2004 = arith.index_cast %get3A_2003 : i32 to index
      %get3A_2005 = arith.constant 96 : index
      %get3A_2006 = tpu.vector_load %arg14[%get3A_2004, %get3A_2005] {strides = array<i32>} : memref<16x128xi32, #tpu.memory_space<vmem>>, vector<16xi32>,
      %shift_right_arithmetic3A_2007 = arith.constant 7 : i32
      %shift_right_arithmetic3A_2008 = vector.broadcast %shift_right_arithmetic3A_2007 : i32 to vector<16xi32>
      %shift_right_arithmetic3A_2009 = arith.shrsi %get3A_2006, %shift_right_arithmetic3A_2008 : vector<16xi32>
      %and3A_2010 = arith.constant 127 : i32
      %and3A_2011 = vector.broadcast %and3A_2010 : i32 to vector<16xi32>
      %and3A_2012 = arith.andi %get3A_2006, %and3A_2011 : vector<16xi32>
      tpu.vector_store_idx %arg15[%shift_right_arithmetic3A_2009, %and3A_2012], %broadcast_in_dim3A_49 {add = true} : memref<80x128xf32, #tpu.memory_space<vmem>>[vector<16xi32>, vector<16xi32>], vector<16xf32>,
      %get3A_2013 = arith.constant 15 : i32
      %get3A_2014 = arith.index_cast %get3A_2013 : i32 to index
      %get3A_2015 = arith.constant 112 : index
      %get3A_2016 = tpu.vector_load %arg14[%get3A_2014, %get3A_2015] {strides = array<i32>} : memref<16x128xi32, #tpu.memory_space<vmem>>, vector<16xi32>,
      %shift_right_arithmetic3A_2017 = arith.constant 7 : i32
      %shift_right_arithmetic3A_2018 = vector.broadcast %shift_right_arithmetic3A_2017 : i32 to vector<16xi32>
      %shift_right_arithmetic3A_2019 = arith.shrsi %get3A_2016, %shift_right_arithmetic3A_2018 : vector<16xi32>
      %and3A_2020 = arith.constant 127 : i32
      %and3A_2021 = vector.broadcast %and3A_2020 : i32 to vector<16xi32>
      %and3A_2022 = arith.andi %get3A_2016, %and3A_2021 : vector<16xi32>
      tpu.vector_store_idx %arg15[%shift_right_arithmetic3A_2019, %and3A_2022], %broadcast_in_dim3A_49 {add = true} : memref<80x128xf32, #tpu.memory_space<vmem>>[vector<16xi32>, vector<16xi32>], vector<16xf32>,
      %dma_wait3A_2023 = arith.constant 0 : i32
      %dma_wait3A_2024 = arith.constant 12 : i32
      %dma_wait3A_2025 = arith.constant 0 : i32
      %dma_wait3A_2026 = arith.constant 0 : i32
      %dma_wait3A_2027 = tpu.memref_slice %arg12[%dma_wait3A_2023, %dma_wait3A_2025, %dma_wait3A_2026] : memref<4x128x128xbf16, #tpu.memory_space<vmem>> -> memref<1x128x128xbf16, #tpu.memory_space<vmem>>
      %dma_wait3A_2028 = tpu.memref_squeeze %dma_wait3A_2027 : memref<1x128x128xbf16, #tpu.memory_space<vmem>> -> memref<128x128xbf16, #tpu.memory_space<vmem>>
      %dma_wait3A_2029 = arith.constant 0 : i32
      %dma_wait3A_2030 = tpu.memref_slice %arg14[%dma_wait3A_2024, %dma_wait3A_2029] : memref<16x128xi32, #tpu.memory_space<vmem>> -> memref<1x128xi32, #tpu.memory_space<vmem>>
      %dma_wait3A_2031 = tpu.memref_squeeze %dma_wait3A_2030 : memref<1x128xi32, #tpu.memory_space<vmem>> -> memref<128xi32, #tpu.memory_space<vmem>>
      %dma_wait3A_2032 = arith.constant 0 : i32
      %dma_wait3A_2033 = arith.constant 0 : i32
      %dma_wait3A_2034 = tpu.memref_slice %arg10[%dma_wait3A_2032, %dma_wait3A_2033] : memref<10112x128xbf16, #tpu.memory_space<vmem_shared>> -> memref<10112x128xbf16, #tpu.memory_space<vmem_shared>>
      tpu.wait_indirect_dma semaphore(%arg21 : memref<!tpu.dma_semaphore, #tpu.memory_space<semaphore_mem>>) src(%dma_wait3A_2028 : memref<128x128xbf16, #tpu.memory_space<vmem>>) dst(%dma_wait3A_2034 : memref<10112x128xbf16, #tpu.memory_space<vmem_shared>>)
      %dma_wait3A_2035 = arith.constant 1 : i32
      %dma_wait3A_2036 = arith.constant 13 : i32
      %dma_wait3A_2037 = arith.constant 0 : i32
      %dma_wait3A_2038 = arith.constant 0 : i32
      %dma_wait3A_2039 = tpu.memref_slice %arg12[%dma_wait3A_2035, %dma_wait3A_2037, %dma_wait3A_2038] : memref<4x128x128xbf16, #tpu.memory_space<vmem>> -> memref<1x128x128xbf16, #tpu.memory_space<vmem>>
      %dma_wait3A_2040 = tpu.memref_squeeze %dma_wait3A_2039 : memref<1x128x128xbf16, #tpu.memory_space<vmem>> -> memref<128x128xbf16, #tpu.memory_space<vmem>>
      %dma_wait3A_2041 = arith.constant 0 : i32
      %dma_wait3A_2042 = tpu.memref_slice %arg14[%dma_wait3A_2036, %dma_wait3A_2041] : memref<16x128xi32, #tpu.memory_space<vmem>> -> memref<1x128xi32, #tpu.memory_space<vmem>>
      %dma_wait3A_2043 = tpu.memref_squeeze %dma_wait3A_2042 : memref<1x128xi32, #tpu.memory_space<vmem>> -> memref<128xi32, #tpu.memory_space<vmem>>
      %dma_wait3A_2044 = arith.constant 0 : i32
      %dma_wait3A_2045 = arith.constant 0 : i32
      %dma_wait3A_2046 = tpu.memref_slice %arg10[%dma_wait3A_2044, %dma_wait3A_2045] : memref<10112x128xbf16, #tpu.memory_space<vmem_shared>> -> memref<10112x128xbf16, #tpu.memory_space<vmem_shared>>
      tpu.wait_indirect_dma semaphore(%arg22 : memref<!tpu.dma_semaphore, #tpu.memory_space<semaphore_mem>>) src(%dma_wait3A_2040 : memref<128x128xbf16, #tpu.memory_space<vmem>>) dst(%dma_wait3A_2046 : memref<10112x128xbf16, #tpu.memory_space<vmem_shared>>)
      %dma_wait3A_2047 = arith.constant 2 : i32
      %dma_wait3A_2048 = arith.constant 14 : i32
      %dma_wait3A_2049 = arith.constant 0 : i32
      %dma_wait3A_2050 = arith.constant 0 : i32
      %dma_wait3A_2051 = tpu.memref_slice %arg12[%dma_wait3A_2047, %dma_wait3A_2049, %dma_wait3A_2050] : memref<4x128x128xbf16, #tpu.memory_space<vmem>> -> memref<1x128x128xbf16, #tpu.memory_space<vmem>>
      %dma_wait3A_2052 = tpu.memref_squeeze %dma_wait3A_2051 : memref<1x128x128xbf16, #tpu.memory_space<vmem>> -> memref<128x128xbf16, #tpu.memory_space<vmem>>
      %dma_wait3A_2053 = arith.constant 0 : i32
      %dma_wait3A_2054 = tpu.memref_slice %arg14[%dma_wait3A_2048, %dma_wait3A_2053] : memref<16x128xi32, #tpu.memory_space<vmem>> -> memref<1x128xi32, #tpu.memory_space<vmem>>
      %dma_wait3A_2055 = tpu.memref_squeeze %dma_wait3A_2054 : memref<1x128xi32, #tpu.memory_space<vmem>> -> memref<128xi32, #tpu.memory_space<vmem>>
      %dma_wait3A_2056 = arith.constant 0 : i32
      %dma_wait3A_2057 = arith.constant 0 : i32
      %dma_wait3A_2058 = tpu.memref_slice %arg10[%dma_wait3A_2056, %dma_wait3A_2057] : memref<10112x128xbf16, #tpu.memory_space<vmem_shared>> -> memref<10112x128xbf16, #tpu.memory_space<vmem_shared>>
      tpu.wait_indirect_dma semaphore(%arg23 : memref<!tpu.dma_semaphore, #tpu.memory_space<semaphore_mem>>) src(%dma_wait3A_2052 : memref<128x128xbf16, #tpu.memory_space<vmem>>) dst(%dma_wait3A_2058 : memref<10112x128xbf16, #tpu.memory_space<vmem_shared>>)
      %dma_wait3A_2059 = arith.constant 3 : i32
      %dma_wait3A_2060 = arith.constant 15 : i32
      %dma_wait3A_2061 = arith.constant 0 : i32
      %dma_wait3A_2062 = arith.constant 0 : i32
      %dma_wait3A_2063 = tpu.memref_slice %arg12[%dma_wait3A_2059, %dma_wait3A_2061, %dma_wait3A_2062] : memref<4x128x128xbf16, #tpu.memory_space<vmem>> -> memref<1x128x128xbf16, #tpu.memory_space<vmem>>
      %dma_wait3A_2064 = tpu.memref_squeeze %dma_wait3A_2063 : memref<1x128x128xbf16, #tpu.memory_space<vmem>> -> memref<128x128xbf16, #tpu.memory_space<vmem>>
      %dma_wait3A_2065 = arith.constant 0 : i32
      %dma_wait3A_2066 = tpu.memref_slice %arg14[%dma_wait3A_2060, %dma_wait3A_2065] : memref<16x128xi32, #tpu.memory_space<vmem>> -> memref<1x128xi32, #tpu.memory_space<vmem>>
      %dma_wait3A_2067 = tpu.memref_squeeze %dma_wait3A_2066 : memref<1x128xi32, #tpu.memory_space<vmem>> -> memref<128xi32, #tpu.memory_space<vmem>>
      %dma_wait3A_2068 = arith.constant 0 : i32
      %dma_wait3A_2069 = arith.constant 0 : i32
      %dma_wait3A_2070 = tpu.memref_slice %arg10[%dma_wait3A_2068, %dma_wait3A_2069] : memref<10112x128xbf16, #tpu.memory_space<vmem_shared>> -> memref<10112x128xbf16, #tpu.memory_space<vmem_shared>>
      tpu.wait_indirect_dma semaphore(%arg24 : memref<!tpu.dma_semaphore, #tpu.memory_space<semaphore_mem>>) src(%dma_wait3A_2064 : memref<128x128xbf16, #tpu.memory_space<vmem>>) dst(%dma_wait3A_2070 : memref<10112x128xbf16, #tpu.memory_space<vmem_shared>>)
      %scan3A_2071 = arith.constant 0 : i32
      scf.yield %scan3A_2071 : i32
    }
    %scan3A_56 = arith.constant 10 : i32
    "tpu.region"() ({
      %run_scoped3A = tpu.sem_alloc : memref<!tpu.dma_semaphore, #tpu.memory_space<semaphore_mem>>
      %dma_start3A = arith.constant 0 : i32
      %dma_start3A_67 = arith.constant 0 : i32
      %dma_start3A_68 = tpu.memref_slice %arg11[%dma_start3A, %dma_start3A_67] : memref<80x128xf32, #tpu.memory_space<vmem_shared>> -> memref<80x128xf32, #tpu.memory_space<vmem_shared>>
      tpu.enqueue_indirect_dma source(%arg15 : memref<80x128xf32, #tpu.memory_space<vmem>>) target(%dma_start3A_68 : memref<80x128xf32, #tpu.memory_space<vmem_shared>>) offsets(%arg16 : memref<80xi32, #tpu.memory_space<vmem>>) semaphore(%run_scoped3A : memref<!tpu.dma_semaphore, #tpu.memory_space<semaphore_mem>>) {add = true}
      %dma_wait3A = arith.constant 0 : i32
      %dma_wait3A_69 = arith.constant 0 : i32
      %dma_wait3A_70 = tpu.memref_slice %arg11[%dma_wait3A, %dma_wait3A_69] : memref<80x128xf32, #tpu.memory_space<vmem_shared>> -> memref<80x128xf32, #tpu.memory_space<vmem_shared>>
      tpu.wait_indirect_dma semaphore(%run_scoped3A : memref<!tpu.dma_semaphore, #tpu.memory_space<semaphore_mem>>) src(%arg15 : memref<80x128xf32, #tpu.memory_space<vmem>>) dst(%dma_wait3A_70 : memref<80x128xf32, #tpu.memory_space<vmem_shared>>)
      tpu.yield
    }) : () -> ()
    %barrier3A_57 = arith.constant 0 : index
    tpu.barrier barrier_id(%barrier3A_57)
    %mul3A_58 = arith.constant 632 : i32
    %mul3A_59 = arith.muli %arg1, %mul3A_58 : i32
    %mul3A_60 = arith.constant 632 : i32
    %mul3A_61 = arith.muli %arg1, %mul3A_60 : i32
    "tpu.region"() ({
      %run_scoped3A = tpu.sem_alloc : memref<!tpu.dma_semaphore, #tpu.memory_space<semaphore_mem>>
      %dma_start3A = arith.constant 0 : i32
      %dma_start3A_67 = tpu.memref_slice %arg7[%arg0, %mul3A_61, %dma_start3A] : memref<2x10112x128xbf16, #tpu.memory_space<hbm>> -> memref<1x632x128xbf16, #tpu.memory_space<hbm>>
      %dma_start3A_68 = tpu.memref_squeeze %dma_start3A_67 : memref<1x632x128xbf16, #tpu.memory_space<hbm>> -> memref<632x128xbf16, #tpu.memory_space<hbm>>
      %dma_start3A_69 = arith.constant 0 : i32
      %dma_start3A_70 = tpu.memref_slice %arg10[%mul3A_59, %dma_start3A_69] : memref<10112x128xbf16, #tpu.memory_space<vmem_shared>> -> memref<632x128xbf16, #tpu.memory_space<vmem_shared>>
      tpu.enqueue_dma source(%dma_start3A_70 : memref<632x128xbf16, #tpu.memory_space<vmem_shared>>) target(%dma_start3A_68 : memref<632x128xbf16, #tpu.memory_space<hbm>>) target_semaphore(%run_scoped3A : memref<!tpu.dma_semaphore, #tpu.memory_space<semaphore_mem>>)
      %dma_wait3A = arith.constant 0 : i32
      %dma_wait3A_71 = tpu.memref_slice %arg7[%arg0, %mul3A_61, %dma_wait3A] : memref<2x10112x128xbf16, #tpu.memory_space<hbm>> -> memref<1x632x128xbf16, #tpu.memory_space<hbm>>
      %dma_wait3A_72 = tpu.memref_squeeze %dma_wait3A_71 : memref<1x632x128xbf16, #tpu.memory_space<hbm>> -> memref<632x128xbf16, #tpu.memory_space<hbm>>
      %dma_wait3A_73 = arith.constant 0 : i32
      %dma_wait3A_74 = tpu.memref_slice %arg10[%mul3A_59, %dma_wait3A_73] : memref<10112x128xbf16, #tpu.memory_space<vmem_shared>> -> memref<632x128xbf16, #tpu.memory_space<vmem_shared>>
      tpu.wait_dma2 semaphore(%run_scoped3A : memref<!tpu.dma_semaphore, #tpu.memory_space<semaphore_mem>>) src(%dma_wait3A_74 : memref<632x128xbf16, #tpu.memory_space<vmem_shared>>) dst(%dma_wait3A_72 : memref<632x128xbf16, #tpu.memory_space<hbm>>)
      tpu.yield
    }) : () -> ()
    %eq3A_62 = arith.constant 0 : i32
    %eq3A_63 = arith.cmpi eq, %arg1, %eq3A_62 : i32
    %convert_element_type3A_64 = arith.extui %eq3A_63 : i1 to i32
    %cond3A_65 = arith.constant 0 : i32
    %cond3A_66 = arith.cmpi ne, %convert_element_type3A_64, %cond3A_65 : i32
    scf.if %cond3A_66 {
      "tpu.region"() ({
        %run_scoped3A = tpu.sem_alloc : memref<!tpu.dma_semaphore, #tpu.memory_space<semaphore_mem>>
        %dma_start3A = arith.constant 0 : i32
        %dma_start3A_67 = arith.constant 0 : i32
        %dma_start3A_68 = tpu.memref_slice %arg8[%arg0, %dma_start3A, %dma_start3A_67] : memref<2x80x128xf32, #tpu.memory_space<hbm>> -> memref<1x80x128xf32, #tpu.memory_space<hbm>>
        %dma_start3A_69 = tpu.memref_squeeze %dma_start3A_68 : memref<1x80x128xf32, #tpu.memory_space<hbm>> -> memref<80x128xf32, #tpu.memory_space<hbm>>
        tpu.enqueue_dma source(%arg11 : memref<80x128xf32, #tpu.memory_space<vmem_shared>>) target(%dma_start3A_69 : memref<80x128xf32, #tpu.memory_space<hbm>>) target_semaphore(%run_scoped3A : memref<!tpu.dma_semaphore, #tpu.memory_space<semaphore_mem>>)
        %dma_wait3A = arith.constant 0 : i32
        %dma_wait3A_70 = arith.constant 0 : i32
        %dma_wait3A_71 = tpu.memref_slice %arg8[%arg0, %dma_wait3A, %dma_wait3A_70] : memref<2x80x128xf32, #tpu.memory_space<hbm>> -> memref<1x80x128xf32, #tpu.memory_space<hbm>>
        %dma_wait3A_72 = tpu.memref_squeeze %dma_wait3A_71 : memref<1x80x128xf32, #tpu.memory_space<hbm>> -> memref<80x128xf32, #tpu.memory_space<hbm>>
        tpu.wait_dma2 semaphore(%run_scoped3A : memref<!tpu.dma_semaphore, #tpu.memory_space<semaphore_mem>>) src(%arg11 : memref<80x128xf32, #tpu.memory_space<vmem_shared>>) dst(%dma_wait3A_72 : memref<80x128xf32, #tpu.memory_space<hbm>>)
        tpu.yield
      }) : () -> ()
    } else {
    }
    return
  }
}

module attributes {stable_mosaic.version = 14 : i64} {
  func.func @_tc_body(%arg0: i32, %arg1: memref<1000x128xf32, #tpu.memory_space<vmem>>, %arg2: memref<2x1000x128xbf16, #tpu.memory_space<vmem>>, %arg3: memref<1000x2xf32, #tpu.memory_space<vmem>>, %arg4: memref<1x1x1000xi32, #tpu.memory_space<vmem>>, %arg5: memref<128x256xf32, #tpu.memory_space<vmem>>, %arg6: memref<128x256xf32, #tpu.memory_space<vmem>>, %arg7: memref<128x512xf32, #tpu.memory_space<vmem>>, %arg8: memref<128x256xf32, #tpu.memory_space<vmem>>, %arg9: memref<128x256xf32, #tpu.memory_space<vmem>>, %arg10: memref<128x128xf32, #tpu.memory_space<vmem>>) attributes {dimension_semantics = [#tpu.dimension_semantics<arbitrary>], iteration_bounds = array<i64: 10>, scalar_prefetch = 0 : i64, scratch_operands = 3 : i64, tpu.core_type = #tpu.core_type<tc>, window_params = [{transform_indices = @transform_0, window_bounds = array<i64: 1000, 128>}, {transform_indices = @transform_1, window_bounds = array<i64: 2, 1000, 128>}, {transform_indices = @transform_2, window_bounds = array<i64: 1000, 2>}, {transform_indices = @transform_3, window_bounds = array<i64: 1, 1, 1000>}, {pipeline_mode = #tpu.pipeline_mode<synchronous>, transform_indices = @transform_4, window_bounds = array<i64: 128, 256>}, {pipeline_mode = #tpu.pipeline_mode<synchronous>, transform_indices = @transform_5, window_bounds = array<i64: 128, 256>}, {pipeline_mode = #tpu.pipeline_mode<synchronous>, transform_indices = @transform_6, window_bounds = array<i64: 128, 512>}]} {
    %eq3A = arith.constant 0 : i32
    %eq3A_0 = arith.cmpi eq, %arg0, %eq3A : i32
    %convert_element_type3A = arith.extui %eq3A_0 : i1 to i32
    %cond3A = arith.constant 0 : i32
    %cond3A_1 = arith.cmpi ne, %convert_element_type3A, %cond3A : i32
    scf.if %cond3A_1 {
      %broadcast_in_dim3A_87 = arith.constant 0.000000e+00 : f32
      %broadcast_in_dim3A_88 = vector.broadcast %broadcast_in_dim3A_87 : f32 to vector<128x256xf32>
      %swap3A_89 = arith.constant 0 : index
      %swap3A_90 = arith.constant 0 : index
      %swap3A_91 = vector.load %arg8[%swap3A_89, %swap3A_90] : memref<128x256xf32, #tpu.memory_space<vmem>>, vector<128x256xf32>
      tpu.vector_store %arg8[%swap3A_89, %swap3A_90], %broadcast_in_dim3A_88 {strides = array<i32>} : memref<128x256xf32, #tpu.memory_space<vmem>>, vector<128x256xf32>,
      %broadcast_in_dim3A_92 = arith.constant 0.000000e+00 : f32
      %broadcast_in_dim3A_93 = vector.broadcast %broadcast_in_dim3A_92 : f32 to vector<128x256xf32>
      %swap3A_94 = arith.constant 0 : index
      %swap3A_95 = arith.constant 0 : index
      %swap3A_96 = vector.load %arg9[%swap3A_94, %swap3A_95] : memref<128x256xf32, #tpu.memory_space<vmem>>, vector<128x256xf32>
      tpu.vector_store %arg9[%swap3A_94, %swap3A_95], %broadcast_in_dim3A_93 {strides = array<i32>} : memref<128x256xf32, #tpu.memory_space<vmem>>, vector<128x256xf32>,
      %broadcast_in_dim3A_97 = arith.constant 0.000000e+00 : f32
      %broadcast_in_dim3A_98 = vector.broadcast %broadcast_in_dim3A_97 : f32 to vector<128x128xf32>
      %swap3A_99 = arith.constant 0 : index
      %swap3A_100 = arith.constant 0 : index
      %swap3A_101 = vector.load %arg10[%swap3A_99, %swap3A_100] : memref<128x128xf32, #tpu.memory_space<vmem>>, vector<128x128xf32>
      tpu.vector_store %arg10[%swap3A_99, %swap3A_100], %broadcast_in_dim3A_98 {strides = array<i32>} : memref<128x128xf32, #tpu.memory_space<vmem>>, vector<128x128xf32>,
    } else {
    }
    %get3A = arith.constant 0 : index
    %get3A_2 = arith.constant 0 : index
    %get3A_3 = vector.load %arg1[%get3A, %get3A_2] : memref<1000x128xf32, #tpu.memory_space<vmem>>, vector<1000x128xf32>
    %get3A_4 = arith.constant 0 : index
    %get3A_5 = arith.constant 0 : index
    %get3A_6 = vector.load %arg3[%get3A_4, %get3A_5] : memref<1000x2xf32, #tpu.memory_space<vmem>>, vector<1000x1xf32>
    %max3A = arith.constant 1.000000e+00 : f32
    %max3A_7 = vector.broadcast %max3A : f32 to vector<1000x1xf32>
    %max3A_8 = arith.maximumf %get3A_6, %max3A_7 : vector<1000x1xf32>
    %get3A_9 = arith.constant 0 : index
    %get3A_10 = arith.constant 1 : index
    %get3A_11 = vector.load %arg3[%get3A_9, %get3A_10] : memref<1000x2xf32, #tpu.memory_space<vmem>>, vector<1000x1xf32>
    %max3A_12 = arith.constant 1.000000e+00 : f32
    %max3A_13 = vector.broadcast %max3A_12 : f32 to vector<1000x1xf32>
    %max3A_14 = arith.maximumf %get3A_11, %max3A_13 : vector<1000x1xf32>
    %get3A_15 = arith.constant 0 : index
    %get3A_16 = arith.constant 0 : index
    %get3A_17 = arith.constant 0 : index
    %get3A_18 = vector.load %arg2[%get3A_15, %get3A_16, %get3A_17] : memref<2x1000x128xbf16, #tpu.memory_space<vmem>>, vector<1x1000x128xbf16>
    %get3A_19 = vector.shape_cast %get3A_18 : vector<1x1000x128xbf16> to vector<1000x128xbf16>
    %convert_element_type3A_20 = arith.extf %get3A_19 : vector<1000x128xbf16> to vector<1000x128xf32>
    %div3A = vector.broadcast %max3A_8 : vector<1000x1xf32> to vector<1000x128xf32>
    %div3A_21 = arith.divf %convert_element_type3A_20, %div3A : vector<1000x128xf32>
    %add3A = arith.addf %get3A_3, %div3A_21 : vector<1000x128xf32>
    %get3A_22 = arith.constant 1 : index
    %get3A_23 = arith.constant 0 : index
    %get3A_24 = arith.constant 0 : index
    %get3A_25 = vector.load %arg2[%get3A_22, %get3A_23, %get3A_24] : memref<2x1000x128xbf16, #tpu.memory_space<vmem>>, vector<1x1000x128xbf16>
    %get3A_26 = vector.shape_cast %get3A_25 : vector<1x1000x128xbf16> to vector<1000x128xbf16>
    %convert_element_type3A_27 = arith.extf %get3A_26 : vector<1000x128xbf16> to vector<1000x128xf32>
    %div3A_28 = vector.broadcast %max3A_14 : vector<1000x1xf32> to vector<1000x128xf32>
    %div3A_29 = arith.divf %convert_element_type3A_27, %div3A_28 : vector<1000x128xf32>
    %add3A_30 = arith.addf %get3A_3, %div3A_29 : vector<1000x128xf32>
    %get3A_31 = arith.constant 0 : index
    %get3A_32 = arith.constant 0 : index
    %get3A_33 = vector.load %arg5[%get3A_31, %get3A_32] : memref<128x256xf32, #tpu.memory_space<vmem>>, vector<128x256xf32>
    %dot_general3A = arith.constant dense<0.000000e+00> : vector<1000x256xf32>
    %dot_general3A_34 = tpu.matmul %add3A, %get3A_33, %dot_general3A {dimension_numbers = #tpu.dot_dimension_numbers<[1], [0], [0], [1], [0, 0, 1, 1], [], []>, transpose_lhs_hint = false} : vector<1000x128xf32>, vector<128x256xf32>, vector<1000x256xf32> -> vector<1000x256xf32>
    %max3A_35 = arith.constant 0.000000e+00 : f32
    %max3A_36 = vector.broadcast %max3A_35 : f32 to vector<1000x256xf32>
    %max3A_37 = arith.maximumf %dot_general3A_34, %max3A_36 : vector<1000x256xf32>
    %get3A_38 = arith.constant 0 : index
    %get3A_39 = arith.constant 0 : index
    %get3A_40 = vector.load %arg6[%get3A_38, %get3A_39] : memref<128x256xf32, #tpu.memory_space<vmem>>, vector<128x256xf32>
    %dot_general3A_41 = arith.constant dense<0.000000e+00> : vector<1000x256xf32>
    %dot_general3A_42 = tpu.matmul %add3A_30, %get3A_40, %dot_general3A_41 {dimension_numbers = #tpu.dot_dimension_numbers<[1], [0], [0], [1], [0, 0, 1, 1], [], []>, transpose_lhs_hint = false} : vector<1000x128xf32>, vector<128x256xf32>, vector<1000x256xf32> -> vector<1000x256xf32>
    %max3A_43 = arith.constant 0.000000e+00 : f32
    %max3A_44 = vector.broadcast %max3A_43 : f32 to vector<1000x256xf32>
    %max3A_45 = arith.maximumf %dot_general3A_42, %max3A_44 : vector<1000x256xf32>
    %get3A_46 = arith.constant 0 : index
    %get3A_47 = arith.constant 0 : index
    %get3A_48 = arith.constant 0 : index
    %get3A_49 = vector.load %arg4[%get3A_46, %get3A_47, %get3A_48] : memref<1x1x1000xi32, #tpu.memory_space<vmem>>, vector<1x1x1000xi32>
    %get3A_50 = vector.shape_cast %get3A_49 : vector<1x1x1000xi32> to vector<1x1000xi32>
    %iota3A = tpu.iota {dimensions = array<i32: 0>} : vector<128x1000xi32>
    %eq3A_51 = vector.broadcast %get3A_50 : vector<1x1000xi32> to vector<128x1000xi32>
    %eq3A_52 = arith.cmpi eq, %iota3A, %eq3A_51 : vector<128x1000xi32>
    %convert_element_type3A_53 = arith.extui %eq3A_52 : vector<128x1000xi1> to vector<128x1000xi32>
    %convert_element_type3A_54 = arith.sitofp %convert_element_type3A_53 : vector<128x1000xi32> to vector<128x1000xf32>
    %get3A_55 = arith.constant 0 : index
    %get3A_56 = arith.constant 0 : index
    %get3A_57 = vector.load %arg8[%get3A_55, %get3A_56] : memref<128x256xf32, #tpu.memory_space<vmem>>, vector<128x256xf32>
    %dot_general3A_58 = arith.constant dense<0.000000e+00> : vector<128x256xf32>
    %dot_general3A_59 = tpu.matmul %convert_element_type3A_54, %max3A_37, %dot_general3A_58 {dimension_numbers = #tpu.dot_dimension_numbers<[1], [0], [0], [1], [0, 0, 1, 1], [], []>, transpose_lhs_hint = false} : vector<128x1000xf32>, vector<1000x256xf32>, vector<128x256xf32> -> vector<128x256xf32>
    %add3A_60 = arith.addf %get3A_57, %dot_general3A_59 : vector<128x256xf32>
    %swap3A = arith.constant 0 : index
    %swap3A_61 = arith.constant 0 : index
    %swap3A_62 = vector.load %arg8[%swap3A, %swap3A_61] : memref<128x256xf32, #tpu.memory_space<vmem>>, vector<128x256xf32>
    tpu.vector_store %arg8[%swap3A, %swap3A_61], %add3A_60 {strides = array<i32>} : memref<128x256xf32, #tpu.memory_space<vmem>>, vector<128x256xf32>,
    %get3A_63 = arith.constant 0 : index
    %get3A_64 = arith.constant 0 : index
    %get3A_65 = vector.load %arg9[%get3A_63, %get3A_64] : memref<128x256xf32, #tpu.memory_space<vmem>>, vector<128x256xf32>
    %dot_general3A_66 = arith.constant dense<0.000000e+00> : vector<128x256xf32>
    %dot_general3A_67 = tpu.matmul %convert_element_type3A_54, %max3A_45, %dot_general3A_66 {dimension_numbers = #tpu.dot_dimension_numbers<[1], [0], [0], [1], [0, 0, 1, 1], [], []>, transpose_lhs_hint = false} : vector<128x1000xf32>, vector<1000x256xf32>, vector<128x256xf32> -> vector<128x256xf32>
    %add3A_68 = arith.addf %get3A_65, %dot_general3A_67 : vector<128x256xf32>
    %swap3A_69 = arith.constant 0 : index
    %swap3A_70 = arith.constant 0 : index
    %swap3A_71 = vector.load %arg9[%swap3A_69, %swap3A_70] : memref<128x256xf32, #tpu.memory_space<vmem>>, vector<128x256xf32>
    tpu.vector_store %arg9[%swap3A_69, %swap3A_70], %add3A_68 {strides = array<i32>} : memref<128x256xf32, #tpu.memory_space<vmem>>, vector<128x256xf32>,
    %get3A_72 = arith.constant 0 : index
    %get3A_73 = arith.constant 0 : index
    %get3A_74 = vector.load %arg10[%get3A_72, %get3A_73] : memref<128x128xf32, #tpu.memory_space<vmem>>, vector<128x128xf32>
    %reduce_sum3A = arith.constant dense<0.000000e+00> : vector<128xf32>
    %reduce_sum3A_75 = vector.multi_reduction <add>, %convert_element_type3A_54, %reduce_sum3A [1] : vector<128x1000xf32> to vector<128xf32>
    %broadcast_in_dim3A = vector.shape_cast %reduce_sum3A_75 : vector<128xf32> to vector<128x1xf32>
    %broadcast_in_dim3A_76 = vector.shape_cast %broadcast_in_dim3A : vector<128x1xf32> to vector<128x1xf32>
    %broadcast_in_dim3A_77 = vector.broadcast %broadcast_in_dim3A_76 : vector<128x1xf32> to vector<128x128xf32>
    %add3A_78 = arith.addf %get3A_74, %broadcast_in_dim3A_77 : vector<128x128xf32>
    %swap3A_79 = arith.constant 0 : index
    %swap3A_80 = arith.constant 0 : index
    %swap3A_81 = vector.load %arg10[%swap3A_79, %swap3A_80] : memref<128x128xf32, #tpu.memory_space<vmem>>, vector<128x128xf32>
    tpu.vector_store %arg10[%swap3A_79, %swap3A_80], %add3A_78 {strides = array<i32>} : memref<128x128xf32, #tpu.memory_space<vmem>>, vector<128x128xf32>,
    %eq3A_82 = arith.constant 9 : i32
    %eq3A_83 = arith.cmpi eq, %arg0, %eq3A_82 : i32
    %convert_element_type3A_84 = arith.extui %eq3A_83 : i1 to i32
    %cond3A_85 = arith.constant 0 : i32
    %cond3A_86 = arith.cmpi ne, %convert_element_type3A_84, %cond3A_85 : i32
    scf.if %cond3A_86 {
      %get3A_87 = arith.constant 0 : index
      %get3A_88 = arith.constant 0 : index
      %get3A_89 = vector.load %arg10[%get3A_87, %get3A_88] : memref<128x128xf32, #tpu.memory_space<vmem>>, vector<128x1xf32>
      %max3A_90 = arith.constant 1.000000e+00 : f32
      %max3A_91 = vector.broadcast %max3A_90 : f32 to vector<128x1xf32>
      %max3A_92 = arith.maximumf %get3A_89, %max3A_91 : vector<128x1xf32>
      %get3A_93 = arith.constant 0 : index
      %get3A_94 = arith.constant 0 : index
      %get3A_95 = vector.load %arg8[%get3A_93, %get3A_94] : memref<128x256xf32, #tpu.memory_space<vmem>>, vector<128x128xf32>
      %div3A_96 = vector.broadcast %max3A_92 : vector<128x1xf32> to vector<128x128xf32>
      %div3A_97 = arith.divf %get3A_95, %div3A_96 : vector<128x128xf32>
      %get3A_98 = arith.constant 0 : index
      %get3A_99 = arith.constant 0 : index
      %get3A_100 = vector.load %arg9[%get3A_98, %get3A_99] : memref<128x256xf32, #tpu.memory_space<vmem>>, vector<128x128xf32>
      %div3A_101 = vector.broadcast %max3A_92 : vector<128x1xf32> to vector<128x128xf32>
      %div3A_102 = arith.divf %get3A_100, %div3A_101 : vector<128x128xf32>
      %get3A_103 = arith.constant 0 : index
      %get3A_104 = arith.constant 128 : index
      %get3A_105 = vector.load %arg8[%get3A_103, %get3A_104] : memref<128x256xf32, #tpu.memory_space<vmem>>, vector<128x128xf32>
      %div3A_106 = vector.broadcast %max3A_92 : vector<128x1xf32> to vector<128x128xf32>
      %div3A_107 = arith.divf %get3A_105, %div3A_106 : vector<128x128xf32>
      %get3A_108 = arith.constant 0 : index
      %get3A_109 = arith.constant 128 : index
      %get3A_110 = vector.load %arg9[%get3A_108, %get3A_109] : memref<128x256xf32, #tpu.memory_space<vmem>>, vector<128x128xf32>
      %div3A_111 = vector.broadcast %max3A_92 : vector<128x1xf32> to vector<128x128xf32>
      %div3A_112 = arith.divf %get3A_110, %div3A_111 : vector<128x128xf32>
      %concatenate3A = tpu.concatenate %div3A_97, %div3A_102, %div3A_107, %div3A_112 in 1 : vector<128x128xf32>, vector<128x128xf32>, vector<128x128xf32>, vector<128x128xf32> -> vector<128x512xf32>
      %swap3A_113 = arith.constant 0 : index
      %swap3A_114 = arith.constant 0 : index
      %swap3A_115 = vector.load %arg7[%swap3A_113, %swap3A_114] : memref<128x512xf32, #tpu.memory_space<vmem>>, vector<128x512xf32>
      tpu.vector_store %arg7[%swap3A_113, %swap3A_114], %concatenate3A {strides = array<i32>} : memref<128x512xf32, #tpu.memory_space<vmem>>, vector<128x512xf32>,
    } else {
    }
    return
  }
  func.func @transform_0(%arg0: i32) -> (i32, i32) {
    %c0_i32 = arith.constant 0 : i32
    %c0_i32_0 = arith.constant 0 : i32
    return %arg0, %c0_i32 : i32, i32
  }
  func.func @transform_1(%arg0: i32) -> (i32, i32, i32) {
    %c0_i32 = arith.constant 0 : i32
    %c0_i32_0 = arith.constant 0 : i32
    %c0_i32_1 = arith.constant 0 : i32
    return %c0_i32, %arg0, %c0_i32_0 : i32, i32, i32
  }
  func.func @transform_2(%arg0: i32) -> (i32, i32) {
    %c0_i32 = arith.constant 0 : i32
    %c0_i32_0 = arith.constant 0 : i32
    return %arg0, %c0_i32 : i32, i32
  }
  func.func @transform_3(%arg0: i32) -> (i32, i32, i32) {
    %c0_i32 = arith.constant 0 : i32
    %c0_i32_0 = arith.constant 0 : i32
    %c0_i32_1 = arith.constant 0 : i32
    return %arg0, %c0_i32, %c0_i32_0 : i32, i32, i32
  }
  func.func @transform_4(%arg0: i32) -> (i32, i32) {
    %c0_i32 = arith.constant 0 : i32
    %c0_i32_0 = arith.constant 0 : i32
    %c0_i32_1 = arith.constant 0 : i32
    return %c0_i32, %c0_i32_0 : i32, i32
  }
  func.func @transform_5(%arg0: i32) -> (i32, i32) {
    %c0_i32 = arith.constant 0 : i32
    %c0_i32_0 = arith.constant 0 : i32
    %c0_i32_1 = arith.constant 0 : i32
    return %c0_i32, %c0_i32_0 : i32, i32
  }
  func.func @transform_6(%arg0: i32) -> (i32, i32) {
    %c0_i32 = arith.constant 0 : i32
    %c0_i32_0 = arith.constant 0 : i32
    %c0_i32_1 = arith.constant 0 : i32
    return %c0_i32, %c0_i32_0 : i32, i32
  }
}

</mosaic_0001>

<sc_bundles>
// kernel: kernel.4.cloned.1.call-start
scs
__scs_entry_jumppad:
0x0: {  	(pc) =	sbr.rel $0x88, $3  }
0x1: {  	(tag) =	ssettag $0x0;
	lr =	simm.s32 $0x1  }
0x2: {  	[smem:$0x3F99] =	sst lr;
	_ =	strace $0xD0000000  }
0x3: {  	_ = 	snop  }
0x4: {  	_ = 	snop  }
0x5: {  	_ = 	snop  }
0x6: {  	_ = 	snop  }
0x7: {  	_ = 	snop  }
__scs_overlays_trampoline_lowered:
0x8: {  	[smem:$0x3FA8] =	sst s0  }
0x9: {  	[smem:$0x3FA9] =	sst s1  }
0xa: {  	[smem:$0x3FAA] =	sst s2  }
0xb: {  	[smem:$0x3FAB] =	sst s3  }
0xc: {  	[smem:$0x3FAC] =	sst s4  }
0xd: {  	[smem:$0x3FAD] =	sst s5  }
0xe: {  	[smem:$0x3FAE] =	sst s6  }
0xf: {  	[smem:$0x3FAF] =	sst s7  }
0x10: {  	[smem:$0x3FB0] =	sst s8  }
0x11: {  	[smem:$0x3FB1] =	sst s9;
	s0 =	simm.s32 @!p0 $0x0  }
0x12: {  	s1 =	sld [smem:$0x3F97];
	s0 =	simm.s32 @p0 $0x1  }
0x13: {  	[smem:$0x3FB2] =	sst s0;
	s0 =	simm.s32 @!p1 $0x0  }
0x14: {  	s2 =	sld [smem:$0x3F96];
	s0 =	simm.s32 @p1 $0x1  }
0x15: {  	[smem:$0x3FB3] =	sst s0;
	s0 =	simm.s32 @!p2 $0x0  }
0x16: {  	s3 =	sld [smem:$0x3FDB];
	s0 =	simm.s32 @p2 $0x1  }
0x17: {  	s4 =	simm.s32 $0x1BF5;
	[smem:$0x3FB5] =	sst s0  }
0x18: {  	s0 =	sld [smem:$0x3F98];
	_ =	swait.ge [sflag:s4], $0x0  }
0x19: {  	s7 =	sld [smem:$0x3F99]  }
0x1a: {  	s8 =	sadd.s32 $0xFFFFE003, lr  }
0x1b: {  	s9 =	sadd.s32 $0xFFFFFEF7, lr;
	s5 =	simm.s32 $0xFFFFFFFF;
	p2 =	slt.u32 s8, $0xFFFFF086  }
0x1c: {  	p1 =	slt.u32 s9, $0xF7A;
	s5 =	simm.s32 @!p2 $0x0  }
0x1d: {  	s5 =	simm.s32 @p1 $0x1;
	p0 =	seq.s32 s7, s2  }
0x1e: {  	s7 =	smul.u32 @!p0 $0xF7A, s2;
	p2 =	seq.s32 @!p0 s5, $0x0  }
0x1f: {  	s9 =	smul.u32 $0xF7A, s1;
	s8 =	simm.s32 @!p0 $0x1BF5;
	p2 =	por !p2, p0  }
0x20: {  	[sflag:s8] =	ssyncset.s32 @!p0 $0xFFFFF086;
	s6 =	sadd.s32 @!p0 s3, s7;
	s7 =	simm.s32 @!p0 $0x108  }
0x21: {  	s3 =	sadd.s32 s3, s9;
	s6 =	sadd.s32 @!p0 $0x88, s6;
	s7 =	simm.s32 @p2 $0x1082  }
0x22: {  	[simem:s7], [sflag:s8] =	dma.local @!p0 [hbm:s6], $0xF7A  }
0x23: {  	s9 =	sor.u32 $0xD0000000, s2;
	s6 =	simm.s32 $0x108;
	_ =	swait.ge @!p0 [sflag:s8], $0x0  }
0x24: {  	s3 =	sadd.s32 $0x88, s3;
	s6 =	simm.s32 @!p1 $0x1082;
	[sflag:s4] =	ssyncset.s32 $0xFFFFF086  }
0x25: {  	[simem:s6], [sflag:s4] =	dma.local [hbm:s3], $0xF7A  }
0x26: {  	[smem:$0x3F99] =	sst s1;
	(tag) =	ssettag s2;
	_ =	strace s9  }
0x27: {  	s1 =	sld [smem:$0x3FA9]  }
0x28: {  	s2 =	sld [smem:$0x3FAA]  }
0x29: {  	s4 =	sld [smem:$0x3FAC]  }
0x2a: {  	p0 =	seq.s32 s5, $0x0;
	s5 =	sld [smem:$0x3FAD]  }
0x2b: {  	s6 =	sld [smem:$0x3FAE]  }
0x2c: {  	s7 =	sld [smem:$0x3FAF]  }
0x2d: {  	s3 =	simm.s32 $0x108;
	s8 =	sld [smem:$0x3FB0]  }
0x2e: {  	s3 =	simm.s32 @!p0 $0x1082;
	s9 =	sld [smem:$0x3FB1]  }
0x2f: {  	lr =	sadd.s32 s0, s3;
	s0 =	sld [smem:$0x3FA8]  }
0x30: {  	s3 =	sld [smem:$0x3FAB]  }
0x31: {  	[smem:$0x3FB4] =	sst s10  }
0x32: {  	s10 =	sld [smem:$0x3FB2];
	_ =	sdelay $0x3  }
0x33: {  	p0 =	seq.s32 s10, $0x1;
	s10 =	sld [smem:$0x3FB4];
	_ =	sdelay $0x3  }
0x34: {  	[smem:$0x3FB4] =	sst s10  }
0x35: {  	s10 =	sld [smem:$0x3FB3];
	_ =	sdelay $0x3  }
0x36: {  	p1 =	seq.s32 s10, $0x1;
	s10 =	sld [smem:$0x3FB4];
	_ =	sdelay $0x3  }
0x37: {  	[smem:$0x3FB4] =	sst s10  }
0x38: {  	s10 =	sld [smem:$0x3FB5]  }
0x39: {  	_ = 	snop;
	(pc) =	sbr.ind lr, $3  }
0x3a: {  	_ = 	snop  }
0x3b: {  	_ = 	snop  }
0x3c: {  	p2 =	seq.s32 s10, $0x1;
	s10 =	sld [smem:$0x3FB4]  }
0x3d: {  	_ =	shalt  }
0x3e: {  	_ =	shalt  }
0x3f: {  	_ =	shalt  }
0x40: {  	_ =	shalt  }
0x41: {  	_ =	shalt  }
0x42: {  	_ =	shalt  }
0x43: {  	_ =	shalt  }
0x44: {  	_ =	shalt  }
0x45: {  	_ =	shalt  }
0x46: {  	_ =	shalt  }
0x47: {  	_ =	shalt  }
0x48: {  	_ =	shalt  }
0x49: {  	_ =	shalt  }
0x4a: {  	_ =	shalt  }
0x4b: {  	_ =	shalt  }
0x4c: {  	_ =	shalt  }
0x4d: {  	_ =	shalt  }
0x4e: {  	_ =	shalt  }
0x4f: {  	_ =	shalt  }
0x50: {  	_ =	shalt  }
0x51: {  	_ =	shalt  }
0x52: {  	_ =	shalt  }
0x53: {  	_ =	shalt  }
0x54: {  	_ =	shalt  }
0x55: {  	_ =	shalt  }
0x56: {  	_ =	shalt  }
0x57: {  	_ =	shalt  }
0x58: {  	_ =	shalt  }
0x59: {  	_ =	shalt  }
0x5a: {  	_ =	shalt  }
0x5b: {  	_ =	shalt  }
0x5c: {  	_ =	shalt  }
0x5d: {  	_ =	shalt  }
0x5e: {  	_ =	shalt  }
0x5f: {  	_ =	shalt  }
0x60: {  	_ =	shalt  }
0x61: {  	_ =	shalt  }
0x62: {  	_ =	shalt  }
0x63: {  	_ =	shalt  }
0x64: {  	_ =	shalt  }
0x65: {  	_ =	shalt  }
0x66: {  	_ =	shalt  }
0x67: {  	_ =	shalt  }
0x68: {  	_ =	shalt  }
0x69: {  	_ =	shalt  }
0x6a: {  	_ =	shalt  }
0x6b: {  	_ =	shalt  }
0x6c: {  	_ =	shalt  }
0x6d: {  	_ =	shalt  }
0x6e: {  	_ =	shalt  }
0x6f: {  	_ =	shalt  }
0x70: {  	_ =	shalt  }
0x71: {  	_ =	shalt  }
0x72: {  	_ =	shalt  }
0x73: {  	_ =	shalt  }
0x74: {  	_ =	shalt  }
0x75: {  	_ =	shalt  }
0x76: {  	_ =	shalt  }
0x77: {  	_ =	shalt  }
0x78: {  	_ =	shalt  }
0x79: {  	_ =	shalt  }
0x7a: {  	_ =	shalt  }
0x7b: {  	_ =	shalt  }
0x7c: {  	_ =	shalt  }
0x7d: {  	_ =	shalt  }
0x7e: {  	_ =	shalt  }
0x7f: {  	_ =	shalt  }
0x80: {  	_ =	shalt  }
0x81: {  	_ =	shalt  }
0x82: {  	_ =	shalt  }
0x83: {  	_ =	shalt  }
0x84: {  	_ =	shalt  }
0x85: {  	_ =	shalt  }
0x86: {  	_ =	shalt  }
0x87: {  	_ =	shalt  }
.Lfunc_end0:
.L_simem_size_0:
called_computation_lowered:
.L_overlay_start_0:
0x88: {  	s2 =	sld [smem:$0x3FD9]  }
0x89: {  	s3 =	sld [smem:$0x3FFE];
	_ =	sdelay $0x1  }
0x8a: {  	s1 =	srdreg.scid  }
0x8b: {  	s0 =	sand.u32 $0x1, s1  }
0x8c: {  	s17 =	sshll.u32 s0, $0xA;
	s2 =	sadd.s32 s3, s2  }
0x8d: {  	s2 =	sadd.s32 s2, s17  }
0x8e: {  	[smem:$0x3FC0] =	sst s2  }
0x8f: {  	_ = 	snop  }
0x90: {  	s2 =	sld [smem:$0x3FD0];
	(tm) =	ssettm $0x1  }
0x91: {  	s18 =	sld [smem:$0x3FFB];
	_ =	sdelay $0x3  }
0x92: {  	_ =	strace s18  }
0x93: {  	s3 =	sld [smem:$0x3FFC];
	_ =	sdelay $0x3  }
0x94: {  	_ =	strace s3  }
0x95: {  	s3 =	sld [smem:$0x3FFD];
	_ =	sdelay $0x3  }
0x96: {  	_ =	strace s3  }
0x97: {  	_ =	strace $0x8FFFFFFF  }
0x98: {  	s19 =	sld [smem:$0x3FDB];
	_ =	sdelay $0x1  }
0x99: {  	s4 =	simm.s32 $_scs_section_size  }
0x9a: {  	s5 =	simm.s32 $_size__tile_overlayer_lowered;
	s6 =	simm.s32 $_tile_overlayer_lowered  }
0x9b: {  	s22 =	simm.s32 $0x1BFF;
	s21 =	sshll.u32 s6, $0x1;
	s3 =	sadd.s32 s4, s19  }
0x9c: {  	s7 =	simm.s32 $0x0;
	s20 =	sshll.u32 s5, $0x1;
	s5 =	sadd.s32 s21, s3  }
0x9d: {  	[timem:s7], [sflag:s22] =	dma.local [hbm:s5], s20  }
0x9e: {  	_ =	swait.ge [sflag:s22], s20  }
0x9f: {  	s4 =	ssub.s32 $0x0, s20;
	[sflag:s22] =	ssyncset.done $0x0  }
0xa0: {  	[sflag:s22] =	ssyncadd.s32 s4;
	_ =	sdelay $0x1  }
0xa1: {  	s23 =	simm.s32 $0x1B8B  }
0xa2: {  	_ =	swait.ge [sflag:s23], $0x1  }
0xa3: {  	[sflag:s23] =	ssyncset.done $0x0  }
0xa4: {  	s25 =	simm.s32 $0x1B8E;
	s24 =	sld [smem:$0x3FFE];
	[sflag:s23] =	ssyncadd.s32 $0xFFFFFFFF  }
0xa5: {  	s26 =	simm.s32 $execute0_lowered;
	[smem:$0x3FD2] =	sst s25  }
0xa6: {  	s5 =	sshll.u32 s26, $0x1;
	_ =	strace $0x80000046;
	[dreg:$0x1] =	wrdreg $0xFFFFFFFF  }
0xa7: {  	s28 =	simm.s32 $_size_execute0_lowered;
	s3 =	sadd.s32 s3, s5;
	[dreg:$0x0] =	wrdreg $0x0  }
0xa8: {  	s5 =	sshll.u32 s28, $0x1;
	[dreg:$0x2] =	wrdreg s3  }
0xa9: {  	[dreg:$0x3] =	wrdreg s5  }
0xaa: {  	[dreg:$0x4] =	wrdreg $0xC0  }
0xab: {  	_ =	task [dreg:s7], $0x5FFFF  }
0xac: {  	[dreg:$0x1] =	wrdreg $0xFFFFFFFF  }
0xad: {  	[dreg:$0x0] =	wrdreg $0x60  }
0xae: {  	[dreg:$0x2] =	wrdreg s24  }
0xaf: {  	[dreg:$0x3] =	wrdreg s2  }
0xb0: {  	[dreg:$0x4] =	wrdreg $0x0  }
0xb1: {  	[dreg:$0x5] =	wrdreg $0x9C400  }
0xb2: {  	[dreg:$0x6] =	wrdreg $0x13A400  }
0xb3: {  	[dreg:$0x7] =	wrdreg $0x9  }
0xb4: {  	_ =	task.clear_ibuf [dreg:s7], $0x8FFFF;
	_ =	strace $0x90000046  }
0xb5: {  	s29 =	simm.s32 $0x9;
	_ =	strace $0x80000048  }
0xb6: {  	_ =	swait.ge [sflag:s29], $0x1  }
0xb7: {  	[sflag:s29] =	ssyncadd.s32 $0xFFFFFFFF  }
0xb8: {  	_ =	strace $0x90000048  }
0xb9: {  	_ =	sfence  }
0xba: {  	s30 =	sld [smem:$0x0];
	_ =	sdelay $0x2  }
0xbb: {  	s31 =	sshll.u32 s1, $0xD;
	s1 =	sshrl.u32 s1, $0x2  }
0xbc: {  	s3 =	sand.u32 $0x4000, s31;
	s1 =	sadd.s32 s1, s30  }
0xbd: {  	s0 =	sor.u32 s3, s0;
	s1 =	sshll.u32 s1, $0x11  }
0xbe: {  	s0 =	sor.u32 s1, s0  }
0xbf: {  	s0 =	sadd.s32 $0x8F2B, s0  }
0xc0: {  	[sflag:s0] =	ssyncadd.remote.s32 $0x1  }
0xc1: {  	_ =	sfence.sel $0xFFFF  }
0xc2: {  	[dreg:$0x0] =	wrdreg $0xFFFFFFFF;
	(pc) =	sbr.abs _section_cstart, $3  }
0xc3: {  	[dreg:$0x1] =	wrdreg $0xFFFFFFFF  }
0xc4: {  	_ =	task.clear_ibuf [dreg:s7], $0x2FFFF;
	_ =	strace $0x9FFFFFFF  }
0xc5: {  	(tm) =	ssettm $0x7FFFFFFF  }
tec
execute0_lowered:
.L_overlay_start_1:
0x0: {  	(tag) =	ssettag $0x1  }
0x1: {  	s3 =	rddreg [dreg:$0x0]  }
0x2: {  	s5 =	rddreg [dreg:$0x1]  }
0x3: {  	s0 =	rddreg [dreg:$0x2]  }
0x4: {  	s1 =	rddreg [dreg:$0x3]  }
0x5: {  	s2 =	srdreg.scid;
	s15 =	rddreg [dreg:$0x4];
	s4 =	simm.s32 $0x0  }
0x6: {  	s18 =	simm.s32 $0x1BD40;
	s19 =	simm.s32 $0x1BDC0;
	s20 =	simm.s32 $0x1BE40  }
0x7: {  	s22 =	simm.s32 $0x1C540;
	s23 =	simm.s32 $0x1BEC0;
	s25 =	simm.s32 $0x1C5C0  }
0x8: {  	s26 =	simm.s32 $0x1BF40;
	[smem:$0x7FF] =	sst s4;
	s11 =	sadd.s32 $0x50800, s3  }
0x9: {  	s28 =	simm.s32 $0x19CC0;
	_ =	strace $0x80000047;
	[dreg:$0x1f] =	wrdreg s11  }
0xa: {  	s6 =	sand.u32 $0x1, s2;
	s2 =	stileid.u32;
	[dreg:$0x8] =	wrdreg s18  }
0xb: {  	s29 =	simm.s32 $0x2;
	s7 =	smul.u32 $0x50000, s6;
	[dreg:$0x9] =	wrdreg s19  }
0xc: {  	s30 =	simm.s32 $0x5;
	s8 =	smul.u32 $0x5000, s2;
	[dreg:$0xa] =	wrdreg s20  }
0xd: {  	s31 =	simm.s32 $0x3;
	s9 =	smul.u32 $0x13C00, s2;
	[dreg:$0xb] =	wrdreg s22  }
0xe: {  	s10 =	smul.u32 $0x13C000, s6;
	s14 =	ssub.s32 $0x2, s6;
	[dreg:$0xc] =	wrdreg s23  }
0xf: {  	s6 =	smul.u32 $0x500, s6;
	p0 =	seq.s32 s2, $0xF;
	[dreg:$0xd] =	wrdreg s25  }
0x10: {  	[dreg:$0xe] =	wrdreg s26;
	p1 =	sne.s32 s2, $0x0;
	s19 =	simm.s32 $0x1C840  }
0x11: {  	s20 =	simm.s32 $0x1C1C0;
	s22 =	simm.s32 $0x1C240;
	[dreg:$0x17] =	wrdreg s19  }
0x12: {  	s23 =	simm.s32 $0x1C940;
	s25 =	simm.s32 $0x1C9C0;
	[dreg:$0x18] =	wrdreg s20  }
0x13: {  	s26 =	simm.s32 $0x1C340;
	s12 =	sshrl.u32 s14, $0x1;
	[dreg:$0x1a] =	wrdreg s22  }
0x14: {  	s19 =	simm.s32 $0x1BCC0;
	s20 =	simm.s32 $0x1C4C0;
	[dreg:$0x1b] =	wrdreg s23  }
0x15: {  	s22 =	simm.s32 $0x13CC0;
	s23 =	simm.s32 $0x15CC0;
	[dreg:$0x1d] =	wrdreg s25  }
0x16: {  	[dreg:$0x1e] =	wrdreg s26;
	s25 =	simm.s32 $0x1;
	s7 =	sadd.s32 s8, s7  }
0x17: {  	s13 =	sshrl.u32 s9, $0x4;
	s10 =	sadd.s32 s9, s10;
	s9 =	sshrl.u32 s9, $0x1  }
0x18: {  	s11 =	ssub.s32 s14, s12;
	s5 =	sadd.s32 s5, s6;
	s6 =	simm.s32 $0x1C640  }
0x19: {  	s7 =	sshrl.u32 s7, $0x3;
	s8 =	sadd.s32 s13, s3;
	[smem:$0x7F7] =	sst s5  }
0x1a: {  	s12 =	sadd.s32 s9, s0;
	s24 =	smax.u32 s11, $0x1;
	[dreg:$0xf] =	wrdreg s6  }
0x1b: {  	s17 =	sadd.s32 s9, s1;
	s9 =	simm.s32 $0x1C6C0;
	[smem:$0x7F8] =	sst s24  }
0x1c: {  	s10 =	sshrl.u32 s10, $0x4;
	s11 =	simm.s32 $0x1C740;
	[dreg:$0x11] =	wrdreg s9  }
0x1d: {  	s7 =	sadd.s32 s7, s3;
	s13 =	sadd.s32 $0x15200, s8;
	[dreg:$0x13] =	wrdreg s11  }
0x1e: {  	s10 =	sadd.s32 s10, s3;
	s3 =	sadd.s32 $0x27A40, s3;
	[smem:$0x7F3] =	sst s13  }
0x1f: {  	s26 =	simm.s32 $0x1CCC0;
	s8 =	sadd.s32 $0x28C00, s8;
	[smem:$0x7F4] =	sst s3  }
0x20: {  	s6 =	simm.s32 $0x8;
	s24 =	simm.s32 $0x1C2C0;
	[smem:$0x7F5] =	sst s8  }
0x21: {  	s9 =	simm.s32 $0x1CAC0;
	s14 =	sadd.s32 $0x3C800, s7;
	[dreg:$0x1c] =	wrdreg s24  }
0x22: {  	s11 =	simm.s32 $0x1CB40;
	s16 =	sadd.s32 $0x1200, s7;
	[dreg:$0x6] =	wrdreg s14  }
0x23: {  	s13 =	sadd.s32 $0x94200, s0;
	s21 =	sadd.s32 $0x50E00, s10;
	[dreg:$0x7] =	wrdreg s16  }
0x24: {  	s8 =	simm.s32 $0x1BFC0;
	s10 =	simm.s32 $0x1C040;
	[smem:$0x7F6] =	sst s21  }
0x25: {  	s7 =	sshrl.u32 @!p1 s15, $0x3;
	s24 =	simm.s32 $0x17CC0;
	[dreg:$0x10] =	wrdreg s8  }
0x26: {  	s3 =	simm.s32 $0x4;
	s5 =	sshrl.u32 @p0 s13, $0x3;
	[dreg:$0x12] =	wrdreg s10  }
0x27: {  	s13 =	simm.s32 $0x1C7C0;
	s14 =	sshrl.u32 s17, $0x3;
	[smem:$0x7F9] =	sst s5  }
0x28: {  	s16 =	simm.s32 $0x1C140;
	s17 =	simm.s32 $0x9;
	[dreg:$0x15] =	wrdreg s13  }
0x29: {  	s21 =	simm.s32 $0x1C8C0;
	s10 =	simm.s32 $0x1C440;
	[dreg:$0x16] =	wrdreg s16  }
0x2a: {  	s8 =	simm.s32 $0x0;
	s5 =	sshll.u32 @!p0 s2, $0x6;
	[dreg:$0x19] =	wrdreg s21  }
0x2b: {  	s2 =	sshll.u32 s2, $0x6;
	[smem:$0x7FD] =	sst s14;
	s5 =	sor.u32 @!p0 $0x1C09, s5  }
0x2c: {  	s21 =	simm.s32 $0x80;
	s18 =	sor.u32 $0x1C09, s2;
	[smem:$0x7FA] =	sst s5  }
0x2d: {  	v0 =	vlaneseq.u32;
	s13 =	simm.s32 $0x1CC40;
	s5 =	sshrl.u32 @!p0 s12, $0x3;
	[smem:$0x7FC] =	sst s18  }
0x2e: {  	v5 =	vimm.f32 $0.0e+00;
	v6 =	vimm.f32 $1.000000000e+00;
	v1 =	vor.u32 $0x10, v0;
	s2 =	simm.s32 $0x6;
	s12 =	simm.s32 $0x1C0C0;
	[smem:$0x7FB] =	sst s5  }
0x2f: {  	v2 =	vor.u32 $0x20, v0;
	v3 =	vor.u32 $0x30, v0;
	v4 =	vor.u32 $0x40, v0;
	[dreg:$0x14] =	wrdreg s12;
	s5 =	simm.s32 $0x7;
	s12 =	simm.s32 $0x1CBC0  }
.LBB2_1:
0x30: {  	[smem:$0x7F2] =	sst s8  }
0x31: {  	s15 =	sld [smem:$0x7F4];
	s8 =	smov.u32 s7  }
0x32: {  	s7 =	smov.u32 s14;
	s14 =	smov.u32 s18;
	s18 =	sld [smem:$0x7F9]  }
0x33: {  	_ = 	snop  }
0x34: {  	s16 =	simm.s32 @p0 $0x1FC9  }
0x35: {  	[spmem:s18], [sflag:s16] =	dma.local @p0 [hbm:s15], $0x1040  }
0x36: {  	s16 =	simm.s32 @p0 $0x9  }
0x37: {  	_ =	swait.ge @p0 [sflag:s16], $0x1040  }
0x38: {  	s15 =	sld [smem:$0x7F3]  }
0x39: {  	[sflag:s16] =	ssyncset.done @p0 $0x0;
	s18 =	sld [smem:$0x7FB]  }
0x3a: {  	[sflag:s16] =	ssyncadd.s32 @p0 $0xFFFFEFC0;
	s16 =	sld [smem:$0x7FA];
	_ =	sdelay $0x2  }
0x3b: {  	[spmem:s18], [sflag:s16] =	dma.local @!p0 [hbm:s15], $0x13C0  }
0x3c: {  	s16 =	simm.s32 @!p0 $0x9  }
0x3d: {  	_ =	swait.ge @!p0 [sflag:s16], $0x13C0  }
0x3e: {  	s18 =	sld [smem:$0x7F5]  }
0x3f: {  	[sflag:s16] =	ssyncset.done @!p0 $0x0  }
0x40: {  	[sflag:s16] =	ssyncadd.s32 @!p0 $0xFFFFEC40  }
0x41: {  	[spmem:s7], [sflag:s14] =	dma.local [hbm:s18], $0x13C0  }
0x42: {  	_ =	swait.ge [sflag:s17], $0x13C0  }
0x43: {  	[sflag:s17] =	ssyncset.done $0x0  }
0x44: {  	s16 =	simm.s32 @!p1 $0x9;
	s15 =	rddreg [dreg:$0x1f];
	[sflag:s17] =	ssyncadd.s32 $0xFFFFEC40  }
0x45: {  	[spmem:s8], [sflag:s14] =	dma.local @!p1 [hbm:s15], $0x500  }
0x46: {  	_ =	swait.ge @!p1 [sflag:s16], $0x500  }
0x47: {  	[sflag:s16] =	ssyncset.done @!p1 $0x0  }
0x48: {  	[sflag:s16] =	ssyncadd.s32 @!p1 $0xFFFFFB00  }
0x49: {  	[tilespmem:$0x1F4C0] =	vst v0  }
0x4a: {  	[tilespmem:$0x1F4D0] =	vst v1  }
0x4b: {  	[tilespmem:$0x1F4E0] =	vst v2  }
0x4c: {  	[tilespmem:$0x1F4F0] =	vst v3  }
0x4d: {  	s7 =	smov.u32 s8;
	s18 =	simm.s32 $0x200;
	s16 =	simm.s32 $0x0;
	[tilespmem:$0x1F500] =	vst v4  }
.LBB2_2:
0x4e: {  	p2 =	sne.s32 s18, $0x9E00;
	[tilespmem:s16+$0x1CD30] =	vst v5  }
0x4f: {  	[tilespmem:s16+$0x1CCC0] =	vst v5  }
0x50: {  	[tilespmem:s16+$0x1CCD0] =	vst v5  }
.Ltmp0:
0x51: {  	[tilespmem:s16+$0x1CCE0] =	vst v5;
	(pc) =	sbr.rel @p2 .LBB2_2-.Ltmp0, $4  }
0x52: {  	[tilespmem:s16+$0x1CCF0] =	vst v5  }
0x53: {  	[tilespmem:s16+$0x1CD00] =	vst v5  }
0x54: {  	[tilespmem:s16+$0x1CD10] =	vst v5  }
0x55: {  	[tilespmem:s16+$0x1CD20] =	vst v5;
	s16 =	sshra.s32 s18, $0x2;
	s18 =	sadd.s32 $0x200, s18  }
0x56: {  	[tilespmem:s16+$0x1CD30] =	vst v5  }
0x57: {  	[tilespmem:s16+$0x1CCC0] =	vst v5  }
0x58: {  	[tilespmem:s16+$0x1CCD0] =	vst v5  }
0x59: {  	[tilespmem:s16+$0x1CCE0] =	vst v5  }
0x5a: {  	[tilespmem:s16+$0x1CCF0] =	vst v5  }
0x5b: {  	[tilespmem:s16+$0x1CD00] =	vst v5  }
0x5c: {  	[tilespmem:s16+$0x1CD10] =	vst v5  }
0x5d: {  	[tilespmem:s16+$0x1CD20] =	vst v5;
	s16 =	simm.s32 $0x0  }
0x5e: {  	s8 =	simm.s32 $0x1CA40;
	s14 =	simm.s32 $0x1C3C0;
	[bflag:$0x0] =	sbarrier.arrive $0xFFFF  }
.LBB2_4:
0x5f: {  	s18 =	rddreg [dreg:$0x7]  }
0x60: {  	s18 =	sadd.s32 s16, s18  }
0x61: {  	[tilespmem:s19], [sflag:$0x9] =	stream.linear.gather [hbm4b:s18+s4], $0x800, $0x38;
	[tilespmem:$0x1F510] =	vst v63  }
0x62: {  	_ =	swait.ge [sflag:s17], $0x800  }
0x63: {  	s15 =	rddreg [dreg:$0x6];
	[sflag:s17] =	ssyncset.done $0x0  }
0x64: {  	[sflag:s17] =	ssyncadd.s32 $0xFFFFF800;
	s18 =	sadd.s32 s16, s15  }
0x65: {  	[tilespmem:s20], [sflag:$0x9] =	stream.linear.gather [hbm4b:s18+s4], $0x800, $0x38;
	[tilespmem:$0x1F510] =	vst v63  }
0x66: {  	_ =	swait.ge [sflag:s17], $0x800  }
0x67: {  	[sflag:s17] =	ssyncset.done $0x0  }
0x68: {  	[sflag:s17] =	ssyncadd.s32 $0xFFFFF800  }
0x69: {  	[tilespmem:s22], [sflag:$0x1] =	stream.indirect.gather [spmem:s0], $0x40, s19, s21, $0xb8;
	[tilespmem:$0x1F510] =	vst v63  }
0x6a: {  	s18 =	rddreg [dreg:$0x8]  }
0x6b: {  	[tilespmem:s23], [sflag:$0x2] =	stream.indirect.gather [spmem:s0], $0x40, s18, s21, $0xb8;
	[tilespmem:$0x1F510] =	vst v63  }
0x6c: {  	s15 =	rddreg [dreg:$0x9]  }
0x6d: {  	[tilespmem:s24], [sflag:$0x3] =	stream.indirect.gather [spmem:s0], $0x40, s15, s21, $0xb8;
	[tilespmem:$0x1F510] =	vst v63  }
0x6e: {  	_ =	swait.ge [sflag:s25], $0x2000  }
0x6f: {  	[sflag:s25] =	ssyncset.done $0x0  }
0x70: {  	[sflag:s25] =	ssyncadd.s32 $0xFFFFE000  }
0x71: {  	[spmem:s1] =	stream.indirect.scatter.add.bf16 [tilespmem:s22], [sflag:$0x5], $0x40, s20, s21, $0xb8;
	[tilespmem:$0x1F510] =	vst v63  }
0x72: {  	v7 =	vld [tilespmem:$0x1C4C0];
	_ =	sdelay $0x7  }
0x73: {  	[tilespmem:v7+s26+$0x0] =	vst.idx.add.f32.msk $0xffff, v6  }
0x74: {  	v7 =	vld [tilespmem:$0x1C4D0];
	_ =	sdelay $0x7  }
0x75: {  	[tilespmem:v7+s26+$0x0] =	vst.idx.add.f32.msk $0xffff, v6  }
0x76: {  	v7 =	vld [tilespmem:$0x1C4E0];
	_ =	sdelay $0x7  }
0x77: {  	[tilespmem:v7+s26+$0x0] =	vst.idx.add.f32.msk $0xffff, v6  }
0x78: {  	v7 =	vld [tilespmem:$0x1C4F0];
	_ =	sdelay $0x7  }
0x79: {  	[tilespmem:v7+s26+$0x0] =	vst.idx.add.f32.msk $0xffff, v6  }
0x7a: {  	v7 =	vld [tilespmem:$0x1C500];
	_ =	sdelay $0x7  }
0x7b: {  	[tilespmem:v7+s26+$0x0] =	vst.idx.add.f32.msk $0xffff, v6  }
0x7c: {  	v7 =	vld [tilespmem:$0x1C510];
	_ =	sdelay $0x7  }
0x7d: {  	[tilespmem:v7+s26+$0x0] =	vst.idx.add.f32.msk $0xffff, v6  }
0x7e: {  	v7 =	vld [tilespmem:$0x1C520];
	_ =	sdelay $0x7  }
0x7f: {  	[tilespmem:v7+s26+$0x0] =	vst.idx.add.f32.msk $0xffff, v6  }
0x80: {  	v7 =	vld [tilespmem:$0x1C530];
	_ =	sdelay $0x7  }
0x81: {  	s18 =	rddreg [dreg:$0xa];
	[tilespmem:v7+s26+$0x0] =	vst.idx.add.f32.msk $0xffff, v6  }
0x82: {  	[tilespmem:s28], [sflag:$0x4] =	stream.indirect.gather [spmem:s0], $0x40, s18, s21, $0xb8;
	[tilespmem:$0x1F510] =	vst v63  }
0x83: {  	_ =	swait.ge [sflag:s29], $0x2000  }
0x84: {  	[sflag:s29] =	ssyncset.done $0x0  }
0x85: {  	s18 =	rddreg [dreg:$0xb];
	[sflag:s29] =	ssyncadd.s32 $0xFFFFE000  }
0x86: {  	[spmem:s1] =	stream.indirect.scatter.add.bf16 [tilespmem:s23], [sflag:$0x6], $0x40, s18, s21, $0xb8;
	[tilespmem:$0x1F510] =	vst v63  }
0x87: {  	v7 =	vld [tilespmem:$0x1C540];
	_ =	sdelay $0x7  }
0x88: {  	[tilespmem:v7+s26+$0x0] =	vst.idx.add.f32.msk $0xffff, v6  }
0x89: {  	v7 =	vld [tilespmem:$0x1C550];
	_ =	sdelay $0x7  }
0x8a: {  	[tilespmem:v7+s26+$0x0] =	vst.idx.add.f32.msk $0xffff, v6  }
0x8b: {  	v7 =	vld [tilespmem:$0x1C560];
	_ =	sdelay $0x7  }
0x8c: {  	[tilespmem:v7+s26+$0x0] =	vst.idx.add.f32.msk $0xffff, v6  }
0x8d: {  	v7 =	vld [tilespmem:$0x1C570];
	_ =	sdelay $0x7  }
0x8e: {  	[tilespmem:v7+s26+$0x0] =	vst.idx.add.f32.msk $0xffff, v6  }
0x8f: {  	v7 =	vld [tilespmem:$0x1C580];
	_ =	sdelay $0x7  }
0x90: {  	[tilespmem:v7+s26+$0x0] =	vst.idx.add.f32.msk $0xffff, v6  }
0x91: {  	v7 =	vld [tilespmem:$0x1C590];
	_ =	sdelay $0x7  }
0x92: {  	[tilespmem:v7+s26+$0x0] =	vst.idx.add.f32.msk $0xffff, v6  }
0x93: {  	v7 =	vld [tilespmem:$0x1C5A0];
	_ =	sdelay $0x7  }
0x94: {  	[tilespmem:v7+s26+$0x0] =	vst.idx.add.f32.msk $0xffff, v6  }
0x95: {  	v7 =	vld [tilespmem:$0x1C5B0];
	_ =	sdelay $0x7  }
0x96: {  	[tilespmem:v7+s26+$0x0] =	vst.idx.add.f32.msk $0xffff, v6  }
0x97: {  	_ =	swait.ge [sflag:s30], $0x2000  }
0x98: {  	[sflag:s30] =	ssyncset.done $0x0  }
0x99: {  	s18 =	rddreg [dreg:$0xc];
	[sflag:s30] =	ssyncadd.s32 $0xFFFFE000  }
0x9a: {  	[tilespmem:s22], [sflag:$0x1] =	stream.indirect.gather [spmem:s0], $0x40, s18, s21, $0xb8;
	[tilespmem:$0x1F510] =	vst v63  }
0x9b: {  	_ =	swait.ge [sflag:s31], $0x2000  }
0x9c: {  	[sflag:s31] =	ssyncset.done $0x0  }
0x9d: {  	s18 =	rddreg [dreg:$0xd];
	[sflag:s31] =	ssyncadd.s32 $0xFFFFE000  }
0x9e: {  	[spmem:s1] =	stream.indirect.scatter.add.bf16 [tilespmem:s24], [sflag:$0x7], $0x40, s18, s21, $0xb8;
	[tilespmem:$0x1F510] =	vst v63  }
0x9f: {  	v7 =	vld [tilespmem:$0x1C5C0];
	_ =	sdelay $0x7  }
0xa0: {  	[tilespmem:v7+s26+$0x0] =	vst.idx.add.f32.msk $0xffff, v6  }
0xa1: {  	v7 =	vld [tilespmem:$0x1C5D0];
	_ =	sdelay $0x7  }
0xa2: {  	[tilespmem:v7+s26+$0x0] =	vst.idx.add.f32.msk $0xffff, v6  }
0xa3: {  	v7 =	vld [tilespmem:$0x1C5E0];
	_ =	sdelay $0x7  }
0xa4: {  	[tilespmem:v7+s26+$0x0] =	vst.idx.add.f32.msk $0xffff, v6  }
0xa5: {  	v7 =	vld [tilespmem:$0x1C5F0];
	_ =	sdelay $0x7  }
0xa6: {  	[tilespmem:v7+s26+$0x0] =	vst.idx.add.f32.msk $0xffff, v6  }
0xa7: {  	v7 =	vld [tilespmem:$0x1C600];
	_ =	sdelay $0x7  }
0xa8: {  	[tilespmem:v7+s26+$0x0] =	vst.idx.add.f32.msk $0xffff, v6  }
0xa9: {  	v7 =	vld [tilespmem:$0x1C610];
	_ =	sdelay $0x7  }
0xaa: {  	[tilespmem:v7+s26+$0x0] =	vst.idx.add.f32.msk $0xffff, v6  }
0xab: {  	v7 =	vld [tilespmem:$0x1C620];
	_ =	sdelay $0x7  }
0xac: {  	[tilespmem:v7+s26+$0x0] =	vst.idx.add.f32.msk $0xffff, v6  }
0xad: {  	v7 =	vld [tilespmem:$0x1C630];
	_ =	sdelay $0x7  }
0xae: {  	[tilespmem:v7+s26+$0x0] =	vst.idx.add.f32.msk $0xffff, v6  }
0xaf: {  	_ =	swait.ge [sflag:s2], $0x2000  }
0xb0: {  	[sflag:s2] =	ssyncset.done $0x0  }
0xb1: {  	s18 =	rddreg [dreg:$0xe];
	[sflag:s2] =	ssyncadd.s32 $0xFFFFE000  }
0xb2: {  	[tilespmem:s23], [sflag:$0x2] =	stream.indirect.gather [spmem:s0], $0x40, s18, s21, $0xb8;
	[tilespmem:$0x1F510] =	vst v63  }
0xb3: {  	_ =	swait.ge [sflag:s3], $0x2000  }
0xb4: {  	[sflag:s3] =	ssyncset.done $0x0  }
0xb5: {  	s18 =	rddreg [dreg:$0xf];
	[sflag:s3] =	ssyncadd.s32 $0xFFFFE000  }
0xb6: {  	[spmem:s1] =	stream.indirect.scatter.add.bf16 [tilespmem:s28], [sflag:$0x8], $0x40, s18, s21, $0xb8;
	[tilespmem:$0x1F510] =	vst v63  }
0xb7: {  	v7 =	vld [tilespmem:$0x1C640];
	_ =	sdelay $0x7  }
0xb8: {  	[tilespmem:v7+s26+$0x0] =	vst.idx.add.f32.msk $0xffff, v6  }
0xb9: {  	v7 =	vld [tilespmem:$0x1C650];
	_ =	sdelay $0x7  }
0xba: {  	[tilespmem:v7+s26+$0x0] =	vst.idx.add.f32.msk $0xffff, v6  }
0xbb: {  	v7 =	vld [tilespmem:$0x1C660];
	_ =	sdelay $0x7  }
0xbc: {  	[tilespmem:v7+s26+$0x0] =	vst.idx.add.f32.msk $0xffff, v6  }
0xbd: {  	v7 =	vld [tilespmem:$0x1C670];
	_ =	sdelay $0x7  }
0xbe: {  	[tilespmem:v7+s26+$0x0] =	vst.idx.add.f32.msk $0xffff, v6  }
0xbf: {  	v7 =	vld [tilespmem:$0x1C680];
	_ =	sdelay $0x7  }
0xc0: {  	[tilespmem:v7+s26+$0x0] =	vst.idx.add.f32.msk $0xffff, v6  }
0xc1: {  	v7 =	vld [tilespmem:$0x1C690];
	_ =	sdelay $0x7  }
0xc2: {  	[tilespmem:v7+s26+$0x0] =	vst.idx.add.f32.msk $0xffff, v6  }
0xc3: {  	v7 =	vld [tilespmem:$0x1C6A0];
	_ =	sdelay $0x7  }
0xc4: {  	[tilespmem:v7+s26+$0x0] =	vst.idx.add.f32.msk $0xffff, v6  }
0xc5: {  	v7 =	vld [tilespmem:$0x1C6B0];
	_ =	sdelay $0x7  }
0xc6: {  	[tilespmem:v7+s26+$0x0] =	vst.idx.add.f32.msk $0xffff, v6  }
0xc7: {  	_ =	swait.ge [sflag:s5], $0x2000  }
0xc8: {  	[sflag:s5] =	ssyncset.done $0x0  }
0xc9: {  	s18 =	rddreg [dreg:$0x10];
	[sflag:s5] =	ssyncadd.s32 $0xFFFFE000  }
0xca: {  	[tilespmem:s24], [sflag:$0x3] =	stream.indirect.gather [spmem:s0], $0x40, s18, s21, $0xb8;
	[tilespmem:$0x1F510] =	vst v63  }
0xcb: {  	_ =	swait.ge [sflag:s25], $0x2000  }
0xcc: {  	[sflag:s25] =	ssyncset.done $0x0  }
0xcd: {  	s18 =	rddreg [dreg:$0x11];
	[sflag:s25] =	ssyncadd.s32 $0xFFFFE000  }
0xce: {  	[spmem:s1] =	stream.indirect.scatter.add.bf16 [tilespmem:s22], [sflag:$0x5], $0x40, s18, s21, $0xb8;
	[tilespmem:$0x1F510] =	vst v63  }
0xcf: {  	v7 =	vld [tilespmem:$0x1C6C0];
	_ =	sdelay $0x7  }
0xd0: {  	[tilespmem:v7+s26+$0x0] =	vst.idx.add.f32.msk $0xffff, v6  }
0xd1: {  	v7 =	vld [tilespmem:$0x1C6D0];
	_ =	sdelay $0x7  }
0xd2: {  	[tilespmem:v7+s26+$0x0] =	vst.idx.add.f32.msk $0xffff, v6  }
0xd3: {  	v7 =	vld [tilespmem:$0x1C6E0];
	_ =	sdelay $0x7  }
0xd4: {  	[tilespmem:v7+s26+$0x0] =	vst.idx.add.f32.msk $0xffff, v6  }
0xd5: {  	v7 =	vld [tilespmem:$0x1C6F0];
	_ =	sdelay $0x7  }
0xd6: {  	[tilespmem:v7+s26+$0x0] =	vst.idx.add.f32.msk $0xffff, v6  }
0xd7: {  	v7 =	vld [tilespmem:$0x1C700];
	_ =	sdelay $0x7  }
0xd8: {  	[tilespmem:v7+s26+$0x0] =	vst.idx.add.f32.msk $0xffff, v6  }
0xd9: {  	v7 =	vld [tilespmem:$0x1C710];
	_ =	sdelay $0x7  }
0xda: {  	[tilespmem:v7+s26+$0x0] =	vst.idx.add.f32.msk $0xffff, v6  }
0xdb: {  	v7 =	vld [tilespmem:$0x1C720];
	_ =	sdelay $0x7  }
0xdc: {  	[tilespmem:v7+s26+$0x0] =	vst.idx.add.f32.msk $0xffff, v6  }
0xdd: {  	v7 =	vld [tilespmem:$0x1C730];
	_ =	sdelay $0x7  }
0xde: {  	[tilespmem:v7+s26+$0x0] =	vst.idx.add.f32.msk $0xffff, v6  }
0xdf: {  	_ =	swait.ge [sflag:s6], $0x2000  }
0xe0: {  	[sflag:s6] =	ssyncset.done $0x0  }
0xe1: {  	s18 =	rddreg [dreg:$0x12];
	[sflag:s6] =	ssyncadd.s32 $0xFFFFE000  }
0xe2: {  	[tilespmem:s28], [sflag:$0x4] =	stream.indirect.gather [spmem:s0], $0x40, s18, s21, $0xb8;
	[tilespmem:$0x1F510] =	vst v63  }
0xe3: {  	_ =	swait.ge [sflag:s29], $0x2000  }
0xe4: {  	[sflag:s29] =	ssyncset.done $0x0  }
0xe5: {  	s18 =	rddreg [dreg:$0x13];
	[sflag:s29] =	ssyncadd.s32 $0xFFFFE000  }
0xe6: {  	[spmem:s1] =	stream.indirect.scatter.add.bf16 [tilespmem:s23], [sflag:$0x6], $0x40, s18, s21, $0xb8;
	[tilespmem:$0x1F510] =	vst v63  }
0xe7: {  	v7 =	vld [tilespmem:$0x1C740];
	_ =	sdelay $0x7  }
0xe8: {  	[tilespmem:v7+s26+$0x0] =	vst.idx.add.f32.msk $0xffff, v6  }
0xe9: {  	v7 =	vld [tilespmem:$0x1C750];
	_ =	sdelay $0x7  }
0xea: {  	[tilespmem:v7+s26+$0x0] =	vst.idx.add.f32.msk $0xffff, v6  }
0xeb: {  	v7 =	vld [tilespmem:$0x1C760];
	_ =	sdelay $0x7  }
0xec: {  	[tilespmem:v7+s26+$0x0] =	vst.idx.add.f32.msk $0xffff, v6  }
0xed: {  	v7 =	vld [tilespmem:$0x1C770];
	_ =	sdelay $0x7  }
0xee: {  	[tilespmem:v7+s26+$0x0] =	vst.idx.add.f32.msk $0xffff, v6  }
0xef: {  	v7 =	vld [tilespmem:$0x1C780];
	_ =	sdelay $0x7  }
0xf0: {  	[tilespmem:v7+s26+$0x0] =	vst.idx.add.f32.msk $0xffff, v6  }
0xf1: {  	v7 =	vld [tilespmem:$0x1C790];
	_ =	sdelay $0x7  }
0xf2: {  	[tilespmem:v7+s26+$0x0] =	vst.idx.add.f32.msk $0xffff, v6  }
0xf3: {  	v7 =	vld [tilespmem:$0x1C7A0];
	_ =	sdelay $0x7  }
0xf4: {  	[tilespmem:v7+s26+$0x0] =	vst.idx.add.f32.msk $0xffff, v6  }
0xf5: {  	v7 =	vld [tilespmem:$0x1C7B0];
	_ =	sdelay $0x7  }
0xf6: {  	[tilespmem:v7+s26+$0x0] =	vst.idx.add.f32.msk $0xffff, v6  }
0xf7: {  	_ =	swait.ge [sflag:s30], $0x2000  }
0xf8: {  	[sflag:s30] =	ssyncset.done $0x0  }
0xf9: {  	s18 =	rddreg [dreg:$0x14];
	[sflag:s30] =	ssyncadd.s32 $0xFFFFE000  }
0xfa: {  	[tilespmem:s22], [sflag:$0x1] =	stream.indirect.gather [spmem:s0], $0x40, s18, s21, $0xb8;
	[tilespmem:$0x1F510] =	vst v63  }
0xfb: {  	_ =	swait.ge [sflag:s31], $0x2000  }
0xfc: {  	[sflag:s31] =	ssyncset.done $0x0  }
0xfd: {  	s18 =	rddreg [dreg:$0x15];
	[sflag:s31] =	ssyncadd.s32 $0xFFFFE000  }
0xfe: {  	[spmem:s1] =	stream.indirect.scatter.add.bf16 [tilespmem:s24], [sflag:$0x7], $0x40, s18, s21, $0xb8;
	[tilespmem:$0x1F510] =	vst v63  }
0xff: {  	v7 =	vld [tilespmem:$0x1C7C0];
	_ =	sdelay $0x7  }
0x100: {  	[tilespmem:v7+s26+$0x0] =	vst.idx.add.f32.msk $0xffff, v6  }
0x101: {  	v7 =	vld [tilespmem:$0x1C7D0];
	_ =	sdelay $0x7  }
0x102: {  	[tilespmem:v7+s26+$0x0] =	vst.idx.add.f32.msk $0xffff, v6  }
0x103: {  	v7 =	vld [tilespmem:$0x1C7E0];
	_ =	sdelay $0x7  }
0x104: {  	[tilespmem:v7+s26+$0x0] =	vst.idx.add.f32.msk $0xffff, v6  }
0x105: {  	v7 =	vld [tilespmem:$0x1C7F0];
	_ =	sdelay $0x7  }
0x106: {  	[tilespmem:v7+s26+$0x0] =	vst.idx.add.f32.msk $0xffff, v6  }
0x107: {  	v7 =	vld [tilespmem:$0x1C800];
	_ =	sdelay $0x7  }
0x108: {  	[tilespmem:v7+s26+$0x0] =	vst.idx.add.f32.msk $0xffff, v6  }
0x109: {  	v7 =	vld [tilespmem:$0x1C810];
	_ =	sdelay $0x7  }
0x10a: {  	[tilespmem:v7+s26+$0x0] =	vst.idx.add.f32.msk $0xffff, v6  }
0x10b: {  	v7 =	vld [tilespmem:$0x1C820];
	_ =	sdelay $0x7  }
0x10c: {  	[tilespmem:v7+s26+$0x0] =	vst.idx.add.f32.msk $0xffff, v6  }
0x10d: {  	v7 =	vld [tilespmem:$0x1C830];
	_ =	sdelay $0x7  }
0x10e: {  	[tilespmem:v7+s26+$0x0] =	vst.idx.add.f32.msk $0xffff, v6  }
0x10f: {  	_ =	swait.ge [sflag:s2], $0x2000  }
0x110: {  	[sflag:s2] =	ssyncset.done $0x0  }
0x111: {  	s18 =	rddreg [dreg:$0x16];
	[sflag:s2] =	ssyncadd.s32 $0xFFFFE000  }
0x112: {  	[tilespmem:s23], [sflag:$0x2] =	stream.indirect.gather [spmem:s0], $0x40, s18, s21, $0xb8;
	[tilespmem:$0x1F510] =	vst v63  }
0x113: {  	_ =	swait.ge [sflag:s3], $0x2000  }
0x114: {  	[sflag:s3] =	ssyncset.done $0x0  }
0x115: {  	s18 =	rddreg [dreg:$0x17];
	[sflag:s3] =	ssyncadd.s32 $0xFFFFE000  }
0x116: {  	[spmem:s1] =	stream.indirect.scatter.add.bf16 [tilespmem:s28], [sflag:$0x8], $0x40, s18, s21, $0xb8;
	[tilespmem:$0x1F510] =	vst v63  }
0x117: {  	v7 =	vld [tilespmem:$0x1C840];
	_ =	sdelay $0x7  }
0x118: {  	[tilespmem:v7+s26+$0x0] =	vst.idx.add.f32.msk $0xffff, v6  }
0x119: {  	v7 =	vld [tilespmem:$0x1C850];
	_ =	sdelay $0x7  }
0x11a: {  	[tilespmem:v7+s26+$0x0] =	vst.idx.add.f32.msk $0xffff, v6  }
0x11b: {  	v7 =	vld [tilespmem:$0x1C860];
	_ =	sdelay $0x7  }
0x11c: {  	[tilespmem:v7+s26+$0x0] =	vst.idx.add.f32.msk $0xffff, v6  }
0x11d: {  	v7 =	vld [tilespmem:$0x1C870];
	_ =	sdelay $0x7  }
0x11e: {  	[tilespmem:v7+s26+$0x0] =	vst.idx.add.f32.msk $0xffff, v6  }
0x11f: {  	v7 =	vld [tilespmem:$0x1C880];
	_ =	sdelay $0x7  }
0x120: {  	[tilespmem:v7+s26+$0x0] =	vst.idx.add.f32.msk $0xffff, v6  }
0x121: {  	v7 =	vld [tilespmem:$0x1C890];
	_ =	sdelay $0x7  }
0x122: {  	[tilespmem:v7+s26+$0x0] =	vst.idx.add.f32.msk $0xffff, v6  }
0x123: {  	v7 =	vld [tilespmem:$0x1C8A0];
	_ =	sdelay $0x7  }
0x124: {  	[tilespmem:v7+s26+$0x0] =	vst.idx.add.f32.msk $0xffff, v6  }
0x125: {  	v7 =	vld [tilespmem:$0x1C8B0];
	_ =	sdelay $0x7  }
0x126: {  	[tilespmem:v7+s26+$0x0] =	vst.idx.add.f32.msk $0xffff, v6  }
0x127: {  	_ =	swait.ge [sflag:s5], $0x2000  }
0x128: {  	[sflag:s5] =	ssyncset.done $0x0  }
0x129: {  	s18 =	rddreg [dreg:$0x18];
	[sflag:s5] =	ssyncadd.s32 $0xFFFFE000  }
0x12a: {  	[tilespmem:s24], [sflag:$0x3] =	stream.indirect.gather [spmem:s0], $0x40, s18, s21, $0xb8;
	[tilespmem:$0x1F510] =	vst v63  }
0x12b: {  	_ =	swait.ge [sflag:s25], $0x2000  }
0x12c: {  	[sflag:s25] =	ssyncset.done $0x0  }
0x12d: {  	s18 =	rddreg [dreg:$0x19];
	[sflag:s25] =	ssyncadd.s32 $0xFFFFE000  }
0x12e: {  	[spmem:s1] =	stream.indirect.scatter.add.bf16 [tilespmem:s22], [sflag:$0x5], $0x40, s18, s21, $0xb8;
	[tilespmem:$0x1F510] =	vst v63  }
0x12f: {  	v7 =	vld [tilespmem:$0x1C8C0];
	_ =	sdelay $0x7  }
0x130: {  	[tilespmem:v7+s26+$0x0] =	vst.idx.add.f32.msk $0xffff, v6  }
0x131: {  	v7 =	vld [tilespmem:$0x1C8D0];
	_ =	sdelay $0x7  }
0x132: {  	[tilespmem:v7+s26+$0x0] =	vst.idx.add.f32.msk $0xffff, v6  }
0x133: {  	v7 =	vld [tilespmem:$0x1C8E0];
	_ =	sdelay $0x7  }
0x134: {  	[tilespmem:v7+s26+$0x0] =	vst.idx.add.f32.msk $0xffff, v6  }
0x135: {  	v7 =	vld [tilespmem:$0x1C8F0];
	_ =	sdelay $0x7  }
0x136: {  	[tilespmem:v7+s26+$0x0] =	vst.idx.add.f32.msk $0xffff, v6  }
0x137: {  	v7 =	vld [tilespmem:$0x1C900];
	_ =	sdelay $0x7  }
0x138: {  	[tilespmem:v7+s26+$0x0] =	vst.idx.add.f32.msk $0xffff, v6  }
0x139: {  	v7 =	vld [tilespmem:$0x1C910];
	_ =	sdelay $0x7  }
0x13a: {  	[tilespmem:v7+s26+$0x0] =	vst.idx.add.f32.msk $0xffff, v6  }
0x13b: {  	v7 =	vld [tilespmem:$0x1C920];
	_ =	sdelay $0x7  }
0x13c: {  	[tilespmem:v7+s26+$0x0] =	vst.idx.add.f32.msk $0xffff, v6  }
0x13d: {  	v7 =	vld [tilespmem:$0x1C930];
	_ =	sdelay $0x7  }
0x13e: {  	[tilespmem:v7+s26+$0x0] =	vst.idx.add.f32.msk $0xffff, v6  }
0x13f: {  	_ =	swait.ge [sflag:s6], $0x2000  }
0x140: {  	[sflag:s6] =	ssyncset.done $0x0  }
0x141: {  	s18 =	rddreg [dreg:$0x1a];
	[sflag:s6] =	ssyncadd.s32 $0xFFFFE000  }
0x142: {  	[tilespmem:s28], [sflag:$0x4] =	stream.indirect.gather [spmem:s0], $0x40, s18, s21, $0xb8;
	[tilespmem:$0x1F510] =	vst v63  }
0x143: {  	_ =	swait.ge [sflag:s29], $0x2000  }
0x144: {  	[sflag:s29] =	ssyncset.done $0x0  }
0x145: {  	s18 =	rddreg [dreg:$0x1b];
	[sflag:s29] =	ssyncadd.s32 $0xFFFFE000  }
0x146: {  	[spmem:s1] =	stream.indirect.scatter.add.bf16 [tilespmem:s23], [sflag:$0x6], $0x40, s18, s21, $0xb8;
	[tilespmem:$0x1F510] =	vst v63  }
0x147: {  	v7 =	vld [tilespmem:$0x1C940];
	_ =	sdelay $0x7  }
0x148: {  	[tilespmem:v7+s26+$0x0] =	vst.idx.add.f32.msk $0xffff, v6  }
0x149: {  	v7 =	vld [tilespmem:$0x1C950];
	_ =	sdelay $0x7  }
0x14a: {  	[tilespmem:v7+s26+$0x0] =	vst.idx.add.f32.msk $0xffff, v6  }
0x14b: {  	v7 =	vld [tilespmem:$0x1C960];
	_ =	sdelay $0x7  }
0x14c: {  	[tilespmem:v7+s26+$0x0] =	vst.idx.add.f32.msk $0xffff, v6  }
0x14d: {  	v7 =	vld [tilespmem:$0x1C970];
	_ =	sdelay $0x7  }
0x14e: {  	[tilespmem:v7+s26+$0x0] =	vst.idx.add.f32.msk $0xffff, v6  }
0x14f: {  	v7 =	vld [tilespmem:$0x1C980];
	_ =	sdelay $0x7  }
0x150: {  	[tilespmem:v7+s26+$0x0] =	vst.idx.add.f32.msk $0xffff, v6  }
0x151: {  	v7 =	vld [tilespmem:$0x1C990];
	_ =	sdelay $0x7  }
0x152: {  	[tilespmem:v7+s26+$0x0] =	vst.idx.add.f32.msk $0xffff, v6  }
0x153: {  	v7 =	vld [tilespmem:$0x1C9A0];
	_ =	sdelay $0x7  }
0x154: {  	[tilespmem:v7+s26+$0x0] =	vst.idx.add.f32.msk $0xffff, v6  }
0x155: {  	v7 =	vld [tilespmem:$0x1C9B0];
	_ =	sdelay $0x7  }
0x156: {  	[tilespmem:v7+s26+$0x0] =	vst.idx.add.f32.msk $0xffff, v6  }
0x157: {  	_ =	swait.ge [sflag:s30], $0x2000  }
0x158: {  	[sflag:s30] =	ssyncset.done $0x0  }
0x159: {  	s18 =	rddreg [dreg:$0x1c];
	[sflag:s30] =	ssyncadd.s32 $0xFFFFE000  }
0x15a: {  	[tilespmem:s22], [sflag:$0x1] =	stream.indirect.gather [spmem:s0], $0x40, s18, s21, $0xb8;
	[tilespmem:$0x1F510] =	vst v63  }
0x15b: {  	_ =	swait.ge [sflag:s31], $0x2000  }
0x15c: {  	[sflag:s31] =	ssyncset.done $0x0  }
0x15d: {  	s18 =	rddreg [dreg:$0x1d];
	[sflag:s31] =	ssyncadd.s32 $0xFFFFE000  }
0x15e: {  	[spmem:s1] =	stream.indirect.scatter.add.bf16 [tilespmem:s24], [sflag:$0x7], $0x40, s18, s21, $0xb8;
	[tilespmem:$0x1F510] =	vst v63  }
0x15f: {  	v7 =	vld [tilespmem:$0x1C9C0];
	_ =	sdelay $0x7  }
0x160: {  	[tilespmem:v7+s26+$0x0] =	vst.idx.add.f32.msk $0xffff, v6  }
0x161: {  	v7 =	vld [tilespmem:$0x1C9D0];
	_ =	sdelay $0x7  }
0x162: {  	[tilespmem:v7+s26+$0x0] =	vst.idx.add.f32.msk $0xffff, v6  }
0x163: {  	v7 =	vld [tilespmem:$0x1C9E0];
	_ =	sdelay $0x7  }
0x164: {  	[tilespmem:v7+s26+$0x0] =	vst.idx.add.f32.msk $0xffff, v6  }
0x165: {  	v7 =	vld [tilespmem:$0x1C9F0];
	_ =	sdelay $0x7  }
0x166: {  	[tilespmem:v7+s26+$0x0] =	vst.idx.add.f32.msk $0xffff, v6  }
0x167: {  	v7 =	vld [tilespmem:$0x1CA00];
	_ =	sdelay $0x7  }
0x168: {  	[tilespmem:v7+s26+$0x0] =	vst.idx.add.f32.msk $0xffff, v6  }
0x169: {  	v7 =	vld [tilespmem:$0x1CA10];
	_ =	sdelay $0x7  }
0x16a: {  	[tilespmem:v7+s26+$0x0] =	vst.idx.add.f32.msk $0xffff, v6  }
0x16b: {  	v7 =	vld [tilespmem:$0x1CA20];
	_ =	sdelay $0x7  }
0x16c: {  	[tilespmem:v7+s26+$0x0] =	vst.idx.add.f32.msk $0xffff, v6  }
0x16d: {  	v7 =	vld [tilespmem:$0x1CA30];
	_ =	sdelay $0x7  }
0x16e: {  	[tilespmem:v7+s26+$0x0] =	vst.idx.add.f32.msk $0xffff, v6  }
0x16f: {  	_ =	swait.ge [sflag:s2], $0x2000  }
0x170: {  	[sflag:s2] =	ssyncset.done $0x0  }
0x171: {  	s18 =	rddreg [dreg:$0x1e];
	[sflag:s2] =	ssyncadd.s32 $0xFFFFE000  }
0x172: {  	[tilespmem:s23], [sflag:$0x2] =	stream.indirect.gather [spmem:s0], $0x40, s18, s21, $0xb8;
	[tilespmem:$0x1F510] =	vst v63  }
0x173: {  	_ =	swait.ge [sflag:s3], $0x2000  }
0x174: {  	[sflag:s3] =	ssyncset.done $0x0  }
0x175: {  	[sflag:s3] =	ssyncadd.s32 $0xFFFFE000  }
0x176: {  	[spmem:s1] =	stream.indirect.scatter.add.bf16 [tilespmem:s28], [sflag:$0x8], $0x40, s8, s21, $0xb8;
	[tilespmem:$0x1F510] =	vst v63  }
0x177: {  	v7 =	vld [tilespmem:$0x1CA40];
	_ =	sdelay $0x7  }
0x178: {  	[tilespmem:v7+s26+$0x0] =	vst.idx.add.f32.msk $0xffff, v6  }
0x179: {  	v7 =	vld [tilespmem:$0x1CA50];
	_ =	sdelay $0x7  }
0x17a: {  	[tilespmem:v7+s26+$0x0] =	vst.idx.add.f32.msk $0xffff, v6  }
0x17b: {  	v7 =	vld [tilespmem:$0x1CA60];
	_ =	sdelay $0x7  }
0x17c: {  	[tilespmem:v7+s26+$0x0] =	vst.idx.add.f32.msk $0xffff, v6  }
0x17d: {  	v7 =	vld [tilespmem:$0x1CA70];
	_ =	sdelay $0x7  }
0x17e: {  	[tilespmem:v7+s26+$0x0] =	vst.idx.add.f32.msk $0xffff, v6  }
0x17f: {  	v7 =	vld [tilespmem:$0x1CA80];
	_ =	sdelay $0x7  }
0x180: {  	[tilespmem:v7+s26+$0x0] =	vst.idx.add.f32.msk $0xffff, v6  }
0x181: {  	v7 =	vld [tilespmem:$0x1CA90];
	_ =	sdelay $0x7  }
0x182: {  	[tilespmem:v7+s26+$0x0] =	vst.idx.add.f32.msk $0xffff, v6  }
0x183: {  	v7 =	vld [tilespmem:$0x1CAA0];
	_ =	sdelay $0x7  }
0x184: {  	[tilespmem:v7+s26+$0x0] =	vst.idx.add.f32.msk $0xffff, v6  }
0x185: {  	v7 =	vld [tilespmem:$0x1CAB0];
	_ =	sdelay $0x7  }
0x186: {  	[tilespmem:v7+s26+$0x0] =	vst.idx.add.f32.msk $0xffff, v6  }
0x187: {  	_ =	swait.ge [sflag:s5], $0x2000  }
0x188: {  	[sflag:s5] =	ssyncset.done $0x0  }
0x189: {  	[sflag:s5] =	ssyncadd.s32 $0xFFFFE000  }
0x18a: {  	[tilespmem:s24], [sflag:$0x3] =	stream.indirect.gather [spmem:s0], $0x40, s14, s21, $0xb8;
	[tilespmem:$0x1F510] =	vst v63  }
0x18b: {  	_ =	swait.ge [sflag:s25], $0x2000  }
0x18c: {  	[sflag:s25] =	ssyncset.done $0x0  }
0x18d: {  	[sflag:s25] =	ssyncadd.s32 $0xFFFFE000  }
0x18e: {  	[spmem:s1] =	stream.indirect.scatter.add.bf16 [tilespmem:s22], [sflag:$0x5], $0x40, s9, s21, $0xb8;
	[tilespmem:$0x1F510] =	vst v63  }
0x18f: {  	v7 =	vld [tilespmem:$0x1CAC0];
	_ =	sdelay $0x7  }
0x190: {  	[tilespmem:v7+s26+$0x0] =	vst.idx.add.f32.msk $0xffff, v6  }
0x191: {  	v7 =	vld [tilespmem:$0x1CAD0];
	_ =	sdelay $0x7  }
0x192: {  	[tilespmem:v7+s26+$0x0] =	vst.idx.add.f32.msk $0xffff, v6  }
0x193: {  	v7 =	vld [tilespmem:$0x1CAE0];
	_ =	sdelay $0x7  }
0x194: {  	[tilespmem:v7+s26+$0x0] =	vst.idx.add.f32.msk $0xffff, v6  }
0x195: {  	v7 =	vld [tilespmem:$0x1CAF0];
	_ =	sdelay $0x7  }
0x196: {  	[tilespmem:v7+s26+$0x0] =	vst.idx.add.f32.msk $0xffff, v6  }
0x197: {  	v7 =	vld [tilespmem:$0x1CB00];
	_ =	sdelay $0x7  }
0x198: {  	[tilespmem:v7+s26+$0x0] =	vst.idx.add.f32.msk $0xffff, v6  }
0x199: {  	v7 =	vld [tilespmem:$0x1CB10];
	_ =	sdelay $0x7  }
0x19a: {  	[tilespmem:v7+s26+$0x0] =	vst.idx.add.f32.msk $0xffff, v6  }
0x19b: {  	v7 =	vld [tilespmem:$0x1CB20];
	_ =	sdelay $0x7  }
0x19c: {  	[tilespmem:v7+s26+$0x0] =	vst.idx.add.f32.msk $0xffff, v6  }
0x19d: {  	v7 =	vld [tilespmem:$0x1CB30];
	_ =	sdelay $0x7  }
0x19e: {  	[tilespmem:v7+s26+$0x0] =	vst.idx.add.f32.msk $0xffff, v6  }
0x19f: {  	_ =	swait.ge [sflag:s6], $0x2000  }
0x1a0: {  	[sflag:s6] =	ssyncset.done $0x0  }
0x1a1: {  	[sflag:s6] =	ssyncadd.s32 $0xFFFFE000  }
0x1a2: {  	[tilespmem:s28], [sflag:$0x4] =	stream.indirect.gather [spmem:s0], $0x40, s10, s21, $0xb8;
	[tilespmem:$0x1F510] =	vst v63  }
0x1a3: {  	_ =	swait.ge [sflag:s29], $0x2000  }
0x1a4: {  	[sflag:s29] =	ssyncset.done $0x0  }
0x1a5: {  	[sflag:s29] =	ssyncadd.s32 $0xFFFFE000  }
0x1a6: {  	[spmem:s1] =	stream.indirect.scatter.add.bf16 [tilespmem:s23], [sflag:$0x6], $0x40, s11, s21, $0xb8;
	[tilespmem:$0x1F510] =	vst v63  }
0x1a7: {  	v7 =	vld [tilespmem:$0x1CB40];
	_ =	sdelay $0x7  }
0x1a8: {  	[tilespmem:v7+s26+$0x0] =	vst.idx.add.f32.msk $0xffff, v6  }
0x1a9: {  	v7 =	vld [tilespmem:$0x1CB50];
	_ =	sdelay $0x7  }
0x1aa: {  	[tilespmem:v7+s26+$0x0] =	vst.idx.add.f32.msk $0xffff, v6  }
0x1ab: {  	v7 =	vld [tilespmem:$0x1CB60];
	_ =	sdelay $0x7  }
0x1ac: {  	[tilespmem:v7+s26+$0x0] =	vst.idx.add.f32.msk $0xffff, v6  }
0x1ad: {  	v7 =	vld [tilespmem:$0x1CB70];
	_ =	sdelay $0x7  }
0x1ae: {  	[tilespmem:v7+s26+$0x0] =	vst.idx.add.f32.msk $0xffff, v6  }
0x1af: {  	v7 =	vld [tilespmem:$0x1CB80];
	_ =	sdelay $0x7  }
0x1b0: {  	[tilespmem:v7+s26+$0x0] =	vst.idx.add.f32.msk $0xffff, v6  }
0x1b1: {  	v7 =	vld [tilespmem:$0x1CB90];
	_ =	sdelay $0x7  }
0x1b2: {  	[tilespmem:v7+s26+$0x0] =	vst.idx.add.f32.msk $0xffff, v6  }
0x1b3: {  	v7 =	vld [tilespmem:$0x1CBA0];
	_ =	sdelay $0x7  }
0x1b4: {  	[tilespmem:v7+s26+$0x0] =	vst.idx.add.f32.msk $0xffff, v6  }
0x1b5: {  	v7 =	vld [tilespmem:$0x1CBB0];
	_ =	sdelay $0x7  }
0x1b6: {  	[tilespmem:v7+s26+$0x0] =	vst.idx.add.f32.msk $0xffff, v6  }
0x1b7: {  	_ =	swait.ge [sflag:s31], $0x2000  }
0x1b8: {  	[sflag:s31] =	ssyncset.done $0x0  }
0x1b9: {  	[sflag:s31] =	ssyncadd.s32 $0xFFFFE000  }
0x1ba: {  	[spmem:s1] =	stream.indirect.scatter.add.bf16 [tilespmem:s24], [sflag:$0x7], $0x40, s12, s21, $0xb8;
	[tilespmem:$0x1F510] =	vst v63  }
0x1bb: {  	v7 =	vld [tilespmem:$0x1CBC0];
	_ =	sdelay $0x7  }
0x1bc: {  	[tilespmem:v7+s26+$0x0] =	vst.idx.add.f32.msk $0xffff, v6  }
0x1bd: {  	v7 =	vld [tilespmem:$0x1CBD0];
	_ =	sdelay $0x7  }
0x1be: {  	[tilespmem:v7+s26+$0x0] =	vst.idx.add.f32.msk $0xffff, v6  }
0x1bf: {  	v7 =	vld [tilespmem:$0x1CBE0];
	_ =	sdelay $0x7  }
0x1c0: {  	[tilespmem:v7+s26+$0x0] =	vst.idx.add.f32.msk $0xffff, v6  }
0x1c1: {  	v7 =	vld [tilespmem:$0x1CBF0];
	_ =	sdelay $0x7  }
0x1c2: {  	[tilespmem:v7+s26+$0x0] =	vst.idx.add.f32.msk $0xffff, v6  }
0x1c3: {  	v7 =	vld [tilespmem:$0x1CC00];
	_ =	sdelay $0x7  }
0x1c4: {  	[tilespmem:v7+s26+$0x0] =	vst.idx.add.f32.msk $0xffff, v6  }
0x1c5: {  	v7 =	vld [tilespmem:$0x1CC10];
	_ =	sdelay $0x7  }
0x1c6: {  	[tilespmem:v7+s26+$0x0] =	vst.idx.add.f32.msk $0xffff, v6  }
0x1c7: {  	v7 =	vld [tilespmem:$0x1CC20];
	_ =	sdelay $0x7  }
0x1c8: {  	[tilespmem:v7+s26+$0x0] =	vst.idx.add.f32.msk $0xffff, v6  }
0x1c9: {  	v7 =	vld [tilespmem:$0x1CC30];
	_ =	sdelay $0x7  }
0x1ca: {  	[tilespmem:v7+s26+$0x0] =	vst.idx.add.f32.msk $0xffff, v6  }
0x1cb: {  	_ =	swait.ge [sflag:s3], $0x2000  }
0x1cc: {  	[sflag:s3] =	ssyncset.done $0x0  }
0x1cd: {  	[sflag:s3] =	ssyncadd.s32 $0xFFFFE000  }
0x1ce: {  	[spmem:s1] =	stream.indirect.scatter.add.bf16 [tilespmem:s28], [sflag:$0x8], $0x40, s13, s21, $0xb8;
	[tilespmem:$0x1F510] =	vst v63  }
0x1cf: {  	v7 =	vld [tilespmem:$0x1CC40];
	_ =	sdelay $0x7  }
0x1d0: {  	[tilespmem:v7+s26+$0x0] =	vst.idx.add.f32.msk $0xffff, v6  }
0x1d1: {  	v7 =	vld [tilespmem:$0x1CC50];
	_ =	sdelay $0x7  }
0x1d2: {  	[tilespmem:v7+s26+$0x0] =	vst.idx.add.f32.msk $0xffff, v6  }
0x1d3: {  	v7 =	vld [tilespmem:$0x1CC60];
	_ =	sdelay $0x7  }
0x1d4: {  	[tilespmem:v7+s26+$0x0] =	vst.idx.add.f32.msk $0xffff, v6  }
0x1d5: {  	v7 =	vld [tilespmem:$0x1CC70];
	_ =	sdelay $0x7  }
0x1d6: {  	[tilespmem:v7+s26+$0x0] =	vst.idx.add.f32.msk $0xffff, v6  }
0x1d7: {  	v7 =	vld [tilespmem:$0x1CC80];
	_ =	sdelay $0x7  }
0x1d8: {  	[tilespmem:v7+s26+$0x0] =	vst.idx.add.f32.msk $0xffff, v6  }
0x1d9: {  	v7 =	vld [tilespmem:$0x1CC90];
	_ =	sdelay $0x7  }
0x1da: {  	[tilespmem:v7+s26+$0x0] =	vst.idx.add.f32.msk $0xffff, v6  }
0x1db: {  	v7 =	vld [tilespmem:$0x1CCA0];
	_ =	sdelay $0x7  }
0x1dc: {  	[tilespmem:v7+s26+$0x0] =	vst.idx.add.f32.msk $0xffff, v6  }
0x1dd: {  	v7 =	vld [tilespmem:$0x1CCB0];
	_ =	sdelay $0x7  }
0x1de: {  	[tilespmem:v7+s26+$0x0] =	vst.idx.add.f32.msk $0xffff, v6  }
0x1df: {  	_ =	swait.ge [sflag:s30], $0x2000  }
0x1e0: {  	[sflag:s30] =	ssyncset.done $0x0  }
0x1e1: {  	[sflag:s30] =	ssyncadd.s32 $0xFFFFE000  }
0x1e2: {  	_ =	swait.ge [sflag:s2], $0x2000  }
0x1e3: {  	[sflag:s2] =	ssyncset.done $0x0  }
0x1e4: {  	[sflag:s2] =	ssyncadd.s32 $0xFFFFE000  }
0x1e5: {  	p2 =	sne.s32 s16, $0x900;
	_ =	swait.ge [sflag:s5], $0x2000  }
.Ltmp1:
0x1e6: {  	[sflag:s5] =	ssyncset.done $0x0;
	(pc) =	sbr.rel @p2 .LBB2_4-.Ltmp1, $4  }
0x1e7: {  	[sflag:s5] =	ssyncadd.s32 $0xFFFFE000  }
0x1e8: {  	_ =	swait.ge [sflag:s6], $0x2000  }
0x1e9: {  	[sflag:s6] =	ssyncset.done $0x0  }
0x1ea: {  	s16 =	sadd.s32 $0x100, s16;
	[sflag:s6] =	ssyncadd.s32 $0xFFFFE000  }
0x1eb: {  	s15 =	rddreg [dreg:$0x4];
	s8 =	simm.s32 $0x50;
	s14 =	simm.s32 $0x1F4C0  }
0x1ec: {  	[spmem:s15] =	stream.indirect.scatter.add.f32 [tilespmem:s26], [sflag:$0x9], $0x80, s14, s8, $0xb8;
	[tilespmem:$0x1F510] =	vst v63  }
0x1ed: {  	_ =	swait.ge [sflag:s17], $0x2800  }
0x1ee: {  	[sflag:s17] =	ssyncset.done $0x0  }
0x1ef: {  	[sflag:s17] =	ssyncadd.s32 $0xFFFFD800  }
0x1f0: {  	[bflag:$0x0] =	sbarrier.arrive $0xFFFF  }
0x1f1: {  	s8 =	sld [smem:$0x7F6]  }
0x1f2: {  	s18 =	sld [smem:$0x7FC]  }
0x1f3: {  	s14 =	sld [smem:$0x7FD];
	_ =	sdelay $0x2  }
0x1f4: {  	[hbm:s8], [sflag:s18] =	dma.local [spmem:s14], $0x13C0  }
0x1f5: {  	_ =	swait.ge [sflag:s17], $0x13C0  }
0x1f6: {  	s15 =	sld [smem:$0x7F7]  }
0x1f7: {  	[sflag:s17] =	ssyncset.done $0x0  }
0x1f8: {  	[sflag:s17] =	ssyncadd.s32 $0xFFFFEC40  }
0x1f9: {  	[hbm:s15], [sflag:s18] =	dma.local @!p1 [spmem:s7], $0x500  }
0x1fa: {  	s15 =	simm.s32 @!p1 $0x9  }
0x1fb: {  	_ =	swait.ge @!p1 [sflag:s15], $0x500  }
0x1fc: {  	s16 =	sld [smem:$0x7F2];
	_ =	sdelay $0x2  }
0x1fd: {  	s8 =	sadd.s32 $0x1, s16;
	s16 =	sld [smem:$0x7F8];
	_ =	sdelay $0x2  }
0x1fe: {  	p2 =	sne.s32 s8, s16  }
.Ltmp2:
0x1ff: {  	_ = 	snop;
	(pc) =	sbr.rel @p2 .LBB2_1-.Ltmp2, $3  }
0x200: {  	_ =	sdelay $0x1  }
0x201: {  	[sflag:s15] =	ssyncset.done @!p1 $0x0  }
0x202: {  	[sflag:s15] =	ssyncadd.s32 @!p1 $0xFFFFFB00  }
0x203: {  	_ =	sfence.sel $0x180000  }
0x204: {  	[bflag:$0x0] =	sbarrier.arrive $0xFFFF  }
0x205: {  	_ =	strace $0x90000047  }
0x206: {  	[bflag:$0x2] =	sbarrier.arrive $0xFFFF  }
0x207: {  	s0 =	rddreg [dreg:$0x5]  }
0x208: {  	s0 =	sadd.s32 @!p1 $0x100000, s0  }
0x209: {  	[sflag:s0] =	ssyncadd.tile.s32 @!p1 $0x1;
	_ =	shalt  }
.Lfunc_end2:
_tile_overlayer_lowered:
.L_overlay_start_2:
0x20a: {  	(tag) =	ssettag $0x2  }
0x20b: {  	s0 =	rddreg [dreg:$0x0];
	s2 =	stileid.u32  }
0x20c: {  	s1 =	rddreg [dreg:$0x1];
	p0 =	sne.s32 s2, $0x0  }
0x20d: {  	s3 =	rddreg [dreg:$0x2];
	[bflag:$0x3] =	sbarrier.arrive $0xFFFF;
	s2 =	simm.s32 @!p0 $0x1C09  }
0x20e: {  	[timem:s3], [sflag:s2] =	dma.local @!p0 [hbm:s0], s1  }
0x20f: {  	s0 =	simm.s32 @!p0 $0x9  }
0x210: {  	_ =	swait.ge @!p0 [sflag:s0], s1  }
0x211: {  	s1 =	ssub.s32 @!p0 $0x0, s1;
	[sflag:s0] =	ssyncset.done @!p0 $0x0  }
0x212: {  	[sflag:s0] =	ssyncadd.s32 @!p0 s1  }
0x213: {  	[bflag:$0x3] =	sbarrier.arrive $0xFFFF  }
0x214: {  	_ =	shalt  }

</sc_bundles>
